<compile_context>
chip_gen: v7x
topology: tpu7x:2x2x1
jax: 0.10.2.dev20260603
libtpu: 0.0.44.dev20260713+nightly
codegen_flags: <defaults>
</compile_context>

<pallas_src>
import functools

import jax
import jax.numpy as jnp
from jax import lax
from jax.experimental import pallas as pl
from jax.experimental.pallas import tpu as pltpu
from jax.experimental.pallas import tpu_sc as plsc

_MAX_NORM = 2.0

_L = 16
_NC = 2
_NS = 16
_NW = _NC * _NS
_B = 16384
_BPW = _B // _NW
_CD = 16
_FD = 48
_OD = _CD + _FD
_CH = 16
_NCHUNK = _BPW // _CH
_GPC = _CH // _L

_CV = 100000
_FV = 1000000
_CT_ROWS = _CV * _CD // 128


def _rsqrt_newton(x):
    i = lax.bitcast_convert_type(x, jnp.int32)
    i = jnp.int32(0x5F3759DF) - lax.shift_right_logical(i, 1)
    y = lax.bitcast_convert_type(i, jnp.float32)
    for _ in range(3):
        y = y * (1.5 - 0.5 * x * y * y)
    return y


def _scale_from_ss(ss):
    return jnp.minimum(1.0, _MAX_NORM * _rsqrt_newton(jnp.maximum(ss, 1e-14)))


def _make_sc_kernel():
    mesh = plsc.VectorSubcoreMesh(core_axis_name="c", subcore_axis_name="s")

    @functools.partial(
        pl.kernel,
        mesh=mesh,
        out_type=jax.ShapeDtypeStruct((_B * _OD,), jnp.float32),
        compiler_params=pltpu.CompilerParams(needs_layout_passes=False),
        scratch_types=[
            pltpu.VMEM((_BPW,), jnp.int32),
            pltpu.VMEM((_BPW,), jnp.int32),
            pltpu.VMEM((_BPW,), jnp.int32),
            pltpu.VMEM((_CH, 128), jnp.float32),
            pltpu.VMEM((_CH, _FD, 128), jnp.float32),
            pltpu.VMEM((_CH * _OD,), jnp.float32),
            pltpu.SemaphoreType.DMA,
            pltpu.SemaphoreType.DMA,
        ],
    )
    def run(ct_hbm, ft_hbm, ci_hbm, fi_hbm, out_hbm,
            cidx_v, fidx_v, cblk_v, cbuf_v, fbuf_v, ostage_v, csem, fsem):
        wid = lax.axis_index("s") * _NC + lax.axis_index("c")
        base = wid * _BPW

        pltpu.sync_copy(ci_hbm.at[pl.ds(base, _BPW)], cidx_v)
        pltpu.sync_copy(fi_hbm.at[pl.ds(base, _BPW)], fidx_v)

        def blk_body(i, carry):
            civ = cidx_v[pl.ds(i * _L, _L)]
            cblk_v[pl.ds(i * _L, _L)] = lax.shift_right_logical(civ, 3)
            return carry

        lax.fori_loop(0, _BPW // _L, blk_body, 0)

        lanes = lax.iota(jnp.int32, _L)

        def chunk_body(c, carry):
            c0 = c * _CH

            ccopy = pltpu.async_copy(
                ct_hbm.at[cblk_v.at[pl.ds(c0, _CH)]], cbuf_v, csem)

            fiv_issue = fidx_v[pl.ds(c0, _L)]
            for k in range(_L):
                col128 = pl.multiple_of(
                    lax.shift_left(lax.shift_right_logical(fiv_issue[k], 7), 7),
                    128)
                pltpu.async_copy(
                    ft_hbm.at[:, pl.ds(col128, 128)], fbuf_v.at[k], fsem)

            ccopy.wait()

            def drain_body(k, carry):
                pltpu.make_async_copy(
                    ft_hbm.at[:, pl.ds(0, 128)], fbuf_v.at[k], fsem).wait()
                return carry

            lax.fori_loop(0, _CH, drain_body, 0)

            rows16 = lanes
            civ = cidx_v[pl.ds(c0, _L)]
            fiv = fidx_v[pl.ds(c0, _L)]
            ccol0 = lax.shift_left(jnp.bitwise_and(civ, 7), 4)
            fcol = jnp.bitwise_and(fiv, 127)

            css = jnp.zeros((_L,), jnp.float32)
            for j in range(_CD):
                v = plsc.load_gather(cbuf_v, [rows16, ccol0 + j])
                css = css + v * v
            fss = jnp.zeros((_L,), jnp.float32)
            for d in range(_FD):
                v = plsc.load_gather(
                    fbuf_v, [rows16, jnp.full((_L,), d, jnp.int32), fcol])
                fss = fss + v * v

            cscale = _scale_from_ss(css)
            fscale = _scale_from_ss(fss)

            obase = rows16 * _OD
            for j in range(_CD):
                v = plsc.load_gather(cbuf_v, [rows16, ccol0 + j])
                plsc.store_scatter(ostage_v, [obase + j], v * cscale)
            for d in range(_FD):
                v = plsc.load_gather(
                    fbuf_v, [rows16, jnp.full((_L,), d, jnp.int32), fcol])
                plsc.store_scatter(ostage_v, [obase + _CD + d], v * fscale)

            pltpu.sync_copy(
                ostage_v, out_hbm.at[pl.ds((base + c0) * _OD, _CH * _OD)])
            return carry

        lax.fori_loop(0, _NCHUNK, chunk_body, 0)

    return run


_sc_kernel = _make_sc_kernel()


@jax.jit
def kernel(class_table, function_table, class_indices, function_indices):
    ci = class_indices.astype(jnp.int32)
    fi = function_indices.astype(jnp.int32)
    ct128 = class_table.reshape(_CT_ROWS, 128)
    ftT = function_table.T
    flat = _sc_kernel(ct128, ftT, ci, fi)
    return flat.reshape(_B, _OD)

# --- scband reference (transcript-rebuilt; emitter-appended) ---
"""Pipeline reference for scband-imported-function-embedding-46411416600951 (READ-ONLY COPY).

The authoritative reference and input builder live on the scoring server;
editing this copy changes nothing except your own understanding.
"""

import jax, jax.numpy as jnp
import numpy as np

MAX_NORM = 2.0


def _renorm_lookup(table, idx, max_norm=MAX_NORM):
    # Faithful to nn.Embedding(max_norm=2.0): rows are renormalized to norm <= max_norm
    # before lookup. Equivalent per-row scaling applied to the gathered rows.
    emb = jnp.take(table, idx, axis=0)
    norms = jnp.linalg.norm(emb, axis=-1, keepdims=True)
    scale = jnp.minimum(1.0, max_norm / jnp.maximum(norms, 1e-7))
    return emb * scale


def setup_inputs(seed: int = 0) -> dict:
    key = jax.random.key(seed)
    k1, k2, k3, k4 = jax.random.split(key, 4)
    batch = 16384
    max_classes = 100000
    max_functions = 1000000
    class_dim = 16   # int(0.25 * 64)
    function_dim = 48  # 64 - 16
    class_table = jax.random.normal(k1, (max_classes, class_dim), dtype=jnp.float32)
    function_table = jax.random.normal(k2, (max_functions, function_dim), dtype=jnp.float32)
    # padding_idx = vocab_size - 1 rows are zero (as in nn.Embedding(padding_idx=...))
    class_table = class_table.at[max_classes - 1].set(0.0)
    function_table = function_table.at[max_functions - 1].set(0.0)
    class_indices = jax.random.randint(k3, (batch,), 0, max_classes, dtype=jnp.int64 if jax.config.jax_enable_x64 else jnp.int32)
    function_indices = jax.random.randint(k4, (batch,), 0, max_functions, dtype=jnp.int64 if jax.config.jax_enable_x64 else jnp.int32)
    return {
        "class_table": class_table,
        "function_table": function_table,
        "class_indices": class_indices,
        "function_indices": function_indices,
    }


def reference(class_table, function_table, class_indices, function_indices):
    emb_class = _renorm_lookup(class_table, class_indices)
    emb_funcs = _renorm_lookup(function_table, function_indices)
    return jnp.concatenate([emb_class, emb_funcs], axis=-1)

if __name__ == "__main__":
    import jax
    _d = setup_inputs()
    print(jax.jit(kernel)(*tuple(_d.values())))

</pallas_src>

<mosaic_0001>
#map = affine_map<(d0, d1) -> (0, 0)>
#map1 = affine_map<(d0, d1) -> (0)>
module attributes {stable_mosaic.version = 14 : i64} {
  func.func @run(%arg0: i32, %arg1: i32, %arg2: memref<12500x128xf32, #tpu.memory_space<hbm>>, %arg3: memref<48x1000000xf32, #tpu.memory_space<hbm>>, %arg4: memref<16384xi32, #tpu.memory_space<hbm>>, %arg5: memref<16384xi32, #tpu.memory_space<hbm>>, %arg6: memref<1048576xf32, #tpu.memory_space<hbm>>, %arg7: memref<512xi32, #tpu.memory_space<vmem>>, %arg8: memref<512xi32, #tpu.memory_space<vmem>>, %arg9: memref<512xi32, #tpu.memory_space<vmem>>, %arg10: memref<16x128xf32, #tpu.memory_space<vmem>>, %arg11: memref<16x48x128xf32, #tpu.memory_space<vmem>>, %arg12: memref<1024xf32, #tpu.memory_space<vmem>>, %arg13: memref<!tpu.dma_semaphore, #tpu.memory_space<semaphore_mem>>, %arg14: memref<!tpu.dma_semaphore, #tpu.memory_space<semaphore_mem>>) attributes {dimension_semantics = [#tpu.dimension_semantics<core_parallel>, #tpu.dimension_semantics<subcore_parallel>], iteration_bounds = array<i64: 2, 16>, scalar_prefetch = 0 : i64, scratch_operands = 8 : i64, tpu.core_type = #tpu.core_type<sc_vector_subcore>, window_params = [{transform_indices = #map}, {transform_indices = #map}, {transform_indices = #map1}, {transform_indices = #map1}, {transform_indices = #map1}]} {
    %mul3A = arith.constant 2 : i32
    %mul3A_0 = arith.muli %arg1, %mul3A : i32
    %add3A = arith.addi %mul3A_0, %arg0 : i32
    %mul3A_1 = arith.constant 512 : i32
    %mul3A_2 = arith.muli %add3A, %mul3A_1 : i32
    "tpu.region"() ({
      %run_scoped3A = tpu.sem_alloc : memref<!tpu.dma_semaphore, #tpu.memory_space<semaphore_mem>>
      %dma_start3A = tpu.memref_slice %arg4[%mul3A_2] : memref<16384xi32, #tpu.memory_space<hbm>> -> memref<512xi32, #tpu.memory_space<hbm>>
      %dma_start3A_14 = tpu.memref_slice %arg4[%mul3A_2] : memref<16384xi32, #tpu.memory_space<hbm>> -> memref<512xi32, #tpu.memory_space<hbm>>
      tpu.enqueue_dma source(%dma_start3A_14 : memref<512xi32, #tpu.memory_space<hbm>>) target(%arg7 : memref<512xi32, #tpu.memory_space<vmem>>) target_semaphore(%run_scoped3A : memref<!tpu.dma_semaphore, #tpu.memory_space<semaphore_mem>>)
      %dma_wait3A = tpu.memref_slice %arg4[%mul3A_2] : memref<16384xi32, #tpu.memory_space<hbm>> -> memref<512xi32, #tpu.memory_space<hbm>>
      %dma_wait3A_15 = tpu.memref_slice %arg4[%mul3A_2] : memref<16384xi32, #tpu.memory_space<hbm>> -> memref<512xi32, #tpu.memory_space<hbm>>
      tpu.wait_dma2 semaphore(%run_scoped3A : memref<!tpu.dma_semaphore, #tpu.memory_space<semaphore_mem>>) src(%dma_wait3A_15 : memref<512xi32, #tpu.memory_space<hbm>>) dst(%arg7 : memref<512xi32, #tpu.memory_space<vmem>>)
      tpu.yield
    }) : () -> ()
    "tpu.region"() ({
      %run_scoped3A = tpu.sem_alloc : memref<!tpu.dma_semaphore, #tpu.memory_space<semaphore_mem>>
      %dma_start3A = tpu.memref_slice %arg5[%mul3A_2] : memref<16384xi32, #tpu.memory_space<hbm>> -> memref<512xi32, #tpu.memory_space<hbm>>
      %dma_start3A_14 = tpu.memref_slice %arg5[%mul3A_2] : memref<16384xi32, #tpu.memory_space<hbm>> -> memref<512xi32, #tpu.memory_space<hbm>>
      tpu.enqueue_dma source(%dma_start3A_14 : memref<512xi32, #tpu.memory_space<hbm>>) target(%arg8 : memref<512xi32, #tpu.memory_space<vmem>>) target_semaphore(%run_scoped3A : memref<!tpu.dma_semaphore, #tpu.memory_space<semaphore_mem>>)
      %dma_wait3A = tpu.memref_slice %arg5[%mul3A_2] : memref<16384xi32, #tpu.memory_space<hbm>> -> memref<512xi32, #tpu.memory_space<hbm>>
      %dma_wait3A_15 = tpu.memref_slice %arg5[%mul3A_2] : memref<16384xi32, #tpu.memory_space<hbm>> -> memref<512xi32, #tpu.memory_space<hbm>>
      tpu.wait_dma2 semaphore(%run_scoped3A : memref<!tpu.dma_semaphore, #tpu.memory_space<semaphore_mem>>) src(%dma_wait3A_15 : memref<512xi32, #tpu.memory_space<hbm>>) dst(%arg8 : memref<512xi32, #tpu.memory_space<vmem>>)
      tpu.yield
    }) : () -> ()
    %scan3A = arith.constant 0 : i32
    %scan3A_3 = arith.constant 0 : i32
    %scan3A_4 = arith.constant 32 : i32
    %scan3A_5 = arith.addi %scan3A_3, %scan3A_4 : i32
    %scan3A_6 = arith.constant 1 : i32
    scf.for %scan3A_14 = %scan3A_3 to %scan3A_5 step %scan3A_6  : i32 {
      %mul3A_15 = arith.constant 16 : i32
      %mul3A_16 = arith.muli %scan3A_14, %mul3A_15 : i32
      %get3A = arith.index_cast %mul3A_16 : i32 to index
      %get3A_17 = tpu.vector_load %arg7[%get3A] {strides = array<i32>} : memref<512xi32, #tpu.memory_space<vmem>>, vector<16xi32>,
      %shift_right_logical3A = arith.constant 3 : i32
      %shift_right_logical3A_18 = vector.broadcast %shift_right_logical3A : i32 to vector<16xi32>
      %shift_right_logical3A_19 = arith.shrui %get3A_17, %shift_right_logical3A_18 : vector<16xi32>
      %mul3A_20 = arith.constant 16 : i32
      %mul3A_21 = arith.muli %scan3A_14, %mul3A_20 : i32
      %swap3A = arith.index_cast %mul3A_21 : i32 to index
      %swap3A_22 = tpu.vector_load %arg9[%swap3A] {strides = array<i32>} : memref<512xi32, #tpu.memory_space<vmem>>, vector<16xi32>,
      tpu.vector_store %arg9[%swap3A], %shift_right_logical3A_19 {strides = array<i32>} : memref<512xi32, #tpu.memory_space<vmem>>, vector<16xi32>,
    }
    %scan3A_7 = arith.constant 32 : i32
    %iota3A = tpu.iota {dimensions = array<i32: 0>} : vector<16xi32>
    %scan3A_8 = arith.constant 0 : i32
    %scan3A_9 = arith.constant 0 : i32
    %scan3A_10 = arith.constant 32 : i32
    %scan3A_11 = arith.addi %scan3A_9, %scan3A_10 : i32
    %scan3A_12 = arith.constant 1 : i32
    scf.for %scan3A_14 = %scan3A_9 to %scan3A_11 step %scan3A_12  : i32 {
      %mul3A_15 = arith.constant 16 : i32
      %mul3A_16 = arith.muli %scan3A_14, %mul3A_15 : i32
      %dma_start3A = tpu.memref_slice %arg9[%mul3A_16] : memref<512xi32, #tpu.memory_space<vmem>> -> memref<16xi32, #tpu.memory_space<vmem>>
      %dma_start3A_17 = arith.constant 0 : i32
      %dma_start3A_18 = arith.constant 0 : i32
      %dma_start3A_19 = tpu.memref_slice %arg2[%dma_start3A_17, %dma_start3A_18] : memref<12500x128xf32, #tpu.memory_space<hbm>> -> memref<12500x128xf32, #tpu.memory_space<hbm>>
      tpu.enqueue_indirect_dma source(%dma_start3A_19 : memref<12500x128xf32, #tpu.memory_space<hbm>>) target(%arg10 : memref<16x128xf32, #tpu.memory_space<vmem>>) offsets(%dma_start3A : memref<16xi32, #tpu.memory_space<vmem>>) semaphore(%arg13 : memref<!tpu.dma_semaphore, #tpu.memory_space<semaphore_mem>>)
      %get3A = arith.index_cast %mul3A_16 : i32 to index
      %get3A_20 = tpu.vector_load %arg8[%get3A] {strides = array<i32>} : memref<512xi32, #tpu.memory_space<vmem>>, vector<16xi32>,
      %slice3A = vector.extract_strided_slice %get3A_20 {offsets = [0], sizes = [1], strides = [1]} : vector<16xi32> to vector<1xi32>
      %squeeze3A = vector.extract %slice3A[0] : i32 from vector<1xi32>
      %shift_right_logical3A = arith.constant 7 : i32
      %shift_right_logical3A_21 = arith.shrui %squeeze3A, %shift_right_logical3A : i32
      %shift_left3A = arith.constant 7 : i32
      %shift_left3A_22 = arith.shli %shift_right_logical3A_21, %shift_left3A : i32
      %multiple_of3A = tpu.assume_multiple %shift_left3A_22, 128 : i32
      %dma_start3A_23 = arith.constant 0 : i32
      %dma_start3A_24 = arith.constant 0 : i32
      %dma_start3A_25 = arith.constant 0 : i32
      %dma_start3A_26 = tpu.memref_slice %arg11[%dma_start3A_23, %dma_start3A_24, %dma_start3A_25] : memref<16x48x128xf32, #tpu.memory_space<vmem>> -> memref<1x48x128xf32, #tpu.memory_space<vmem>>
      %dma_start3A_27 = tpu.memref_squeeze %dma_start3A_26 : memref<1x48x128xf32, #tpu.memory_space<vmem>> -> memref<48x128xf32, #tpu.memory_space<vmem>>
      %dma_start3A_28 = arith.constant 0 : i32
      %dma_start3A_29 = tpu.memref_slice %arg3[%dma_start3A_28, %multiple_of3A] : memref<48x1000000xf32, #tpu.memory_space<hbm>> -> memref<48x128xf32, #tpu.memory_space<hbm>>
      %dma_start3A_30 = arith.constant 0 : i32
      %dma_start3A_31 = arith.constant 0 : i32
      %dma_start3A_32 = tpu.memref_slice %arg11[%dma_start3A_23, %dma_start3A_30, %dma_start3A_31] : memref<16x48x128xf32, #tpu.memory_space<vmem>> -> memref<1x48x128xf32, #tpu.memory_space<vmem>>
      %dma_start3A_33 = tpu.memref_squeeze %dma_start3A_32 : memref<1x48x128xf32, #tpu.memory_space<vmem>> -> memref<48x128xf32, #tpu.memory_space<vmem>>
      %dma_start3A_34 = arith.constant 0 : i32
      %dma_start3A_35 = tpu.memref_slice %arg3[%dma_start3A_34, %multiple_of3A] : memref<48x1000000xf32, #tpu.memory_space<hbm>> -> memref<48x128xf32, #tpu.memory_space<hbm>>
      tpu.enqueue_dma source(%dma_start3A_35 : memref<48x128xf32, #tpu.memory_space<hbm>>) target(%dma_start3A_33 : memref<48x128xf32, #tpu.memory_space<vmem>>) target_semaphore(%arg14 : memref<!tpu.dma_semaphore, #tpu.memory_space<semaphore_mem>>)
      %slice3A_36 = vector.extract_strided_slice %get3A_20 {offsets = [1], sizes = [1], strides = [1]} : vector<16xi32> to vector<1xi32>
      %squeeze3A_37 = vector.extract %slice3A_36[0] : i32 from vector<1xi32>
      %shift_right_logical3A_38 = arith.constant 7 : i32
      %shift_right_logical3A_39 = arith.shrui %squeeze3A_37, %shift_right_logical3A_38 : i32
      %shift_left3A_40 = arith.constant 7 : i32
      %shift_left3A_41 = arith.shli %shift_right_logical3A_39, %shift_left3A_40 : i32
      %multiple_of3A_42 = tpu.assume_multiple %shift_left3A_41, 128 : i32
      %dma_start3A_43 = arith.constant 1 : i32
      %dma_start3A_44 = arith.constant 0 : i32
      %dma_start3A_45 = arith.constant 0 : i32
      %dma_start3A_46 = tpu.memref_slice %arg11[%dma_start3A_43, %dma_start3A_44, %dma_start3A_45] : memref<16x48x128xf32, #tpu.memory_space<vmem>> -> memref<1x48x128xf32, #tpu.memory_space<vmem>>
      %dma_start3A_47 = tpu.memref_squeeze %dma_start3A_46 : memref<1x48x128xf32, #tpu.memory_space<vmem>> -> memref<48x128xf32, #tpu.memory_space<vmem>>
      %dma_start3A_48 = arith.constant 0 : i32
      %dma_start3A_49 = tpu.memref_slice %arg3[%dma_start3A_48, %multiple_of3A_42] : memref<48x1000000xf32, #tpu.memory_space<hbm>> -> memref<48x128xf32, #tpu.memory_space<hbm>>
      %dma_start3A_50 = arith.constant 0 : i32
      %dma_start3A_51 = arith.constant 0 : i32
      %dma_start3A_52 = tpu.memref_slice %arg11[%dma_start3A_43, %dma_start3A_50, %dma_start3A_51] : memref<16x48x128xf32, #tpu.memory_space<vmem>> -> memref<1x48x128xf32, #tpu.memory_space<vmem>>
      %dma_start3A_53 = tpu.memref_squeeze %dma_start3A_52 : memref<1x48x128xf32, #tpu.memory_space<vmem>> -> memref<48x128xf32, #tpu.memory_space<vmem>>
      %dma_start3A_54 = arith.constant 0 : i32
      %dma_start3A_55 = tpu.memref_slice %arg3[%dma_start3A_54, %multiple_of3A_42] : memref<48x1000000xf32, #tpu.memory_space<hbm>> -> memref<48x128xf32, #tpu.memory_space<hbm>>
      tpu.enqueue_dma source(%dma_start3A_55 : memref<48x128xf32, #tpu.memory_space<hbm>>) target(%dma_start3A_53 : memref<48x128xf32, #tpu.memory_space<vmem>>) target_semaphore(%arg14 : memref<!tpu.dma_semaphore, #tpu.memory_space<semaphore_mem>>)
      %slice3A_56 = vector.extract_strided_slice %get3A_20 {offsets = [2], sizes = [1], strides = [1]} : vector<16xi32> to vector<1xi32>
      %squeeze3A_57 = vector.extract %slice3A_56[0] : i32 from vector<1xi32>
      %shift_right_logical3A_58 = arith.constant 7 : i32
      %shift_right_logical3A_59 = arith.shrui %squeeze3A_57, %shift_right_logical3A_58 : i32
      %shift_left3A_60 = arith.constant 7 : i32
      %shift_left3A_61 = arith.shli %shift_right_logical3A_59, %shift_left3A_60 : i32
      %multiple_of3A_62 = tpu.assume_multiple %shift_left3A_61, 128 : i32
      %dma_start3A_63 = arith.constant 2 : i32
      %dma_start3A_64 = arith.constant 0 : i32
      %dma_start3A_65 = arith.constant 0 : i32
      %dma_start3A_66 = tpu.memref_slice %arg11[%dma_start3A_63, %dma_start3A_64, %dma_start3A_65] : memref<16x48x128xf32, #tpu.memory_space<vmem>> -> memref<1x48x128xf32, #tpu.memory_space<vmem>>
      %dma_start3A_67 = tpu.memref_squeeze %dma_start3A_66 : memref<1x48x128xf32, #tpu.memory_space<vmem>> -> memref<48x128xf32, #tpu.memory_space<vmem>>
      %dma_start3A_68 = arith.constant 0 : i32
      %dma_start3A_69 = tpu.memref_slice %arg3[%dma_start3A_68, %multiple_of3A_62] : memref<48x1000000xf32, #tpu.memory_space<hbm>> -> memref<48x128xf32, #tpu.memory_space<hbm>>
      %dma_start3A_70 = arith.constant 0 : i32
      %dma_start3A_71 = arith.constant 0 : i32
      %dma_start3A_72 = tpu.memref_slice %arg11[%dma_start3A_63, %dma_start3A_70, %dma_start3A_71] : memref<16x48x128xf32, #tpu.memory_space<vmem>> -> memref<1x48x128xf32, #tpu.memory_space<vmem>>
      %dma_start3A_73 = tpu.memref_squeeze %dma_start3A_72 : memref<1x48x128xf32, #tpu.memory_space<vmem>> -> memref<48x128xf32, #tpu.memory_space<vmem>>
      %dma_start3A_74 = arith.constant 0 : i32
      %dma_start3A_75 = tpu.memref_slice %arg3[%dma_start3A_74, %multiple_of3A_62] : memref<48x1000000xf32, #tpu.memory_space<hbm>> -> memref<48x128xf32, #tpu.memory_space<hbm>>
      tpu.enqueue_dma source(%dma_start3A_75 : memref<48x128xf32, #tpu.memory_space<hbm>>) target(%dma_start3A_73 : memref<48x128xf32, #tpu.memory_space<vmem>>) target_semaphore(%arg14 : memref<!tpu.dma_semaphore, #tpu.memory_space<semaphore_mem>>)
      %slice3A_76 = vector.extract_strided_slice %get3A_20 {offsets = [3], sizes = [1], strides = [1]} : vector<16xi32> to vector<1xi32>
      %squeeze3A_77 = vector.extract %slice3A_76[0] : i32 from vector<1xi32>
      %shift_right_logical3A_78 = arith.constant 7 : i32
      %shift_right_logical3A_79 = arith.shrui %squeeze3A_77, %shift_right_logical3A_78 : i32
      %shift_left3A_80 = arith.constant 7 : i32
      %shift_left3A_81 = arith.shli %shift_right_logical3A_79, %shift_left3A_80 : i32
      %multiple_of3A_82 = tpu.assume_multiple %shift_left3A_81, 128 : i32
      %dma_start3A_83 = arith.constant 3 : i32
      %dma_start3A_84 = arith.constant 0 : i32
      %dma_start3A_85 = arith.constant 0 : i32
      %dma_start3A_86 = tpu.memref_slice %arg11[%dma_start3A_83, %dma_start3A_84, %dma_start3A_85] : memref<16x48x128xf32, #tpu.memory_space<vmem>> -> memref<1x48x128xf32, #tpu.memory_space<vmem>>
      %dma_start3A_87 = tpu.memref_squeeze %dma_start3A_86 : memref<1x48x128xf32, #tpu.memory_space<vmem>> -> memref<48x128xf32, #tpu.memory_space<vmem>>
      %dma_start3A_88 = arith.constant 0 : i32
      %dma_start3A_89 = tpu.memref_slice %arg3[%dma_start3A_88, %multiple_of3A_82] : memref<48x1000000xf32, #tpu.memory_space<hbm>> -> memref<48x128xf32, #tpu.memory_space<hbm>>
      %dma_start3A_90 = arith.constant 0 : i32
      %dma_start3A_91 = arith.constant 0 : i32
      %dma_start3A_92 = tpu.memref_slice %arg11[%dma_start3A_83, %dma_start3A_90, %dma_start3A_91] : memref<16x48x128xf32, #tpu.memory_space<vmem>> -> memref<1x48x128xf32, #tpu.memory_space<vmem>>
      %dma_start3A_93 = tpu.memref_squeeze %dma_start3A_92 : memref<1x48x128xf32, #tpu.memory_space<vmem>> -> memref<48x128xf32, #tpu.memory_space<vmem>>
      %dma_start3A_94 = arith.constant 0 : i32
      %dma_start3A_95 = tpu.memref_slice %arg3[%dma_start3A_94, %multiple_of3A_82] : memref<48x1000000xf32, #tpu.memory_space<hbm>> -> memref<48x128xf32, #tpu.memory_space<hbm>>
      tpu.enqueue_dma source(%dma_start3A_95 : memref<48x128xf32, #tpu.memory_space<hbm>>) target(%dma_start3A_93 : memref<48x128xf32, #tpu.memory_space<vmem>>) target_semaphore(%arg14 : memref<!tpu.dma_semaphore, #tpu.memory_space<semaphore_mem>>)
      %slice3A_96 = vector.extract_strided_slice %get3A_20 {offsets = [4], sizes = [1], strides = [1]} : vector<16xi32> to vector<1xi32>
      %squeeze3A_97 = vector.extract %slice3A_96[0] : i32 from vector<1xi32>
      %shift_right_logical3A_98 = arith.constant 7 : i32
      %shift_right_logical3A_99 = arith.shrui %squeeze3A_97, %shift_right_logical3A_98 : i32
      %shift_left3A_100 = arith.constant 7 : i32
      %shift_left3A_101 = arith.shli %shift_right_logical3A_99, %shift_left3A_100 : i32
      %multiple_of3A_102 = tpu.assume_multiple %shift_left3A_101, 128 : i32
      %dma_start3A_103 = arith.constant 4 : i32
      %dma_start3A_104 = arith.constant 0 : i32
      %dma_start3A_105 = arith.constant 0 : i32
      %dma_start3A_106 = tpu.memref_slice %arg11[%dma_start3A_103, %dma_start3A_104, %dma_start3A_105] : memref<16x48x128xf32, #tpu.memory_space<vmem>> -> memref<1x48x128xf32, #tpu.memory_space<vmem>>
      %dma_start3A_107 = tpu.memref_squeeze %dma_start3A_106 : memref<1x48x128xf32, #tpu.memory_space<vmem>> -> memref<48x128xf32, #tpu.memory_space<vmem>>
      %dma_start3A_108 = arith.constant 0 : i32
      %dma_start3A_109 = tpu.memref_slice %arg3[%dma_start3A_108, %multiple_of3A_102] : memref<48x1000000xf32, #tpu.memory_space<hbm>> -> memref<48x128xf32, #tpu.memory_space<hbm>>
      %dma_start3A_110 = arith.constant 0 : i32
      %dma_start3A_111 = arith.constant 0 : i32
      %dma_start3A_112 = tpu.memref_slice %arg11[%dma_start3A_103, %dma_start3A_110, %dma_start3A_111] : memref<16x48x128xf32, #tpu.memory_space<vmem>> -> memref<1x48x128xf32, #tpu.memory_space<vmem>>
      %dma_start3A_113 = tpu.memref_squeeze %dma_start3A_112 : memref<1x48x128xf32, #tpu.memory_space<vmem>> -> memref<48x128xf32, #tpu.memory_space<vmem>>
      %dma_start3A_114 = arith.constant 0 : i32
      %dma_start3A_115 = tpu.memref_slice %arg3[%dma_start3A_114, %multiple_of3A_102] : memref<48x1000000xf32, #tpu.memory_space<hbm>> -> memref<48x128xf32, #tpu.memory_space<hbm>>
      tpu.enqueue_dma source(%dma_start3A_115 : memref<48x128xf32, #tpu.memory_space<hbm>>) target(%dma_start3A_113 : memref<48x128xf32, #tpu.memory_space<vmem>>) target_semaphore(%arg14 : memref<!tpu.dma_semaphore, #tpu.memory_space<semaphore_mem>>)
      %slice3A_116 = vector.extract_strided_slice %get3A_20 {offsets = [5], sizes = [1], strides = [1]} : vector<16xi32> to vector<1xi32>
      %squeeze3A_117 = vector.extract %slice3A_116[0] : i32 from vector<1xi32>
      %shift_right_logical3A_118 = arith.constant 7 : i32
      %shift_right_logical3A_119 = arith.shrui %squeeze3A_117, %shift_right_logical3A_118 : i32
      %shift_left3A_120 = arith.constant 7 : i32
      %shift_left3A_121 = arith.shli %shift_right_logical3A_119, %shift_left3A_120 : i32
      %multiple_of3A_122 = tpu.assume_multiple %shift_left3A_121, 128 : i32
      %dma_start3A_123 = arith.constant 5 : i32
      %dma_start3A_124 = arith.constant 0 : i32
      %dma_start3A_125 = arith.constant 0 : i32
      %dma_start3A_126 = tpu.memref_slice %arg11[%dma_start3A_123, %dma_start3A_124, %dma_start3A_125] : memref<16x48x128xf32, #tpu.memory_space<vmem>> -> memref<1x48x128xf32, #tpu.memory_space<vmem>>
      %dma_start3A_127 = tpu.memref_squeeze %dma_start3A_126 : memref<1x48x128xf32, #tpu.memory_space<vmem>> -> memref<48x128xf32, #tpu.memory_space<vmem>>
      %dma_start3A_128 = arith.constant 0 : i32
      %dma_start3A_129 = tpu.memref_slice %arg3[%dma_start3A_128, %multiple_of3A_122] : memref<48x1000000xf32, #tpu.memory_space<hbm>> -> memref<48x128xf32, #tpu.memory_space<hbm>>
      %dma_start3A_130 = arith.constant 0 : i32
      %dma_start3A_131 = arith.constant 0 : i32
      %dma_start3A_132 = tpu.memref_slice %arg11[%dma_start3A_123, %dma_start3A_130, %dma_start3A_131] : memref<16x48x128xf32, #tpu.memory_space<vmem>> -> memref<1x48x128xf32, #tpu.memory_space<vmem>>
      %dma_start3A_133 = tpu.memref_squeeze %dma_start3A_132 : memref<1x48x128xf32, #tpu.memory_space<vmem>> -> memref<48x128xf32, #tpu.memory_space<vmem>>
      %dma_start3A_134 = arith.constant 0 : i32
      %dma_start3A_135 = tpu.memref_slice %arg3[%dma_start3A_134, %multiple_of3A_122] : memref<48x1000000xf32, #tpu.memory_space<hbm>> -> memref<48x128xf32, #tpu.memory_space<hbm>>
      tpu.enqueue_dma source(%dma_start3A_135 : memref<48x128xf32, #tpu.memory_space<hbm>>) target(%dma_start3A_133 : memref<48x128xf32, #tpu.memory_space<vmem>>) target_semaphore(%arg14 : memref<!tpu.dma_semaphore, #tpu.memory_space<semaphore_mem>>)
      %slice3A_136 = vector.extract_strided_slice %get3A_20 {offsets = [6], sizes = [1], strides = [1]} : vector<16xi32> to vector<1xi32>
      %squeeze3A_137 = vector.extract %slice3A_136[0] : i32 from vector<1xi32>
      %shift_right_logical3A_138 = arith.constant 7 : i32
      %shift_right_logical3A_139 = arith.shrui %squeeze3A_137, %shift_right_logical3A_138 : i32
      %shift_left3A_140 = arith.constant 7 : i32
      %shift_left3A_141 = arith.shli %shift_right_logical3A_139, %shift_left3A_140 : i32
      %multiple_of3A_142 = tpu.assume_multiple %shift_left3A_141, 128 : i32
      %dma_start3A_143 = arith.constant 6 : i32
      %dma_start3A_144 = arith.constant 0 : i32
      %dma_start3A_145 = arith.constant 0 : i32
      %dma_start3A_146 = tpu.memref_slice %arg11[%dma_start3A_143, %dma_start3A_144, %dma_start3A_145] : memref<16x48x128xf32, #tpu.memory_space<vmem>> -> memref<1x48x128xf32, #tpu.memory_space<vmem>>
      %dma_start3A_147 = tpu.memref_squeeze %dma_start3A_146 : memref<1x48x128xf32, #tpu.memory_space<vmem>> -> memref<48x128xf32, #tpu.memory_space<vmem>>
      %dma_start3A_148 = arith.constant 0 : i32
      %dma_start3A_149 = tpu.memref_slice %arg3[%dma_start3A_148, %multiple_of3A_142] : memref<48x1000000xf32, #tpu.memory_space<hbm>> -> memref<48x128xf32, #tpu.memory_space<hbm>>
      %dma_start3A_150 = arith.constant 0 : i32
      %dma_start3A_151 = arith.constant 0 : i32
      %dma_start3A_152 = tpu.memref_slice %arg11[%dma_start3A_143, %dma_start3A_150, %dma_start3A_151] : memref<16x48x128xf32, #tpu.memory_space<vmem>> -> memref<1x48x128xf32, #tpu.memory_space<vmem>>
      %dma_start3A_153 = tpu.memref_squeeze %dma_start3A_152 : memref<1x48x128xf32, #tpu.memory_space<vmem>> -> memref<48x128xf32, #tpu.memory_space<vmem>>
      %dma_start3A_154 = arith.constant 0 : i32
      %dma_start3A_155 = tpu.memref_slice %arg3[%dma_start3A_154, %multiple_of3A_142] : memref<48x1000000xf32, #tpu.memory_space<hbm>> -> memref<48x128xf32, #tpu.memory_space<hbm>>
      tpu.enqueue_dma source(%dma_start3A_155 : memref<48x128xf32, #tpu.memory_space<hbm>>) target(%dma_start3A_153 : memref<48x128xf32, #tpu.memory_space<vmem>>) target_semaphore(%arg14 : memref<!tpu.dma_semaphore, #tpu.memory_space<semaphore_mem>>)
      %slice3A_156 = vector.extract_strided_slice %get3A_20 {offsets = [7], sizes = [1], strides = [1]} : vector<16xi32> to vector<1xi32>
      %squeeze3A_157 = vector.extract %slice3A_156[0] : i32 from vector<1xi32>
      %shift_right_logical3A_158 = arith.constant 7 : i32
      %shift_right_logical3A_159 = arith.shrui %squeeze3A_157, %shift_right_logical3A_158 : i32
      %shift_left3A_160 = arith.constant 7 : i32
      %shift_left3A_161 = arith.shli %shift_right_logical3A_159, %shift_left3A_160 : i32
      %multiple_of3A_162 = tpu.assume_multiple %shift_left3A_161, 128 : i32
      %dma_start3A_163 = arith.constant 7 : i32
      %dma_start3A_164 = arith.constant 0 : i32
      %dma_start3A_165 = arith.constant 0 : i32
      %dma_start3A_166 = tpu.memref_slice %arg11[%dma_start3A_163, %dma_start3A_164, %dma_start3A_165] : memref<16x48x128xf32, #tpu.memory_space<vmem>> -> memref<1x48x128xf32, #tpu.memory_space<vmem>>
      %dma_start3A_167 = tpu.memref_squeeze %dma_start3A_166 : memref<1x48x128xf32, #tpu.memory_space<vmem>> -> memref<48x128xf32, #tpu.memory_space<vmem>>
      %dma_start3A_168 = arith.constant 0 : i32
      %dma_start3A_169 = tpu.memref_slice %arg3[%dma_start3A_168, %multiple_of3A_162] : memref<48x1000000xf32, #tpu.memory_space<hbm>> -> memref<48x128xf32, #tpu.memory_space<hbm>>
      %dma_start3A_170 = arith.constant 0 : i32
      %dma_start3A_171 = arith.constant 0 : i32
      %dma_start3A_172 = tpu.memref_slice %arg11[%dma_start3A_163, %dma_start3A_170, %dma_start3A_171] : memref<16x48x128xf32, #tpu.memory_space<vmem>> -> memref<1x48x128xf32, #tpu.memory_space<vmem>>
      %dma_start3A_173 = tpu.memref_squeeze %dma_start3A_172 : memref<1x48x128xf32, #tpu.memory_space<vmem>> -> memref<48x128xf32, #tpu.memory_space<vmem>>
      %dma_start3A_174 = arith.constant 0 : i32
      %dma_start3A_175 = tpu.memref_slice %arg3[%dma_start3A_174, %multiple_of3A_162] : memref<48x1000000xf32, #tpu.memory_space<hbm>> -> memref<48x128xf32, #tpu.memory_space<hbm>>
      tpu.enqueue_dma source(%dma_start3A_175 : memref<48x128xf32, #tpu.memory_space<hbm>>) target(%dma_start3A_173 : memref<48x128xf32, #tpu.memory_space<vmem>>) target_semaphore(%arg14 : memref<!tpu.dma_semaphore, #tpu.memory_space<semaphore_mem>>)
      %slice3A_176 = vector.extract_strided_slice %get3A_20 {offsets = [8], sizes = [1], strides = [1]} : vector<16xi32> to vector<1xi32>
      %squeeze3A_177 = vector.extract %slice3A_176[0] : i32 from vector<1xi32>
      %shift_right_logical3A_178 = arith.constant 7 : i32
      %shift_right_logical3A_179 = arith.shrui %squeeze3A_177, %shift_right_logical3A_178 : i32
      %shift_left3A_180 = arith.constant 7 : i32
      %shift_left3A_181 = arith.shli %shift_right_logical3A_179, %shift_left3A_180 : i32
      %multiple_of3A_182 = tpu.assume_multiple %shift_left3A_181, 128 : i32
      %dma_start3A_183 = arith.constant 8 : i32
      %dma_start3A_184 = arith.constant 0 : i32
      %dma_start3A_185 = arith.constant 0 : i32
      %dma_start3A_186 = tpu.memref_slice %arg11[%dma_start3A_183, %dma_start3A_184, %dma_start3A_185] : memref<16x48x128xf32, #tpu.memory_space<vmem>> -> memref<1x48x128xf32, #tpu.memory_space<vmem>>
      %dma_start3A_187 = tpu.memref_squeeze %dma_start3A_186 : memref<1x48x128xf32, #tpu.memory_space<vmem>> -> memref<48x128xf32, #tpu.memory_space<vmem>>
      %dma_start3A_188 = arith.constant 0 : i32
      %dma_start3A_189 = tpu.memref_slice %arg3[%dma_start3A_188, %multiple_of3A_182] : memref<48x1000000xf32, #tpu.memory_space<hbm>> -> memref<48x128xf32, #tpu.memory_space<hbm>>
      %dma_start3A_190 = arith.constant 0 : i32
      %dma_start3A_191 = arith.constant 0 : i32
      %dma_start3A_192 = tpu.memref_slice %arg11[%dma_start3A_183, %dma_start3A_190, %dma_start3A_191] : memref<16x48x128xf32, #tpu.memory_space<vmem>> -> memref<1x48x128xf32, #tpu.memory_space<vmem>>
      %dma_start3A_193 = tpu.memref_squeeze %dma_start3A_192 : memref<1x48x128xf32, #tpu.memory_space<vmem>> -> memref<48x128xf32, #tpu.memory_space<vmem>>
      %dma_start3A_194 = arith.constant 0 : i32
      %dma_start3A_195 = tpu.memref_slice %arg3[%dma_start3A_194, %multiple_of3A_182] : memref<48x1000000xf32, #tpu.memory_space<hbm>> -> memref<48x128xf32, #tpu.memory_space<hbm>>
      tpu.enqueue_dma source(%dma_start3A_195 : memref<48x128xf32, #tpu.memory_space<hbm>>) target(%dma_start3A_193 : memref<48x128xf32, #tpu.memory_space<vmem>>) target_semaphore(%arg14 : memref<!tpu.dma_semaphore, #tpu.memory_space<semaphore_mem>>)
      %slice3A_196 = vector.extract_strided_slice %get3A_20 {offsets = [9], sizes = [1], strides = [1]} : vector<16xi32> to vector<1xi32>
      %squeeze3A_197 = vector.extract %slice3A_196[0] : i32 from vector<1xi32>
      %shift_right_logical3A_198 = arith.constant 7 : i32
      %shift_right_logical3A_199 = arith.shrui %squeeze3A_197, %shift_right_logical3A_198 : i32
      %shift_left3A_200 = arith.constant 7 : i32
      %shift_left3A_201 = arith.shli %shift_right_logical3A_199, %shift_left3A_200 : i32
      %multiple_of3A_202 = tpu.assume_multiple %shift_left3A_201, 128 : i32
      %dma_start3A_203 = arith.constant 9 : i32
      %dma_start3A_204 = arith.constant 0 : i32
      %dma_start3A_205 = arith.constant 0 : i32
      %dma_start3A_206 = tpu.memref_slice %arg11[%dma_start3A_203, %dma_start3A_204, %dma_start3A_205] : memref<16x48x128xf32, #tpu.memory_space<vmem>> -> memref<1x48x128xf32, #tpu.memory_space<vmem>>
      %dma_start3A_207 = tpu.memref_squeeze %dma_start3A_206 : memref<1x48x128xf32, #tpu.memory_space<vmem>> -> memref<48x128xf32, #tpu.memory_space<vmem>>
      %dma_start3A_208 = arith.constant 0 : i32
      %dma_start3A_209 = tpu.memref_slice %arg3[%dma_start3A_208, %multiple_of3A_202] : memref<48x1000000xf32, #tpu.memory_space<hbm>> -> memref<48x128xf32, #tpu.memory_space<hbm>>
      %dma_start3A_210 = arith.constant 0 : i32
      %dma_start3A_211 = arith.constant 0 : i32
      %dma_start3A_212 = tpu.memref_slice %arg11[%dma_start3A_203, %dma_start3A_210, %dma_start3A_211] : memref<16x48x128xf32, #tpu.memory_space<vmem>> -> memref<1x48x128xf32, #tpu.memory_space<vmem>>
      %dma_start3A_213 = tpu.memref_squeeze %dma_start3A_212 : memref<1x48x128xf32, #tpu.memory_space<vmem>> -> memref<48x128xf32, #tpu.memory_space<vmem>>
      %dma_start3A_214 = arith.constant 0 : i32
      %dma_start3A_215 = tpu.memref_slice %arg3[%dma_start3A_214, %multiple_of3A_202] : memref<48x1000000xf32, #tpu.memory_space<hbm>> -> memref<48x128xf32, #tpu.memory_space<hbm>>
      tpu.enqueue_dma source(%dma_start3A_215 : memref<48x128xf32, #tpu.memory_space<hbm>>) target(%dma_start3A_213 : memref<48x128xf32, #tpu.memory_space<vmem>>) target_semaphore(%arg14 : memref<!tpu.dma_semaphore, #tpu.memory_space<semaphore_mem>>)
      %slice3A_216 = vector.extract_strided_slice %get3A_20 {offsets = [10], sizes = [1], strides = [1]} : vector<16xi32> to vector<1xi32>
      %squeeze3A_217 = vector.extract %slice3A_216[0] : i32 from vector<1xi32>
      %shift_right_logical3A_218 = arith.constant 7 : i32
      %shift_right_logical3A_219 = arith.shrui %squeeze3A_217, %shift_right_logical3A_218 : i32
      %shift_left3A_220 = arith.constant 7 : i32
      %shift_left3A_221 = arith.shli %shift_right_logical3A_219, %shift_left3A_220 : i32
      %multiple_of3A_222 = tpu.assume_multiple %shift_left3A_221, 128 : i32
      %dma_start3A_223 = arith.constant 10 : i32
      %dma_start3A_224 = arith.constant 0 : i32
      %dma_start3A_225 = arith.constant 0 : i32
      %dma_start3A_226 = tpu.memref_slice %arg11[%dma_start3A_223, %dma_start3A_224, %dma_start3A_225] : memref<16x48x128xf32, #tpu.memory_space<vmem>> -> memref<1x48x128xf32, #tpu.memory_space<vmem>>
      %dma_start3A_227 = tpu.memref_squeeze %dma_start3A_226 : memref<1x48x128xf32, #tpu.memory_space<vmem>> -> memref<48x128xf32, #tpu.memory_space<vmem>>
      %dma_start3A_228 = arith.constant 0 : i32
      %dma_start3A_229 = tpu.memref_slice %arg3[%dma_start3A_228, %multiple_of3A_222] : memref<48x1000000xf32, #tpu.memory_space<hbm>> -> memref<48x128xf32, #tpu.memory_space<hbm>>
      %dma_start3A_230 = arith.constant 0 : i32
      %dma_start3A_231 = arith.constant 0 : i32
      %dma_start3A_232 = tpu.memref_slice %arg11[%dma_start3A_223, %dma_start3A_230, %dma_start3A_231] : memref<16x48x128xf32, #tpu.memory_space<vmem>> -> memref<1x48x128xf32, #tpu.memory_space<vmem>>
      %dma_start3A_233 = tpu.memref_squeeze %dma_start3A_232 : memref<1x48x128xf32, #tpu.memory_space<vmem>> -> memref<48x128xf32, #tpu.memory_space<vmem>>
      %dma_start3A_234 = arith.constant 0 : i32
      %dma_start3A_235 = tpu.memref_slice %arg3[%dma_start3A_234, %multiple_of3A_222] : memref<48x1000000xf32, #tpu.memory_space<hbm>> -> memref<48x128xf32, #tpu.memory_space<hbm>>
      tpu.enqueue_dma source(%dma_start3A_235 : memref<48x128xf32, #tpu.memory_space<hbm>>) target(%dma_start3A_233 : memref<48x128xf32, #tpu.memory_space<vmem>>) target_semaphore(%arg14 : memref<!tpu.dma_semaphore, #tpu.memory_space<semaphore_mem>>)
      %slice3A_236 = vector.extract_strided_slice %get3A_20 {offsets = [11], sizes = [1], strides = [1]} : vector<16xi32> to vector<1xi32>
      %squeeze3A_237 = vector.extract %slice3A_236[0] : i32 from vector<1xi32>
      %shift_right_logical3A_238 = arith.constant 7 : i32
      %shift_right_logical3A_239 = arith.shrui %squeeze3A_237, %shift_right_logical3A_238 : i32
      %shift_left3A_240 = arith.constant 7 : i32
      %shift_left3A_241 = arith.shli %shift_right_logical3A_239, %shift_left3A_240 : i32
      %multiple_of3A_242 = tpu.assume_multiple %shift_left3A_241, 128 : i32
      %dma_start3A_243 = arith.constant 11 : i32
      %dma_start3A_244 = arith.constant 0 : i32
      %dma_start3A_245 = arith.constant 0 : i32
      %dma_start3A_246 = tpu.memref_slice %arg11[%dma_start3A_243, %dma_start3A_244, %dma_start3A_245] : memref<16x48x128xf32, #tpu.memory_space<vmem>> -> memref<1x48x128xf32, #tpu.memory_space<vmem>>
      %dma_start3A_247 = tpu.memref_squeeze %dma_start3A_246 : memref<1x48x128xf32, #tpu.memory_space<vmem>> -> memref<48x128xf32, #tpu.memory_space<vmem>>
      %dma_start3A_248 = arith.constant 0 : i32
      %dma_start3A_249 = tpu.memref_slice %arg3[%dma_start3A_248, %multiple_of3A_242] : memref<48x1000000xf32, #tpu.memory_space<hbm>> -> memref<48x128xf32, #tpu.memory_space<hbm>>
      %dma_start3A_250 = arith.constant 0 : i32
      %dma_start3A_251 = arith.constant 0 : i32
      %dma_start3A_252 = tpu.memref_slice %arg11[%dma_start3A_243, %dma_start3A_250, %dma_start3A_251] : memref<16x48x128xf32, #tpu.memory_space<vmem>> -> memref<1x48x128xf32, #tpu.memory_space<vmem>>
      %dma_start3A_253 = tpu.memref_squeeze %dma_start3A_252 : memref<1x48x128xf32, #tpu.memory_space<vmem>> -> memref<48x128xf32, #tpu.memory_space<vmem>>
      %dma_start3A_254 = arith.constant 0 : i32
      %dma_start3A_255 = tpu.memref_slice %arg3[%dma_start3A_254, %multiple_of3A_242] : memref<48x1000000xf32, #tpu.memory_space<hbm>> -> memref<48x128xf32, #tpu.memory_space<hbm>>
      tpu.enqueue_dma source(%dma_start3A_255 : memref<48x128xf32, #tpu.memory_space<hbm>>) target(%dma_start3A_253 : memref<48x128xf32, #tpu.memory_space<vmem>>) target_semaphore(%arg14 : memref<!tpu.dma_semaphore, #tpu.memory_space<semaphore_mem>>)
      %slice3A_256 = vector.extract_strided_slice %get3A_20 {offsets = [12], sizes = [1], strides = [1]} : vector<16xi32> to vector<1xi32>
      %squeeze3A_257 = vector.extract %slice3A_256[0] : i32 from vector<1xi32>
      %shift_right_logical3A_258 = arith.constant 7 : i32
      %shift_right_logical3A_259 = arith.shrui %squeeze3A_257, %shift_right_logical3A_258 : i32
      %shift_left3A_260 = arith.constant 7 : i32
      %shift_left3A_261 = arith.shli %shift_right_logical3A_259, %shift_left3A_260 : i32
      %multiple_of3A_262 = tpu.assume_multiple %shift_left3A_261, 128 : i32
      %dma_start3A_263 = arith.constant 12 : i32
      %dma_start3A_264 = arith.constant 0 : i32
      %dma_start3A_265 = arith.constant 0 : i32
      %dma_start3A_266 = tpu.memref_slice %arg11[%dma_start3A_263, %dma_start3A_264, %dma_start3A_265] : memref<16x48x128xf32, #tpu.memory_space<vmem>> -> memref<1x48x128xf32, #tpu.memory_space<vmem>>
      %dma_start3A_267 = tpu.memref_squeeze %dma_start3A_266 : memref<1x48x128xf32, #tpu.memory_space<vmem>> -> memref<48x128xf32, #tpu.memory_space<vmem>>
      %dma_start3A_268 = arith.constant 0 : i32
      %dma_start3A_269 = tpu.memref_slice %arg3[%dma_start3A_268, %multiple_of3A_262] : memref<48x1000000xf32, #tpu.memory_space<hbm>> -> memref<48x128xf32, #tpu.memory_space<hbm>>
      %dma_start3A_270 = arith.constant 0 : i32
      %dma_start3A_271 = arith.constant 0 : i32
      %dma_start3A_272 = tpu.memref_slice %arg11[%dma_start3A_263, %dma_start3A_270, %dma_start3A_271] : memref<16x48x128xf32, #tpu.memory_space<vmem>> -> memref<1x48x128xf32, #tpu.memory_space<vmem>>
      %dma_start3A_273 = tpu.memref_squeeze %dma_start3A_272 : memref<1x48x128xf32, #tpu.memory_space<vmem>> -> memref<48x128xf32, #tpu.memory_space<vmem>>
      %dma_start3A_274 = arith.constant 0 : i32
      %dma_start3A_275 = tpu.memref_slice %arg3[%dma_start3A_274, %multiple_of3A_262] : memref<48x1000000xf32, #tpu.memory_space<hbm>> -> memref<48x128xf32, #tpu.memory_space<hbm>>
      tpu.enqueue_dma source(%dma_start3A_275 : memref<48x128xf32, #tpu.memory_space<hbm>>) target(%dma_start3A_273 : memref<48x128xf32, #tpu.memory_space<vmem>>) target_semaphore(%arg14 : memref<!tpu.dma_semaphore, #tpu.memory_space<semaphore_mem>>)
      %slice3A_276 = vector.extract_strided_slice %get3A_20 {offsets = [13], sizes = [1], strides = [1]} : vector<16xi32> to vector<1xi32>
      %squeeze3A_277 = vector.extract %slice3A_276[0] : i32 from vector<1xi32>
      %shift_right_logical3A_278 = arith.constant 7 : i32
      %shift_right_logical3A_279 = arith.shrui %squeeze3A_277, %shift_right_logical3A_278 : i32
      %shift_left3A_280 = arith.constant 7 : i32
      %shift_left3A_281 = arith.shli %shift_right_logical3A_279, %shift_left3A_280 : i32
      %multiple_of3A_282 = tpu.assume_multiple %shift_left3A_281, 128 : i32
      %dma_start3A_283 = arith.constant 13 : i32
      %dma_start3A_284 = arith.constant 0 : i32
      %dma_start3A_285 = arith.constant 0 : i32
      %dma_start3A_286 = tpu.memref_slice %arg11[%dma_start3A_283, %dma_start3A_284, %dma_start3A_285] : memref<16x48x128xf32, #tpu.memory_space<vmem>> -> memref<1x48x128xf32, #tpu.memory_space<vmem>>
      %dma_start3A_287 = tpu.memref_squeeze %dma_start3A_286 : memref<1x48x128xf32, #tpu.memory_space<vmem>> -> memref<48x128xf32, #tpu.memory_space<vmem>>
      %dma_start3A_288 = arith.constant 0 : i32
      %dma_start3A_289 = tpu.memref_slice %arg3[%dma_start3A_288, %multiple_of3A_282] : memref<48x1000000xf32, #tpu.memory_space<hbm>> -> memref<48x128xf32, #tpu.memory_space<hbm>>
      %dma_start3A_290 = arith.constant 0 : i32
      %dma_start3A_291 = arith.constant 0 : i32
      %dma_start3A_292 = tpu.memref_slice %arg11[%dma_start3A_283, %dma_start3A_290, %dma_start3A_291] : memref<16x48x128xf32, #tpu.memory_space<vmem>> -> memref<1x48x128xf32, #tpu.memory_space<vmem>>
      %dma_start3A_293 = tpu.memref_squeeze %dma_start3A_292 : memref<1x48x128xf32, #tpu.memory_space<vmem>> -> memref<48x128xf32, #tpu.memory_space<vmem>>
      %dma_start3A_294 = arith.constant 0 : i32
      %dma_start3A_295 = tpu.memref_slice %arg3[%dma_start3A_294, %multiple_of3A_282] : memref<48x1000000xf32, #tpu.memory_space<hbm>> -> memref<48x128xf32, #tpu.memory_space<hbm>>
      tpu.enqueue_dma source(%dma_start3A_295 : memref<48x128xf32, #tpu.memory_space<hbm>>) target(%dma_start3A_293 : memref<48x128xf32, #tpu.memory_space<vmem>>) target_semaphore(%arg14 : memref<!tpu.dma_semaphore, #tpu.memory_space<semaphore_mem>>)
      %slice3A_296 = vector.extract_strided_slice %get3A_20 {offsets = [14], sizes = [1], strides = [1]} : vector<16xi32> to vector<1xi32>
      %squeeze3A_297 = vector.extract %slice3A_296[0] : i32 from vector<1xi32>
      %shift_right_logical3A_298 = arith.constant 7 : i32
      %shift_right_logical3A_299 = arith.shrui %squeeze3A_297, %shift_right_logical3A_298 : i32
      %shift_left3A_300 = arith.constant 7 : i32
      %shift_left3A_301 = arith.shli %shift_right_logical3A_299, %shift_left3A_300 : i32
      %multiple_of3A_302 = tpu.assume_multiple %shift_left3A_301, 128 : i32
      %dma_start3A_303 = arith.constant 14 : i32
      %dma_start3A_304 = arith.constant 0 : i32
      %dma_start3A_305 = arith.constant 0 : i32
      %dma_start3A_306 = tpu.memref_slice %arg11[%dma_start3A_303, %dma_start3A_304, %dma_start3A_305] : memref<16x48x128xf32, #tpu.memory_space<vmem>> -> memref<1x48x128xf32, #tpu.memory_space<vmem>>
      %dma_start3A_307 = tpu.memref_squeeze %dma_start3A_306 : memref<1x48x128xf32, #tpu.memory_space<vmem>> -> memref<48x128xf32, #tpu.memory_space<vmem>>
      %dma_start3A_308 = arith.constant 0 : i32
      %dma_start3A_309 = tpu.memref_slice %arg3[%dma_start3A_308, %multiple_of3A_302] : memref<48x1000000xf32, #tpu.memory_space<hbm>> -> memref<48x128xf32, #tpu.memory_space<hbm>>
      %dma_start3A_310 = arith.constant 0 : i32
      %dma_start3A_311 = arith.constant 0 : i32
      %dma_start3A_312 = tpu.memref_slice %arg11[%dma_start3A_303, %dma_start3A_310, %dma_start3A_311] : memref<16x48x128xf32, #tpu.memory_space<vmem>> -> memref<1x48x128xf32, #tpu.memory_space<vmem>>
      %dma_start3A_313 = tpu.memref_squeeze %dma_start3A_312 : memref<1x48x128xf32, #tpu.memory_space<vmem>> -> memref<48x128xf32, #tpu.memory_space<vmem>>
      %dma_start3A_314 = arith.constant 0 : i32
      %dma_start3A_315 = tpu.memref_slice %arg3[%dma_start3A_314, %multiple_of3A_302] : memref<48x1000000xf32, #tpu.memory_space<hbm>> -> memref<48x128xf32, #tpu.memory_space<hbm>>
      tpu.enqueue_dma source(%dma_start3A_315 : memref<48x128xf32, #tpu.memory_space<hbm>>) target(%dma_start3A_313 : memref<48x128xf32, #tpu.memory_space<vmem>>) target_semaphore(%arg14 : memref<!tpu.dma_semaphore, #tpu.memory_space<semaphore_mem>>)
      %slice3A_316 = vector.extract_strided_slice %get3A_20 {offsets = [15], sizes = [1], strides = [1]} : vector<16xi32> to vector<1xi32>
      %squeeze3A_317 = vector.extract %slice3A_316[0] : i32 from vector<1xi32>
      %shift_right_logical3A_318 = arith.constant 7 : i32
      %shift_right_logical3A_319 = arith.shrui %squeeze3A_317, %shift_right_logical3A_318 : i32
      %shift_left3A_320 = arith.constant 7 : i32
      %shift_left3A_321 = arith.shli %shift_right_logical3A_319, %shift_left3A_320 : i32
      %multiple_of3A_322 = tpu.assume_multiple %shift_left3A_321, 128 : i32
      %dma_start3A_323 = arith.constant 15 : i32
      %dma_start3A_324 = arith.constant 0 : i32
      %dma_start3A_325 = arith.constant 0 : i32
      %dma_start3A_326 = tpu.memref_slice %arg11[%dma_start3A_323, %dma_start3A_324, %dma_start3A_325] : memref<16x48x128xf32, #tpu.memory_space<vmem>> -> memref<1x48x128xf32, #tpu.memory_space<vmem>>
      %dma_start3A_327 = tpu.memref_squeeze %dma_start3A_326 : memref<1x48x128xf32, #tpu.memory_space<vmem>> -> memref<48x128xf32, #tpu.memory_space<vmem>>
      %dma_start3A_328 = arith.constant 0 : i32
      %dma_start3A_329 = tpu.memref_slice %arg3[%dma_start3A_328, %multiple_of3A_322] : memref<48x1000000xf32, #tpu.memory_space<hbm>> -> memref<48x128xf32, #tpu.memory_space<hbm>>
      %dma_start3A_330 = arith.constant 0 : i32
      %dma_start3A_331 = arith.constant 0 : i32
      %dma_start3A_332 = tpu.memref_slice %arg11[%dma_start3A_323, %dma_start3A_330, %dma_start3A_331] : memref<16x48x128xf32, #tpu.memory_space<vmem>> -> memref<1x48x128xf32, #tpu.memory_space<vmem>>
      %dma_start3A_333 = tpu.memref_squeeze %dma_start3A_332 : memref<1x48x128xf32, #tpu.memory_space<vmem>> -> memref<48x128xf32, #tpu.memory_space<vmem>>
      %dma_start3A_334 = arith.constant 0 : i32
      %dma_start3A_335 = tpu.memref_slice %arg3[%dma_start3A_334, %multiple_of3A_322] : memref<48x1000000xf32, #tpu.memory_space<hbm>> -> memref<48x128xf32, #tpu.memory_space<hbm>>
      tpu.enqueue_dma source(%dma_start3A_335 : memref<48x128xf32, #tpu.memory_space<hbm>>) target(%dma_start3A_333 : memref<48x128xf32, #tpu.memory_space<vmem>>) target_semaphore(%arg14 : memref<!tpu.dma_semaphore, #tpu.memory_space<semaphore_mem>>)
      %dma_wait3A = tpu.memref_slice %arg9[%mul3A_16] : memref<512xi32, #tpu.memory_space<vmem>> -> memref<16xi32, #tpu.memory_space<vmem>>
      %dma_wait3A_336 = arith.constant 0 : i32
      %dma_wait3A_337 = arith.constant 0 : i32
      %dma_wait3A_338 = tpu.memref_slice %arg2[%dma_wait3A_336, %dma_wait3A_337] : memref<12500x128xf32, #tpu.memory_space<hbm>> -> memref<12500x128xf32, #tpu.memory_space<hbm>>
      tpu.wait_indirect_dma semaphore(%arg13 : memref<!tpu.dma_semaphore, #tpu.memory_space<semaphore_mem>>) src(%dma_wait3A_338 : memref<12500x128xf32, #tpu.memory_space<hbm>>) dst(%arg10 : memref<16x128xf32, #tpu.memory_space<vmem>>)
      %scan3A_339 = arith.constant 0 : i32
      %scan3A_340 = arith.constant 0 : i32
      %scan3A_341 = arith.constant 16 : i32
      %scan3A_342 = arith.addi %scan3A_340, %scan3A_341 : i32
      %scan3A_343 = arith.constant 1 : i32
      scf.for %scan3A_1393 = %scan3A_340 to %scan3A_342 step %scan3A_343  : i32 {
        %dma_wait3A_1394 = arith.constant 0 : i32
        %dma_wait3A_1395 = arith.constant 0 : i32
        %dma_wait3A_1396 = tpu.memref_slice %arg11[%scan3A_1393, %dma_wait3A_1394, %dma_wait3A_1395] : memref<16x48x128xf32, #tpu.memory_space<vmem>> -> memref<1x48x128xf32, #tpu.memory_space<vmem>>
        %dma_wait3A_1397 = tpu.memref_squeeze %dma_wait3A_1396 : memref<1x48x128xf32, #tpu.memory_space<vmem>> -> memref<48x128xf32, #tpu.memory_space<vmem>>
        %dma_wait3A_1398 = arith.constant 0 : i32
        %dma_wait3A_1399 = arith.constant 0 : i32
        %dma_wait3A_1400 = tpu.memref_slice %arg3[%dma_wait3A_1398, %dma_wait3A_1399] : memref<48x1000000xf32, #tpu.memory_space<hbm>> -> memref<48x128xf32, #tpu.memory_space<hbm>>
        %dma_wait3A_1401 = arith.constant 0 : i32
        %dma_wait3A_1402 = arith.constant 0 : i32
        %dma_wait3A_1403 = tpu.memref_slice %arg11[%scan3A_1393, %dma_wait3A_1401, %dma_wait3A_1402] : memref<16x48x128xf32, #tpu.memory_space<vmem>> -> memref<1x48x128xf32, #tpu.memory_space<vmem>>
        %dma_wait3A_1404 = tpu.memref_squeeze %dma_wait3A_1403 : memref<1x48x128xf32, #tpu.memory_space<vmem>> -> memref<48x128xf32, #tpu.memory_space<vmem>>
        %dma_wait3A_1405 = arith.constant 0 : i32
        %dma_wait3A_1406 = arith.constant 0 : i32
        %dma_wait3A_1407 = tpu.memref_slice %arg3[%dma_wait3A_1405, %dma_wait3A_1406] : memref<48x1000000xf32, #tpu.memory_space<hbm>> -> memref<48x128xf32, #tpu.memory_space<hbm>>
        tpu.wait_dma2 semaphore(%arg14 : memref<!tpu.dma_semaphore, #tpu.memory_space<semaphore_mem>>) src(%dma_wait3A_1407 : memref<48x128xf32, #tpu.memory_space<hbm>>) dst(%dma_wait3A_1404 : memref<48x128xf32, #tpu.memory_space<vmem>>)
      }
      %scan3A_344 = arith.constant 16 : i32
      %get3A_345 = arith.index_cast %mul3A_16 : i32 to index
      %get3A_346 = tpu.vector_load %arg7[%get3A_345] {strides = array<i32>} : memref<512xi32, #tpu.memory_space<vmem>>, vector<16xi32>,
      %get3A_347 = arith.index_cast %mul3A_16 : i32 to index
      %get3A_348 = tpu.vector_load %arg8[%get3A_347] {strides = array<i32>} : memref<512xi32, #tpu.memory_space<vmem>>, vector<16xi32>,
      %and3A = arith.constant 7 : i32
      %and3A_349 = vector.broadcast %and3A : i32 to vector<16xi32>
      %and3A_350 = arith.andi %get3A_346, %and3A_349 : vector<16xi32>
      %shift_left3A_351 = arith.constant 4 : i32
      %shift_left3A_352 = vector.broadcast %shift_left3A_351 : i32 to vector<16xi32>
      %shift_left3A_353 = arith.shli %and3A_350, %shift_left3A_352 : vector<16xi32>
      %and3A_354 = arith.constant 127 : i32
      %and3A_355 = vector.broadcast %and3A_354 : i32 to vector<16xi32>
      %and3A_356 = arith.andi %get3A_348, %and3A_355 : vector<16xi32>
      %broadcast_in_dim3A = arith.constant 0.000000e+00 : f32
      %broadcast_in_dim3A_357 = vector.broadcast %broadcast_in_dim3A : f32 to vector<16xf32>
      %add3A_358 = arith.constant 0 : i32
      %add3A_359 = vector.broadcast %add3A_358 : i32 to vector<16xi32>
      %add3A_360 = arith.addi %shift_left3A_353, %add3A_359 : vector<16xi32>
      %gather3A = tpu.vector_load_idx %arg10[%iota3A, %add3A_360] : memref<16x128xf32, #tpu.memory_space<vmem>>[vector<16xi32>, vector<16xi32>], vector<16xf32>,
      %mul3A_361 = arith.mulf %gather3A, %gather3A : vector<16xf32>
      %add3A_362 = arith.addf %broadcast_in_dim3A_357, %mul3A_361 : vector<16xf32>
      %add3A_363 = arith.constant 1 : i32
      %add3A_364 = vector.broadcast %add3A_363 : i32 to vector<16xi32>
      %add3A_365 = arith.addi %shift_left3A_353, %add3A_364 : vector<16xi32>
      %gather3A_366 = tpu.vector_load_idx %arg10[%iota3A, %add3A_365] : memref<16x128xf32, #tpu.memory_space<vmem>>[vector<16xi32>, vector<16xi32>], vector<16xf32>,
      %mul3A_367 = arith.mulf %gather3A_366, %gather3A_366 : vector<16xf32>
      %add3A_368 = arith.addf %add3A_362, %mul3A_367 : vector<16xf32>
      %add3A_369 = arith.constant 2 : i32
      %add3A_370 = vector.broadcast %add3A_369 : i32 to vector<16xi32>
      %add3A_371 = arith.addi %shift_left3A_353, %add3A_370 : vector<16xi32>
      %gather3A_372 = tpu.vector_load_idx %arg10[%iota3A, %add3A_371] : memref<16x128xf32, #tpu.memory_space<vmem>>[vector<16xi32>, vector<16xi32>], vector<16xf32>,
      %mul3A_373 = arith.mulf %gather3A_372, %gather3A_372 : vector<16xf32>
      %add3A_374 = arith.addf %add3A_368, %mul3A_373 : vector<16xf32>
      %add3A_375 = arith.constant 3 : i32
      %add3A_376 = vector.broadcast %add3A_375 : i32 to vector<16xi32>
      %add3A_377 = arith.addi %shift_left3A_353, %add3A_376 : vector<16xi32>
      %gather3A_378 = tpu.vector_load_idx %arg10[%iota3A, %add3A_377] : memref<16x128xf32, #tpu.memory_space<vmem>>[vector<16xi32>, vector<16xi32>], vector<16xf32>,
      %mul3A_379 = arith.mulf %gather3A_378, %gather3A_378 : vector<16xf32>
      %add3A_380 = arith.addf %add3A_374, %mul3A_379 : vector<16xf32>
      %add3A_381 = arith.constant 4 : i32
      %add3A_382 = vector.broadcast %add3A_381 : i32 to vector<16xi32>
      %add3A_383 = arith.addi %shift_left3A_353, %add3A_382 : vector<16xi32>
      %gather3A_384 = tpu.vector_load_idx %arg10[%iota3A, %add3A_383] : memref<16x128xf32, #tpu.memory_space<vmem>>[vector<16xi32>, vector<16xi32>], vector<16xf32>,
      %mul3A_385 = arith.mulf %gather3A_384, %gather3A_384 : vector<16xf32>
      %add3A_386 = arith.addf %add3A_380, %mul3A_385 : vector<16xf32>
      %add3A_387 = arith.constant 5 : i32
      %add3A_388 = vector.broadcast %add3A_387 : i32 to vector<16xi32>
      %add3A_389 = arith.addi %shift_left3A_353, %add3A_388 : vector<16xi32>
      %gather3A_390 = tpu.vector_load_idx %arg10[%iota3A, %add3A_389] : memref<16x128xf32, #tpu.memory_space<vmem>>[vector<16xi32>, vector<16xi32>], vector<16xf32>,
      %mul3A_391 = arith.mulf %gather3A_390, %gather3A_390 : vector<16xf32>
      %add3A_392 = arith.addf %add3A_386, %mul3A_391 : vector<16xf32>
      %add3A_393 = arith.constant 6 : i32
      %add3A_394 = vector.broadcast %add3A_393 : i32 to vector<16xi32>
      %add3A_395 = arith.addi %shift_left3A_353, %add3A_394 : vector<16xi32>
      %gather3A_396 = tpu.vector_load_idx %arg10[%iota3A, %add3A_395] : memref<16x128xf32, #tpu.memory_space<vmem>>[vector<16xi32>, vector<16xi32>], vector<16xf32>,
      %mul3A_397 = arith.mulf %gather3A_396, %gather3A_396 : vector<16xf32>
      %add3A_398 = arith.addf %add3A_392, %mul3A_397 : vector<16xf32>
      %add3A_399 = arith.constant 7 : i32
      %add3A_400 = vector.broadcast %add3A_399 : i32 to vector<16xi32>
      %add3A_401 = arith.addi %shift_left3A_353, %add3A_400 : vector<16xi32>
      %gather3A_402 = tpu.vector_load_idx %arg10[%iota3A, %add3A_401] : memref<16x128xf32, #tpu.memory_space<vmem>>[vector<16xi32>, vector<16xi32>], vector<16xf32>,
      %mul3A_403 = arith.mulf %gather3A_402, %gather3A_402 : vector<16xf32>
      %add3A_404 = arith.addf %add3A_398, %mul3A_403 : vector<16xf32>
      %add3A_405 = arith.constant 8 : i32
      %add3A_406 = vector.broadcast %add3A_405 : i32 to vector<16xi32>
      %add3A_407 = arith.addi %shift_left3A_353, %add3A_406 : vector<16xi32>
      %gather3A_408 = tpu.vector_load_idx %arg10[%iota3A, %add3A_407] : memref<16x128xf32, #tpu.memory_space<vmem>>[vector<16xi32>, vector<16xi32>], vector<16xf32>,
      %mul3A_409 = arith.mulf %gather3A_408, %gather3A_408 : vector<16xf32>
      %add3A_410 = arith.addf %add3A_404, %mul3A_409 : vector<16xf32>
      %add3A_411 = arith.constant 9 : i32
      %add3A_412 = vector.broadcast %add3A_411 : i32 to vector<16xi32>
      %add3A_413 = arith.addi %shift_left3A_353, %add3A_412 : vector<16xi32>
      %gather3A_414 = tpu.vector_load_idx %arg10[%iota3A, %add3A_413] : memref<16x128xf32, #tpu.memory_space<vmem>>[vector<16xi32>, vector<16xi32>], vector<16xf32>,
      %mul3A_415 = arith.mulf %gather3A_414, %gather3A_414 : vector<16xf32>
      %add3A_416 = arith.addf %add3A_410, %mul3A_415 : vector<16xf32>
      %add3A_417 = arith.constant 10 : i32
      %add3A_418 = vector.broadcast %add3A_417 : i32 to vector<16xi32>
      %add3A_419 = arith.addi %shift_left3A_353, %add3A_418 : vector<16xi32>
      %gather3A_420 = tpu.vector_load_idx %arg10[%iota3A, %add3A_419] : memref<16x128xf32, #tpu.memory_space<vmem>>[vector<16xi32>, vector<16xi32>], vector<16xf32>,
      %mul3A_421 = arith.mulf %gather3A_420, %gather3A_420 : vector<16xf32>
      %add3A_422 = arith.addf %add3A_416, %mul3A_421 : vector<16xf32>
      %add3A_423 = arith.constant 11 : i32
      %add3A_424 = vector.broadcast %add3A_423 : i32 to vector<16xi32>
      %add3A_425 = arith.addi %shift_left3A_353, %add3A_424 : vector<16xi32>
      %gather3A_426 = tpu.vector_load_idx %arg10[%iota3A, %add3A_425] : memref<16x128xf32, #tpu.memory_space<vmem>>[vector<16xi32>, vector<16xi32>], vector<16xf32>,
      %mul3A_427 = arith.mulf %gather3A_426, %gather3A_426 : vector<16xf32>
      %add3A_428 = arith.addf %add3A_422, %mul3A_427 : vector<16xf32>
      %add3A_429 = arith.constant 12 : i32
      %add3A_430 = vector.broadcast %add3A_429 : i32 to vector<16xi32>
      %add3A_431 = arith.addi %shift_left3A_353, %add3A_430 : vector<16xi32>
      %gather3A_432 = tpu.vector_load_idx %arg10[%iota3A, %add3A_431] : memref<16x128xf32, #tpu.memory_space<vmem>>[vector<16xi32>, vector<16xi32>], vector<16xf32>,
      %mul3A_433 = arith.mulf %gather3A_432, %gather3A_432 : vector<16xf32>
      %add3A_434 = arith.addf %add3A_428, %mul3A_433 : vector<16xf32>
      %add3A_435 = arith.constant 13 : i32
      %add3A_436 = vector.broadcast %add3A_435 : i32 to vector<16xi32>
      %add3A_437 = arith.addi %shift_left3A_353, %add3A_436 : vector<16xi32>
      %gather3A_438 = tpu.vector_load_idx %arg10[%iota3A, %add3A_437] : memref<16x128xf32, #tpu.memory_space<vmem>>[vector<16xi32>, vector<16xi32>], vector<16xf32>,
      %mul3A_439 = arith.mulf %gather3A_438, %gather3A_438 : vector<16xf32>
      %add3A_440 = arith.addf %add3A_434, %mul3A_439 : vector<16xf32>
      %add3A_441 = arith.constant 14 : i32
      %add3A_442 = vector.broadcast %add3A_441 : i32 to vector<16xi32>
      %add3A_443 = arith.addi %shift_left3A_353, %add3A_442 : vector<16xi32>
      %gather3A_444 = tpu.vector_load_idx %arg10[%iota3A, %add3A_443] : memref<16x128xf32, #tpu.memory_space<vmem>>[vector<16xi32>, vector<16xi32>], vector<16xf32>,
      %mul3A_445 = arith.mulf %gather3A_444, %gather3A_444 : vector<16xf32>
      %add3A_446 = arith.addf %add3A_440, %mul3A_445 : vector<16xf32>
      %add3A_447 = arith.constant 15 : i32
      %add3A_448 = vector.broadcast %add3A_447 : i32 to vector<16xi32>
      %add3A_449 = arith.addi %shift_left3A_353, %add3A_448 : vector<16xi32>
      %gather3A_450 = tpu.vector_load_idx %arg10[%iota3A, %add3A_449] : memref<16x128xf32, #tpu.memory_space<vmem>>[vector<16xi32>, vector<16xi32>], vector<16xf32>,
      %mul3A_451 = arith.mulf %gather3A_450, %gather3A_450 : vector<16xf32>
      %add3A_452 = arith.addf %add3A_446, %mul3A_451 : vector<16xf32>
      %broadcast_in_dim3A_453 = arith.constant 0.000000e+00 : f32
      %broadcast_in_dim3A_454 = vector.broadcast %broadcast_in_dim3A_453 : f32 to vector<16xf32>
      %broadcast_in_dim3A_455 = arith.constant 0 : i32
      %broadcast_in_dim3A_456 = vector.broadcast %broadcast_in_dim3A_455 : i32 to vector<16xi32>
      %gather3A_457 = tpu.vector_load_idx %arg11[%iota3A, %broadcast_in_dim3A_456, %and3A_356] : memref<16x48x128xf32, #tpu.memory_space<vmem>>[vector<16xi32>, vector<16xi32>, vector<16xi32>], vector<16xf32>,
      %mul3A_458 = arith.mulf %gather3A_457, %gather3A_457 : vector<16xf32>
      %add3A_459 = arith.addf %broadcast_in_dim3A_454, %mul3A_458 : vector<16xf32>
      %broadcast_in_dim3A_460 = arith.constant 1 : i32
      %broadcast_in_dim3A_461 = vector.broadcast %broadcast_in_dim3A_460 : i32 to vector<16xi32>
      %gather3A_462 = tpu.vector_load_idx %arg11[%iota3A, %broadcast_in_dim3A_461, %and3A_356] : memref<16x48x128xf32, #tpu.memory_space<vmem>>[vector<16xi32>, vector<16xi32>, vector<16xi32>], vector<16xf32>,
      %mul3A_463 = arith.mulf %gather3A_462, %gather3A_462 : vector<16xf32>
      %add3A_464 = arith.addf %add3A_459, %mul3A_463 : vector<16xf32>
      %broadcast_in_dim3A_465 = arith.constant 2 : i32
      %broadcast_in_dim3A_466 = vector.broadcast %broadcast_in_dim3A_465 : i32 to vector<16xi32>
      %gather3A_467 = tpu.vector_load_idx %arg11[%iota3A, %broadcast_in_dim3A_466, %and3A_356] : memref<16x48x128xf32, #tpu.memory_space<vmem>>[vector<16xi32>, vector<16xi32>, vector<16xi32>], vector<16xf32>,
      %mul3A_468 = arith.mulf %gather3A_467, %gather3A_467 : vector<16xf32>
      %add3A_469 = arith.addf %add3A_464, %mul3A_468 : vector<16xf32>
      %broadcast_in_dim3A_470 = arith.constant 3 : i32
      %broadcast_in_dim3A_471 = vector.broadcast %broadcast_in_dim3A_470 : i32 to vector<16xi32>
      %gather3A_472 = tpu.vector_load_idx %arg11[%iota3A, %broadcast_in_dim3A_471, %and3A_356] : memref<16x48x128xf32, #tpu.memory_space<vmem>>[vector<16xi32>, vector<16xi32>, vector<16xi32>], vector<16xf32>,
      %mul3A_473 = arith.mulf %gather3A_472, %gather3A_472 : vector<16xf32>
      %add3A_474 = arith.addf %add3A_469, %mul3A_473 : vector<16xf32>
      %broadcast_in_dim3A_475 = arith.constant 4 : i32
      %broadcast_in_dim3A_476 = vector.broadcast %broadcast_in_dim3A_475 : i32 to vector<16xi32>
      %gather3A_477 = tpu.vector_load_idx %arg11[%iota3A, %broadcast_in_dim3A_476, %and3A_356] : memref<16x48x128xf32, #tpu.memory_space<vmem>>[vector<16xi32>, vector<16xi32>, vector<16xi32>], vector<16xf32>,
      %mul3A_478 = arith.mulf %gather3A_477, %gather3A_477 : vector<16xf32>
      %add3A_479 = arith.addf %add3A_474, %mul3A_478 : vector<16xf32>
      %broadcast_in_dim3A_480 = arith.constant 5 : i32
      %broadcast_in_dim3A_481 = vector.broadcast %broadcast_in_dim3A_480 : i32 to vector<16xi32>
      %gather3A_482 = tpu.vector_load_idx %arg11[%iota3A, %broadcast_in_dim3A_481, %and3A_356] : memref<16x48x128xf32, #tpu.memory_space<vmem>>[vector<16xi32>, vector<16xi32>, vector<16xi32>], vector<16xf32>,
      %mul3A_483 = arith.mulf %gather3A_482, %gather3A_482 : vector<16xf32>
      %add3A_484 = arith.addf %add3A_479, %mul3A_483 : vector<16xf32>
      %broadcast_in_dim3A_485 = arith.constant 6 : i32
      %broadcast_in_dim3A_486 = vector.broadcast %broadcast_in_dim3A_485 : i32 to vector<16xi32>
      %gather3A_487 = tpu.vector_load_idx %arg11[%iota3A, %broadcast_in_dim3A_486, %and3A_356] : memref<16x48x128xf32, #tpu.memory_space<vmem>>[vector<16xi32>, vector<16xi32>, vector<16xi32>], vector<16xf32>,
      %mul3A_488 = arith.mulf %gather3A_487, %gather3A_487 : vector<16xf32>
      %add3A_489 = arith.addf %add3A_484, %mul3A_488 : vector<16xf32>
      %broadcast_in_dim3A_490 = arith.constant 7 : i32
      %broadcast_in_dim3A_491 = vector.broadcast %broadcast_in_dim3A_490 : i32 to vector<16xi32>
      %gather3A_492 = tpu.vector_load_idx %arg11[%iota3A, %broadcast_in_dim3A_491, %and3A_356] : memref<16x48x128xf32, #tpu.memory_space<vmem>>[vector<16xi32>, vector<16xi32>, vector<16xi32>], vector<16xf32>,
      %mul3A_493 = arith.mulf %gather3A_492, %gather3A_492 : vector<16xf32>
      %add3A_494 = arith.addf %add3A_489, %mul3A_493 : vector<16xf32>
      %broadcast_in_dim3A_495 = arith.constant 8 : i32
      %broadcast_in_dim3A_496 = vector.broadcast %broadcast_in_dim3A_495 : i32 to vector<16xi32>
      %gather3A_497 = tpu.vector_load_idx %arg11[%iota3A, %broadcast_in_dim3A_496, %and3A_356] : memref<16x48x128xf32, #tpu.memory_space<vmem>>[vector<16xi32>, vector<16xi32>, vector<16xi32>], vector<16xf32>,
      %mul3A_498 = arith.mulf %gather3A_497, %gather3A_497 : vector<16xf32>
      %add3A_499 = arith.addf %add3A_494, %mul3A_498 : vector<16xf32>
      %broadcast_in_dim3A_500 = arith.constant 9 : i32
      %broadcast_in_dim3A_501 = vector.broadcast %broadcast_in_dim3A_500 : i32 to vector<16xi32>
      %gather3A_502 = tpu.vector_load_idx %arg11[%iota3A, %broadcast_in_dim3A_501, %and3A_356] : memref<16x48x128xf32, #tpu.memory_space<vmem>>[vector<16xi32>, vector<16xi32>, vector<16xi32>], vector<16xf32>,
      %mul3A_503 = arith.mulf %gather3A_502, %gather3A_502 : vector<16xf32>
      %add3A_504 = arith.addf %add3A_499, %mul3A_503 : vector<16xf32>
      %broadcast_in_dim3A_505 = arith.constant 10 : i32
      %broadcast_in_dim3A_506 = vector.broadcast %broadcast_in_dim3A_505 : i32 to vector<16xi32>
      %gather3A_507 = tpu.vector_load_idx %arg11[%iota3A, %broadcast_in_dim3A_506, %and3A_356] : memref<16x48x128xf32, #tpu.memory_space<vmem>>[vector<16xi32>, vector<16xi32>, vector<16xi32>], vector<16xf32>,
      %mul3A_508 = arith.mulf %gather3A_507, %gather3A_507 : vector<16xf32>
      %add3A_509 = arith.addf %add3A_504, %mul3A_508 : vector<16xf32>
      %broadcast_in_dim3A_510 = arith.constant 11 : i32
      %broadcast_in_dim3A_511 = vector.broadcast %broadcast_in_dim3A_510 : i32 to vector<16xi32>
      %gather3A_512 = tpu.vector_load_idx %arg11[%iota3A, %broadcast_in_dim3A_511, %and3A_356] : memref<16x48x128xf32, #tpu.memory_space<vmem>>[vector<16xi32>, vector<16xi32>, vector<16xi32>], vector<16xf32>,
      %mul3A_513 = arith.mulf %gather3A_512, %gather3A_512 : vector<16xf32>
      %add3A_514 = arith.addf %add3A_509, %mul3A_513 : vector<16xf32>
      %broadcast_in_dim3A_515 = arith.constant 12 : i32
      %broadcast_in_dim3A_516 = vector.broadcast %broadcast_in_dim3A_515 : i32 to vector<16xi32>
      %gather3A_517 = tpu.vector_load_idx %arg11[%iota3A, %broadcast_in_dim3A_516, %and3A_356] : memref<16x48x128xf32, #tpu.memory_space<vmem>>[vector<16xi32>, vector<16xi32>, vector<16xi32>], vector<16xf32>,
      %mul3A_518 = arith.mulf %gather3A_517, %gather3A_517 : vector<16xf32>
      %add3A_519 = arith.addf %add3A_514, %mul3A_518 : vector<16xf32>
      %broadcast_in_dim3A_520 = arith.constant 13 : i32
      %broadcast_in_dim3A_521 = vector.broadcast %broadcast_in_dim3A_520 : i32 to vector<16xi32>
      %gather3A_522 = tpu.vector_load_idx %arg11[%iota3A, %broadcast_in_dim3A_521, %and3A_356] : memref<16x48x128xf32, #tpu.memory_space<vmem>>[vector<16xi32>, vector<16xi32>, vector<16xi32>], vector<16xf32>,
      %mul3A_523 = arith.mulf %gather3A_522, %gather3A_522 : vector<16xf32>
      %add3A_524 = arith.addf %add3A_519, %mul3A_523 : vector<16xf32>
      %broadcast_in_dim3A_525 = arith.constant 14 : i32
      %broadcast_in_dim3A_526 = vector.broadcast %broadcast_in_dim3A_525 : i32 to vector<16xi32>
      %gather3A_527 = tpu.vector_load_idx %arg11[%iota3A, %broadcast_in_dim3A_526, %and3A_356] : memref<16x48x128xf32, #tpu.memory_space<vmem>>[vector<16xi32>, vector<16xi32>, vector<16xi32>], vector<16xf32>,
      %mul3A_528 = arith.mulf %gather3A_527, %gather3A_527 : vector<16xf32>
      %add3A_529 = arith.addf %add3A_524, %mul3A_528 : vector<16xf32>
      %broadcast_in_dim3A_530 = arith.constant 15 : i32
      %broadcast_in_dim3A_531 = vector.broadcast %broadcast_in_dim3A_530 : i32 to vector<16xi32>
      %gather3A_532 = tpu.vector_load_idx %arg11[%iota3A, %broadcast_in_dim3A_531, %and3A_356] : memref<16x48x128xf32, #tpu.memory_space<vmem>>[vector<16xi32>, vector<16xi32>, vector<16xi32>], vector<16xf32>,
      %mul3A_533 = arith.mulf %gather3A_532, %gather3A_532 : vector<16xf32>
      %add3A_534 = arith.addf %add3A_529, %mul3A_533 : vector<16xf32>
      %broadcast_in_dim3A_535 = arith.constant 16 : i32
      %broadcast_in_dim3A_536 = vector.broadcast %broadcast_in_dim3A_535 : i32 to vector<16xi32>
      %gather3A_537 = tpu.vector_load_idx %arg11[%iota3A, %broadcast_in_dim3A_536, %and3A_356] : memref<16x48x128xf32, #tpu.memory_space<vmem>>[vector<16xi32>, vector<16xi32>, vector<16xi32>], vector<16xf32>,
      %mul3A_538 = arith.mulf %gather3A_537, %gather3A_537 : vector<16xf32>
      %add3A_539 = arith.addf %add3A_534, %mul3A_538 : vector<16xf32>
      %broadcast_in_dim3A_540 = arith.constant 17 : i32
      %broadcast_in_dim3A_541 = vector.broadcast %broadcast_in_dim3A_540 : i32 to vector<16xi32>
      %gather3A_542 = tpu.vector_load_idx %arg11[%iota3A, %broadcast_in_dim3A_541, %and3A_356] : memref<16x48x128xf32, #tpu.memory_space<vmem>>[vector<16xi32>, vector<16xi32>, vector<16xi32>], vector<16xf32>,
      %mul3A_543 = arith.mulf %gather3A_542, %gather3A_542 : vector<16xf32>
      %add3A_544 = arith.addf %add3A_539, %mul3A_543 : vector<16xf32>
      %broadcast_in_dim3A_545 = arith.constant 18 : i32
      %broadcast_in_dim3A_546 = vector.broadcast %broadcast_in_dim3A_545 : i32 to vector<16xi32>
      %gather3A_547 = tpu.vector_load_idx %arg11[%iota3A, %broadcast_in_dim3A_546, %and3A_356] : memref<16x48x128xf32, #tpu.memory_space<vmem>>[vector<16xi32>, vector<16xi32>, vector<16xi32>], vector<16xf32>,
      %mul3A_548 = arith.mulf %gather3A_547, %gather3A_547 : vector<16xf32>
      %add3A_549 = arith.addf %add3A_544, %mul3A_548 : vector<16xf32>
      %broadcast_in_dim3A_550 = arith.constant 19 : i32
      %broadcast_in_dim3A_551 = vector.broadcast %broadcast_in_dim3A_550 : i32 to vector<16xi32>
      %gather3A_552 = tpu.vector_load_idx %arg11[%iota3A, %broadcast_in_dim3A_551, %and3A_356] : memref<16x48x128xf32, #tpu.memory_space<vmem>>[vector<16xi32>, vector<16xi32>, vector<16xi32>], vector<16xf32>,
      %mul3A_553 = arith.mulf %gather3A_552, %gather3A_552 : vector<16xf32>
      %add3A_554 = arith.addf %add3A_549, %mul3A_553 : vector<16xf32>
      %broadcast_in_dim3A_555 = arith.constant 20 : i32
      %broadcast_in_dim3A_556 = vector.broadcast %broadcast_in_dim3A_555 : i32 to vector<16xi32>
      %gather3A_557 = tpu.vector_load_idx %arg11[%iota3A, %broadcast_in_dim3A_556, %and3A_356] : memref<16x48x128xf32, #tpu.memory_space<vmem>>[vector<16xi32>, vector<16xi32>, vector<16xi32>], vector<16xf32>,
      %mul3A_558 = arith.mulf %gather3A_557, %gather3A_557 : vector<16xf32>
      %add3A_559 = arith.addf %add3A_554, %mul3A_558 : vector<16xf32>
      %broadcast_in_dim3A_560 = arith.constant 21 : i32
      %broadcast_in_dim3A_561 = vector.broadcast %broadcast_in_dim3A_560 : i32 to vector<16xi32>
      %gather3A_562 = tpu.vector_load_idx %arg11[%iota3A, %broadcast_in_dim3A_561, %and3A_356] : memref<16x48x128xf32, #tpu.memory_space<vmem>>[vector<16xi32>, vector<16xi32>, vector<16xi32>], vector<16xf32>,
      %mul3A_563 = arith.mulf %gather3A_562, %gather3A_562 : vector<16xf32>
      %add3A_564 = arith.addf %add3A_559, %mul3A_563 : vector<16xf32>
      %broadcast_in_dim3A_565 = arith.constant 22 : i32
      %broadcast_in_dim3A_566 = vector.broadcast %broadcast_in_dim3A_565 : i32 to vector<16xi32>
      %gather3A_567 = tpu.vector_load_idx %arg11[%iota3A, %broadcast_in_dim3A_566, %and3A_356] : memref<16x48x128xf32, #tpu.memory_space<vmem>>[vector<16xi32>, vector<16xi32>, vector<16xi32>], vector<16xf32>,
      %mul3A_568 = arith.mulf %gather3A_567, %gather3A_567 : vector<16xf32>
      %add3A_569 = arith.addf %add3A_564, %mul3A_568 : vector<16xf32>
      %broadcast_in_dim3A_570 = arith.constant 23 : i32
      %broadcast_in_dim3A_571 = vector.broadcast %broadcast_in_dim3A_570 : i32 to vector<16xi32>
      %gather3A_572 = tpu.vector_load_idx %arg11[%iota3A, %broadcast_in_dim3A_571, %and3A_356] : memref<16x48x128xf32, #tpu.memory_space<vmem>>[vector<16xi32>, vector<16xi32>, vector<16xi32>], vector<16xf32>,
      %mul3A_573 = arith.mulf %gather3A_572, %gather3A_572 : vector<16xf32>
      %add3A_574 = arith.addf %add3A_569, %mul3A_573 : vector<16xf32>
      %broadcast_in_dim3A_575 = arith.constant 24 : i32
      %broadcast_in_dim3A_576 = vector.broadcast %broadcast_in_dim3A_575 : i32 to vector<16xi32>
      %gather3A_577 = tpu.vector_load_idx %arg11[%iota3A, %broadcast_in_dim3A_576, %and3A_356] : memref<16x48x128xf32, #tpu.memory_space<vmem>>[vector<16xi32>, vector<16xi32>, vector<16xi32>], vector<16xf32>,
      %mul3A_578 = arith.mulf %gather3A_577, %gather3A_577 : vector<16xf32>
      %add3A_579 = arith.addf %add3A_574, %mul3A_578 : vector<16xf32>
      %broadcast_in_dim3A_580 = arith.constant 25 : i32
      %broadcast_in_dim3A_581 = vector.broadcast %broadcast_in_dim3A_580 : i32 to vector<16xi32>
      %gather3A_582 = tpu.vector_load_idx %arg11[%iota3A, %broadcast_in_dim3A_581, %and3A_356] : memref<16x48x128xf32, #tpu.memory_space<vmem>>[vector<16xi32>, vector<16xi32>, vector<16xi32>], vector<16xf32>,
      %mul3A_583 = arith.mulf %gather3A_582, %gather3A_582 : vector<16xf32>
      %add3A_584 = arith.addf %add3A_579, %mul3A_583 : vector<16xf32>
      %broadcast_in_dim3A_585 = arith.constant 26 : i32
      %broadcast_in_dim3A_586 = vector.broadcast %broadcast_in_dim3A_585 : i32 to vector<16xi32>
      %gather3A_587 = tpu.vector_load_idx %arg11[%iota3A, %broadcast_in_dim3A_586, %and3A_356] : memref<16x48x128xf32, #tpu.memory_space<vmem>>[vector<16xi32>, vector<16xi32>, vector<16xi32>], vector<16xf32>,
      %mul3A_588 = arith.mulf %gather3A_587, %gather3A_587 : vector<16xf32>
      %add3A_589 = arith.addf %add3A_584, %mul3A_588 : vector<16xf32>
      %broadcast_in_dim3A_590 = arith.constant 27 : i32
      %broadcast_in_dim3A_591 = vector.broadcast %broadcast_in_dim3A_590 : i32 to vector<16xi32>
      %gather3A_592 = tpu.vector_load_idx %arg11[%iota3A, %broadcast_in_dim3A_591, %and3A_356] : memref<16x48x128xf32, #tpu.memory_space<vmem>>[vector<16xi32>, vector<16xi32>, vector<16xi32>], vector<16xf32>,
      %mul3A_593 = arith.mulf %gather3A_592, %gather3A_592 : vector<16xf32>
      %add3A_594 = arith.addf %add3A_589, %mul3A_593 : vector<16xf32>
      %broadcast_in_dim3A_595 = arith.constant 28 : i32
      %broadcast_in_dim3A_596 = vector.broadcast %broadcast_in_dim3A_595 : i32 to vector<16xi32>
      %gather3A_597 = tpu.vector_load_idx %arg11[%iota3A, %broadcast_in_dim3A_596, %and3A_356] : memref<16x48x128xf32, #tpu.memory_space<vmem>>[vector<16xi32>, vector<16xi32>, vector<16xi32>], vector<16xf32>,
      %mul3A_598 = arith.mulf %gather3A_597, %gather3A_597 : vector<16xf32>
      %add3A_599 = arith.addf %add3A_594, %mul3A_598 : vector<16xf32>
      %broadcast_in_dim3A_600 = arith.constant 29 : i32
      %broadcast_in_dim3A_601 = vector.broadcast %broadcast_in_dim3A_600 : i32 to vector<16xi32>
      %gather3A_602 = tpu.vector_load_idx %arg11[%iota3A, %broadcast_in_dim3A_601, %and3A_356] : memref<16x48x128xf32, #tpu.memory_space<vmem>>[vector<16xi32>, vector<16xi32>, vector<16xi32>], vector<16xf32>,
      %mul3A_603 = arith.mulf %gather3A_602, %gather3A_602 : vector<16xf32>
      %add3A_604 = arith.addf %add3A_599, %mul3A_603 : vector<16xf32>
      %broadcast_in_dim3A_605 = arith.constant 30 : i32
      %broadcast_in_dim3A_606 = vector.broadcast %broadcast_in_dim3A_605 : i32 to vector<16xi32>
      %gather3A_607 = tpu.vector_load_idx %arg11[%iota3A, %broadcast_in_dim3A_606, %and3A_356] : memref<16x48x128xf32, #tpu.memory_space<vmem>>[vector<16xi32>, vector<16xi32>, vector<16xi32>], vector<16xf32>,
      %mul3A_608 = arith.mulf %gather3A_607, %gather3A_607 : vector<16xf32>
      %add3A_609 = arith.addf %add3A_604, %mul3A_608 : vector<16xf32>
      %broadcast_in_dim3A_610 = arith.constant 31 : i32
      %broadcast_in_dim3A_611 = vector.broadcast %broadcast_in_dim3A_610 : i32 to vector<16xi32>
      %gather3A_612 = tpu.vector_load_idx %arg11[%iota3A, %broadcast_in_dim3A_611, %and3A_356] : memref<16x48x128xf32, #tpu.memory_space<vmem>>[vector<16xi32>, vector<16xi32>, vector<16xi32>], vector<16xf32>,
      %mul3A_613 = arith.mulf %gather3A_612, %gather3A_612 : vector<16xf32>
      %add3A_614 = arith.addf %add3A_609, %mul3A_613 : vector<16xf32>
      %broadcast_in_dim3A_615 = arith.constant 32 : i32
      %broadcast_in_dim3A_616 = vector.broadcast %broadcast_in_dim3A_615 : i32 to vector<16xi32>
      %gather3A_617 = tpu.vector_load_idx %arg11[%iota3A, %broadcast_in_dim3A_616, %and3A_356] : memref<16x48x128xf32, #tpu.memory_space<vmem>>[vector<16xi32>, vector<16xi32>, vector<16xi32>], vector<16xf32>,
      %mul3A_618 = arith.mulf %gather3A_617, %gather3A_617 : vector<16xf32>
      %add3A_619 = arith.addf %add3A_614, %mul3A_618 : vector<16xf32>
      %broadcast_in_dim3A_620 = arith.constant 33 : i32
      %broadcast_in_dim3A_621 = vector.broadcast %broadcast_in_dim3A_620 : i32 to vector<16xi32>
      %gather3A_622 = tpu.vector_load_idx %arg11[%iota3A, %broadcast_in_dim3A_621, %and3A_356] : memref<16x48x128xf32, #tpu.memory_space<vmem>>[vector<16xi32>, vector<16xi32>, vector<16xi32>], vector<16xf32>,
      %mul3A_623 = arith.mulf %gather3A_622, %gather3A_622 : vector<16xf32>
      %add3A_624 = arith.addf %add3A_619, %mul3A_623 : vector<16xf32>
      %broadcast_in_dim3A_625 = arith.constant 34 : i32
      %broadcast_in_dim3A_626 = vector.broadcast %broadcast_in_dim3A_625 : i32 to vector<16xi32>
      %gather3A_627 = tpu.vector_load_idx %arg11[%iota3A, %broadcast_in_dim3A_626, %and3A_356] : memref<16x48x128xf32, #tpu.memory_space<vmem>>[vector<16xi32>, vector<16xi32>, vector<16xi32>], vector<16xf32>,
      %mul3A_628 = arith.mulf %gather3A_627, %gather3A_627 : vector<16xf32>
      %add3A_629 = arith.addf %add3A_624, %mul3A_628 : vector<16xf32>
      %broadcast_in_dim3A_630 = arith.constant 35 : i32
      %broadcast_in_dim3A_631 = vector.broadcast %broadcast_in_dim3A_630 : i32 to vector<16xi32>
      %gather3A_632 = tpu.vector_load_idx %arg11[%iota3A, %broadcast_in_dim3A_631, %and3A_356] : memref<16x48x128xf32, #tpu.memory_space<vmem>>[vector<16xi32>, vector<16xi32>, vector<16xi32>], vector<16xf32>,
      %mul3A_633 = arith.mulf %gather3A_632, %gather3A_632 : vector<16xf32>
      %add3A_634 = arith.addf %add3A_629, %mul3A_633 : vector<16xf32>
      %broadcast_in_dim3A_635 = arith.constant 36 : i32
      %broadcast_in_dim3A_636 = vector.broadcast %broadcast_in_dim3A_635 : i32 to vector<16xi32>
      %gather3A_637 = tpu.vector_load_idx %arg11[%iota3A, %broadcast_in_dim3A_636, %and3A_356] : memref<16x48x128xf32, #tpu.memory_space<vmem>>[vector<16xi32>, vector<16xi32>, vector<16xi32>], vector<16xf32>,
      %mul3A_638 = arith.mulf %gather3A_637, %gather3A_637 : vector<16xf32>
      %add3A_639 = arith.addf %add3A_634, %mul3A_638 : vector<16xf32>
      %broadcast_in_dim3A_640 = arith.constant 37 : i32
      %broadcast_in_dim3A_641 = vector.broadcast %broadcast_in_dim3A_640 : i32 to vector<16xi32>
      %gather3A_642 = tpu.vector_load_idx %arg11[%iota3A, %broadcast_in_dim3A_641, %and3A_356] : memref<16x48x128xf32, #tpu.memory_space<vmem>>[vector<16xi32>, vector<16xi32>, vector<16xi32>], vector<16xf32>,
      %mul3A_643 = arith.mulf %gather3A_642, %gather3A_642 : vector<16xf32>
      %add3A_644 = arith.addf %add3A_639, %mul3A_643 : vector<16xf32>
      %broadcast_in_dim3A_645 = arith.constant 38 : i32
      %broadcast_in_dim3A_646 = vector.broadcast %broadcast_in_dim3A_645 : i32 to vector<16xi32>
      %gather3A_647 = tpu.vector_load_idx %arg11[%iota3A, %broadcast_in_dim3A_646, %and3A_356] : memref<16x48x128xf32, #tpu.memory_space<vmem>>[vector<16xi32>, vector<16xi32>, vector<16xi32>], vector<16xf32>,
      %mul3A_648 = arith.mulf %gather3A_647, %gather3A_647 : vector<16xf32>
      %add3A_649 = arith.addf %add3A_644, %mul3A_648 : vector<16xf32>
      %broadcast_in_dim3A_650 = arith.constant 39 : i32
      %broadcast_in_dim3A_651 = vector.broadcast %broadcast_in_dim3A_650 : i32 to vector<16xi32>
      %gather3A_652 = tpu.vector_load_idx %arg11[%iota3A, %broadcast_in_dim3A_651, %and3A_356] : memref<16x48x128xf32, #tpu.memory_space<vmem>>[vector<16xi32>, vector<16xi32>, vector<16xi32>], vector<16xf32>,
      %mul3A_653 = arith.mulf %gather3A_652, %gather3A_652 : vector<16xf32>
      %add3A_654 = arith.addf %add3A_649, %mul3A_653 : vector<16xf32>
      %broadcast_in_dim3A_655 = arith.constant 40 : i32
      %broadcast_in_dim3A_656 = vector.broadcast %broadcast_in_dim3A_655 : i32 to vector<16xi32>
      %gather3A_657 = tpu.vector_load_idx %arg11[%iota3A, %broadcast_in_dim3A_656, %and3A_356] : memref<16x48x128xf32, #tpu.memory_space<vmem>>[vector<16xi32>, vector<16xi32>, vector<16xi32>], vector<16xf32>,
      %mul3A_658 = arith.mulf %gather3A_657, %gather3A_657 : vector<16xf32>
      %add3A_659 = arith.addf %add3A_654, %mul3A_658 : vector<16xf32>
      %broadcast_in_dim3A_660 = arith.constant 41 : i32
      %broadcast_in_dim3A_661 = vector.broadcast %broadcast_in_dim3A_660 : i32 to vector<16xi32>
      %gather3A_662 = tpu.vector_load_idx %arg11[%iota3A, %broadcast_in_dim3A_661, %and3A_356] : memref<16x48x128xf32, #tpu.memory_space<vmem>>[vector<16xi32>, vector<16xi32>, vector<16xi32>], vector<16xf32>,
      %mul3A_663 = arith.mulf %gather3A_662, %gather3A_662 : vector<16xf32>
      %add3A_664 = arith.addf %add3A_659, %mul3A_663 : vector<16xf32>
      %broadcast_in_dim3A_665 = arith.constant 42 : i32
      %broadcast_in_dim3A_666 = vector.broadcast %broadcast_in_dim3A_665 : i32 to vector<16xi32>
      %gather3A_667 = tpu.vector_load_idx %arg11[%iota3A, %broadcast_in_dim3A_666, %and3A_356] : memref<16x48x128xf32, #tpu.memory_space<vmem>>[vector<16xi32>, vector<16xi32>, vector<16xi32>], vector<16xf32>,
      %mul3A_668 = arith.mulf %gather3A_667, %gather3A_667 : vector<16xf32>
      %add3A_669 = arith.addf %add3A_664, %mul3A_668 : vector<16xf32>
      %broadcast_in_dim3A_670 = arith.constant 43 : i32
      %broadcast_in_dim3A_671 = vector.broadcast %broadcast_in_dim3A_670 : i32 to vector<16xi32>
      %gather3A_672 = tpu.vector_load_idx %arg11[%iota3A, %broadcast_in_dim3A_671, %and3A_356] : memref<16x48x128xf32, #tpu.memory_space<vmem>>[vector<16xi32>, vector<16xi32>, vector<16xi32>], vector<16xf32>,
      %mul3A_673 = arith.mulf %gather3A_672, %gather3A_672 : vector<16xf32>
      %add3A_674 = arith.addf %add3A_669, %mul3A_673 : vector<16xf32>
      %broadcast_in_dim3A_675 = arith.constant 44 : i32
      %broadcast_in_dim3A_676 = vector.broadcast %broadcast_in_dim3A_675 : i32 to vector<16xi32>
      %gather3A_677 = tpu.vector_load_idx %arg11[%iota3A, %broadcast_in_dim3A_676, %and3A_356] : memref<16x48x128xf32, #tpu.memory_space<vmem>>[vector<16xi32>, vector<16xi32>, vector<16xi32>], vector<16xf32>,
      %mul3A_678 = arith.mulf %gather3A_677, %gather3A_677 : vector<16xf32>
      %add3A_679 = arith.addf %add3A_674, %mul3A_678 : vector<16xf32>
      %broadcast_in_dim3A_680 = arith.constant 45 : i32
      %broadcast_in_dim3A_681 = vector.broadcast %broadcast_in_dim3A_680 : i32 to vector<16xi32>
      %gather3A_682 = tpu.vector_load_idx %arg11[%iota3A, %broadcast_in_dim3A_681, %and3A_356] : memref<16x48x128xf32, #tpu.memory_space<vmem>>[vector<16xi32>, vector<16xi32>, vector<16xi32>], vector<16xf32>,
      %mul3A_683 = arith.mulf %gather3A_682, %gather3A_682 : vector<16xf32>
      %add3A_684 = arith.addf %add3A_679, %mul3A_683 : vector<16xf32>
      %broadcast_in_dim3A_685 = arith.constant 46 : i32
      %broadcast_in_dim3A_686 = vector.broadcast %broadcast_in_dim3A_685 : i32 to vector<16xi32>
      %gather3A_687 = tpu.vector_load_idx %arg11[%iota3A, %broadcast_in_dim3A_686, %and3A_356] : memref<16x48x128xf32, #tpu.memory_space<vmem>>[vector<16xi32>, vector<16xi32>, vector<16xi32>], vector<16xf32>,
      %mul3A_688 = arith.mulf %gather3A_687, %gather3A_687 : vector<16xf32>
      %add3A_689 = arith.addf %add3A_684, %mul3A_688 : vector<16xf32>
      %broadcast_in_dim3A_690 = arith.constant 47 : i32
      %broadcast_in_dim3A_691 = vector.broadcast %broadcast_in_dim3A_690 : i32 to vector<16xi32>
      %gather3A_692 = tpu.vector_load_idx %arg11[%iota3A, %broadcast_in_dim3A_691, %and3A_356] : memref<16x48x128xf32, #tpu.memory_space<vmem>>[vector<16xi32>, vector<16xi32>, vector<16xi32>], vector<16xf32>,
      %mul3A_693 = arith.mulf %gather3A_692, %gather3A_692 : vector<16xf32>
      %add3A_694 = arith.addf %add3A_689, %mul3A_693 : vector<16xf32>
      %max3A = arith.constant 9.99999982E-15 : f32
      %max3A_695 = vector.broadcast %max3A : f32 to vector<16xf32>
      %max3A_696 = arith.maximumf %add3A_452, %max3A_695 : vector<16xf32>
      %bitcast_convert_type3A = tpu.bitcast %max3A_696 : vector<16xf32> -> vector<16xi32>
      %shift_right_logical3A_697 = arith.constant 1 : i32
      %shift_right_logical3A_698 = vector.broadcast %shift_right_logical3A_697 : i32 to vector<16xi32>
      %shift_right_logical3A_699 = arith.shrui %bitcast_convert_type3A, %shift_right_logical3A_698 : vector<16xi32>
      %sub3A = arith.constant 1597463007 : i32
      %sub3A_700 = vector.broadcast %sub3A : i32 to vector<16xi32>
      %sub3A_701 = arith.subi %sub3A_700, %shift_right_logical3A_699 : vector<16xi32>
      %bitcast_convert_type3A_702 = tpu.bitcast %sub3A_701 : vector<16xi32> -> vector<16xf32>
      %mul3A_703 = arith.constant 5.000000e-01 : f32
      %mul3A_704 = vector.broadcast %mul3A_703 : f32 to vector<16xf32>
      %mul3A_705 = arith.mulf %mul3A_704, %max3A_696 : vector<16xf32>
      %mul3A_706 = arith.mulf %mul3A_705, %bitcast_convert_type3A_702 : vector<16xf32>
      %mul3A_707 = arith.mulf %mul3A_706, %bitcast_convert_type3A_702 : vector<16xf32>
      %sub3A_708 = arith.constant 1.500000e+00 : f32
      %sub3A_709 = vector.broadcast %sub3A_708 : f32 to vector<16xf32>
      %sub3A_710 = arith.subf %sub3A_709, %mul3A_707 : vector<16xf32>
      %mul3A_711 = arith.mulf %bitcast_convert_type3A_702, %sub3A_710 : vector<16xf32>
      %mul3A_712 = arith.constant 5.000000e-01 : f32
      %mul3A_713 = vector.broadcast %mul3A_712 : f32 to vector<16xf32>
      %mul3A_714 = arith.mulf %mul3A_713, %max3A_696 : vector<16xf32>
      %mul3A_715 = arith.mulf %mul3A_714, %mul3A_711 : vector<16xf32>
      %mul3A_716 = arith.mulf %mul3A_715, %mul3A_711 : vector<16xf32>
      %sub3A_717 = arith.constant 1.500000e+00 : f32
      %sub3A_718 = vector.broadcast %sub3A_717 : f32 to vector<16xf32>
      %sub3A_719 = arith.subf %sub3A_718, %mul3A_716 : vector<16xf32>
      %mul3A_720 = arith.mulf %mul3A_711, %sub3A_719 : vector<16xf32>
      %mul3A_721 = arith.constant 5.000000e-01 : f32
      %mul3A_722 = vector.broadcast %mul3A_721 : f32 to vector<16xf32>
      %mul3A_723 = arith.mulf %mul3A_722, %max3A_696 : vector<16xf32>
      %mul3A_724 = arith.mulf %mul3A_723, %mul3A_720 : vector<16xf32>
      %mul3A_725 = arith.mulf %mul3A_724, %mul3A_720 : vector<16xf32>
      %sub3A_726 = arith.constant 1.500000e+00 : f32
      %sub3A_727 = vector.broadcast %sub3A_726 : f32 to vector<16xf32>
      %sub3A_728 = arith.subf %sub3A_727, %mul3A_725 : vector<16xf32>
      %mul3A_729 = arith.mulf %mul3A_720, %sub3A_728 : vector<16xf32>
      %mul3A_730 = arith.constant 2.000000e+00 : f32
      %mul3A_731 = vector.broadcast %mul3A_730 : f32 to vector<16xf32>
      %mul3A_732 = arith.mulf %mul3A_731, %mul3A_729 : vector<16xf32>
      %min3A = arith.constant 1.000000e+00 : f32
      %min3A_733 = vector.broadcast %min3A : f32 to vector<16xf32>
      %min3A_734 = arith.minimumf %min3A_733, %mul3A_732 : vector<16xf32>
      %max3A_735 = arith.constant 9.99999982E-15 : f32
      %max3A_736 = vector.broadcast %max3A_735 : f32 to vector<16xf32>
      %max3A_737 = arith.maximumf %add3A_694, %max3A_736 : vector<16xf32>
      %bitcast_convert_type3A_738 = tpu.bitcast %max3A_737 : vector<16xf32> -> vector<16xi32>
      %shift_right_logical3A_739 = arith.constant 1 : i32
      %shift_right_logical3A_740 = vector.broadcast %shift_right_logical3A_739 : i32 to vector<16xi32>
      %shift_right_logical3A_741 = arith.shrui %bitcast_convert_type3A_738, %shift_right_logical3A_740 : vector<16xi32>
      %sub3A_742 = arith.constant 1597463007 : i32
      %sub3A_743 = vector.broadcast %sub3A_742 : i32 to vector<16xi32>
      %sub3A_744 = arith.subi %sub3A_743, %shift_right_logical3A_741 : vector<16xi32>
      %bitcast_convert_type3A_745 = tpu.bitcast %sub3A_744 : vector<16xi32> -> vector<16xf32>
      %mul3A_746 = arith.constant 5.000000e-01 : f32
      %mul3A_747 = vector.broadcast %mul3A_746 : f32 to vector<16xf32>
      %mul3A_748 = arith.mulf %mul3A_747, %max3A_737 : vector<16xf32>
      %mul3A_749 = arith.mulf %mul3A_748, %bitcast_convert_type3A_745 : vector<16xf32>
      %mul3A_750 = arith.mulf %mul3A_749, %bitcast_convert_type3A_745 : vector<16xf32>
      %sub3A_751 = arith.constant 1.500000e+00 : f32
      %sub3A_752 = vector.broadcast %sub3A_751 : f32 to vector<16xf32>
      %sub3A_753 = arith.subf %sub3A_752, %mul3A_750 : vector<16xf32>
      %mul3A_754 = arith.mulf %bitcast_convert_type3A_745, %sub3A_753 : vector<16xf32>
      %mul3A_755 = arith.constant 5.000000e-01 : f32
      %mul3A_756 = vector.broadcast %mul3A_755 : f32 to vector<16xf32>
      %mul3A_757 = arith.mulf %mul3A_756, %max3A_737 : vector<16xf32>
      %mul3A_758 = arith.mulf %mul3A_757, %mul3A_754 : vector<16xf32>
      %mul3A_759 = arith.mulf %mul3A_758, %mul3A_754 : vector<16xf32>
      %sub3A_760 = arith.constant 1.500000e+00 : f32
      %sub3A_761 = vector.broadcast %sub3A_760 : f32 to vector<16xf32>
      %sub3A_762 = arith.subf %sub3A_761, %mul3A_759 : vector<16xf32>
      %mul3A_763 = arith.mulf %mul3A_754, %sub3A_762 : vector<16xf32>
      %mul3A_764 = arith.constant 5.000000e-01 : f32
      %mul3A_765 = vector.broadcast %mul3A_764 : f32 to vector<16xf32>
      %mul3A_766 = arith.mulf %mul3A_765, %max3A_737 : vector<16xf32>
      %mul3A_767 = arith.mulf %mul3A_766, %mul3A_763 : vector<16xf32>
      %mul3A_768 = arith.mulf %mul3A_767, %mul3A_763 : vector<16xf32>
      %sub3A_769 = arith.constant 1.500000e+00 : f32
      %sub3A_770 = vector.broadcast %sub3A_769 : f32 to vector<16xf32>
      %sub3A_771 = arith.subf %sub3A_770, %mul3A_768 : vector<16xf32>
      %mul3A_772 = arith.mulf %mul3A_763, %sub3A_771 : vector<16xf32>
      %mul3A_773 = arith.constant 2.000000e+00 : f32
      %mul3A_774 = vector.broadcast %mul3A_773 : f32 to vector<16xf32>
      %mul3A_775 = arith.mulf %mul3A_774, %mul3A_772 : vector<16xf32>
      %min3A_776 = arith.constant 1.000000e+00 : f32
      %min3A_777 = vector.broadcast %min3A_776 : f32 to vector<16xf32>
      %min3A_778 = arith.minimumf %min3A_777, %mul3A_775 : vector<16xf32>
      %mul3A_779 = arith.constant 64 : i32
      %mul3A_780 = vector.broadcast %mul3A_779 : i32 to vector<16xi32>
      %mul3A_781 = arith.muli %iota3A, %mul3A_780 : vector<16xi32>
      %add3A_782 = arith.constant 0 : i32
      %add3A_783 = vector.broadcast %add3A_782 : i32 to vector<16xi32>
      %add3A_784 = arith.addi %shift_left3A_353, %add3A_783 : vector<16xi32>
      %gather3A_785 = tpu.vector_load_idx %arg10[%iota3A, %add3A_784] : memref<16x128xf32, #tpu.memory_space<vmem>>[vector<16xi32>, vector<16xi32>], vector<16xf32>,
      %add3A_786 = arith.constant 0 : i32
      %add3A_787 = vector.broadcast %add3A_786 : i32 to vector<16xi32>
      %add3A_788 = arith.addi %mul3A_781, %add3A_787 : vector<16xi32>
      %mul3A_789 = arith.mulf %gather3A_785, %min3A_734 : vector<16xf32>
      tpu.vector_store_idx %arg12[%add3A_788], %mul3A_789 : memref<1024xf32, #tpu.memory_space<vmem>>[vector<16xi32>], vector<16xf32>,
      %add3A_790 = arith.constant 1 : i32
      %add3A_791 = vector.broadcast %add3A_790 : i32 to vector<16xi32>
      %add3A_792 = arith.addi %shift_left3A_353, %add3A_791 : vector<16xi32>
      %gather3A_793 = tpu.vector_load_idx %arg10[%iota3A, %add3A_792] : memref<16x128xf32, #tpu.memory_space<vmem>>[vector<16xi32>, vector<16xi32>], vector<16xf32>,
      %add3A_794 = arith.constant 1 : i32
      %add3A_795 = vector.broadcast %add3A_794 : i32 to vector<16xi32>
      %add3A_796 = arith.addi %mul3A_781, %add3A_795 : vector<16xi32>
      %mul3A_797 = arith.mulf %gather3A_793, %min3A_734 : vector<16xf32>
      tpu.vector_store_idx %arg12[%add3A_796], %mul3A_797 : memref<1024xf32, #tpu.memory_space<vmem>>[vector<16xi32>], vector<16xf32>,
      %add3A_798 = arith.constant 2 : i32
      %add3A_799 = vector.broadcast %add3A_798 : i32 to vector<16xi32>
      %add3A_800 = arith.addi %shift_left3A_353, %add3A_799 : vector<16xi32>
      %gather3A_801 = tpu.vector_load_idx %arg10[%iota3A, %add3A_800] : memref<16x128xf32, #tpu.memory_space<vmem>>[vector<16xi32>, vector<16xi32>], vector<16xf32>,
      %add3A_802 = arith.constant 2 : i32
      %add3A_803 = vector.broadcast %add3A_802 : i32 to vector<16xi32>
      %add3A_804 = arith.addi %mul3A_781, %add3A_803 : vector<16xi32>
      %mul3A_805 = arith.mulf %gather3A_801, %min3A_734 : vector<16xf32>
      tpu.vector_store_idx %arg12[%add3A_804], %mul3A_805 : memref<1024xf32, #tpu.memory_space<vmem>>[vector<16xi32>], vector<16xf32>,
      %add3A_806 = arith.constant 3 : i32
      %add3A_807 = vector.broadcast %add3A_806 : i32 to vector<16xi32>
      %add3A_808 = arith.addi %shift_left3A_353, %add3A_807 : vector<16xi32>
      %gather3A_809 = tpu.vector_load_idx %arg10[%iota3A, %add3A_808] : memref<16x128xf32, #tpu.memory_space<vmem>>[vector<16xi32>, vector<16xi32>], vector<16xf32>,
      %add3A_810 = arith.constant 3 : i32
      %add3A_811 = vector.broadcast %add3A_810 : i32 to vector<16xi32>
      %add3A_812 = arith.addi %mul3A_781, %add3A_811 : vector<16xi32>
      %mul3A_813 = arith.mulf %gather3A_809, %min3A_734 : vector<16xf32>
      tpu.vector_store_idx %arg12[%add3A_812], %mul3A_813 : memref<1024xf32, #tpu.memory_space<vmem>>[vector<16xi32>], vector<16xf32>,
      %add3A_814 = arith.constant 4 : i32
      %add3A_815 = vector.broadcast %add3A_814 : i32 to vector<16xi32>
      %add3A_816 = arith.addi %shift_left3A_353, %add3A_815 : vector<16xi32>
      %gather3A_817 = tpu.vector_load_idx %arg10[%iota3A, %add3A_816] : memref<16x128xf32, #tpu.memory_space<vmem>>[vector<16xi32>, vector<16xi32>], vector<16xf32>,
      %add3A_818 = arith.constant 4 : i32
      %add3A_819 = vector.broadcast %add3A_818 : i32 to vector<16xi32>
      %add3A_820 = arith.addi %mul3A_781, %add3A_819 : vector<16xi32>
      %mul3A_821 = arith.mulf %gather3A_817, %min3A_734 : vector<16xf32>
      tpu.vector_store_idx %arg12[%add3A_820], %mul3A_821 : memref<1024xf32, #tpu.memory_space<vmem>>[vector<16xi32>], vector<16xf32>,
      %add3A_822 = arith.constant 5 : i32
      %add3A_823 = vector.broadcast %add3A_822 : i32 to vector<16xi32>
      %add3A_824 = arith.addi %shift_left3A_353, %add3A_823 : vector<16xi32>
      %gather3A_825 = tpu.vector_load_idx %arg10[%iota3A, %add3A_824] : memref<16x128xf32, #tpu.memory_space<vmem>>[vector<16xi32>, vector<16xi32>], vector<16xf32>,
      %add3A_826 = arith.constant 5 : i32
      %add3A_827 = vector.broadcast %add3A_826 : i32 to vector<16xi32>
      %add3A_828 = arith.addi %mul3A_781, %add3A_827 : vector<16xi32>
      %mul3A_829 = arith.mulf %gather3A_825, %min3A_734 : vector<16xf32>
      tpu.vector_store_idx %arg12[%add3A_828], %mul3A_829 : memref<1024xf32, #tpu.memory_space<vmem>>[vector<16xi32>], vector<16xf32>,
      %add3A_830 = arith.constant 6 : i32
      %add3A_831 = vector.broadcast %add3A_830 : i32 to vector<16xi32>
      %add3A_832 = arith.addi %shift_left3A_353, %add3A_831 : vector<16xi32>
      %gather3A_833 = tpu.vector_load_idx %arg10[%iota3A, %add3A_832] : memref<16x128xf32, #tpu.memory_space<vmem>>[vector<16xi32>, vector<16xi32>], vector<16xf32>,
      %add3A_834 = arith.constant 6 : i32
      %add3A_835 = vector.broadcast %add3A_834 : i32 to vector<16xi32>
      %add3A_836 = arith.addi %mul3A_781, %add3A_835 : vector<16xi32>
      %mul3A_837 = arith.mulf %gather3A_833, %min3A_734 : vector<16xf32>
      tpu.vector_store_idx %arg12[%add3A_836], %mul3A_837 : memref<1024xf32, #tpu.memory_space<vmem>>[vector<16xi32>], vector<16xf32>,
      %add3A_838 = arith.constant 7 : i32
      %add3A_839 = vector.broadcast %add3A_838 : i32 to vector<16xi32>
      %add3A_840 = arith.addi %shift_left3A_353, %add3A_839 : vector<16xi32>
      %gather3A_841 = tpu.vector_load_idx %arg10[%iota3A, %add3A_840] : memref<16x128xf32, #tpu.memory_space<vmem>>[vector<16xi32>, vector<16xi32>], vector<16xf32>,
      %add3A_842 = arith.constant 7 : i32
      %add3A_843 = vector.broadcast %add3A_842 : i32 to vector<16xi32>
      %add3A_844 = arith.addi %mul3A_781, %add3A_843 : vector<16xi32>
      %mul3A_845 = arith.mulf %gather3A_841, %min3A_734 : vector<16xf32>
      tpu.vector_store_idx %arg12[%add3A_844], %mul3A_845 : memref<1024xf32, #tpu.memory_space<vmem>>[vector<16xi32>], vector<16xf32>,
      %add3A_846 = arith.constant 8 : i32
      %add3A_847 = vector.broadcast %add3A_846 : i32 to vector<16xi32>
      %add3A_848 = arith.addi %shift_left3A_353, %add3A_847 : vector<16xi32>
      %gather3A_849 = tpu.vector_load_idx %arg10[%iota3A, %add3A_848] : memref<16x128xf32, #tpu.memory_space<vmem>>[vector<16xi32>, vector<16xi32>], vector<16xf32>,
      %add3A_850 = arith.constant 8 : i32
      %add3A_851 = vector.broadcast %add3A_850 : i32 to vector<16xi32>
      %add3A_852 = arith.addi %mul3A_781, %add3A_851 : vector<16xi32>
      %mul3A_853 = arith.mulf %gather3A_849, %min3A_734 : vector<16xf32>
      tpu.vector_store_idx %arg12[%add3A_852], %mul3A_853 : memref<1024xf32, #tpu.memory_space<vmem>>[vector<16xi32>], vector<16xf32>,
      %add3A_854 = arith.constant 9 : i32
      %add3A_855 = vector.broadcast %add3A_854 : i32 to vector<16xi32>
      %add3A_856 = arith.addi %shift_left3A_353, %add3A_855 : vector<16xi32>
      %gather3A_857 = tpu.vector_load_idx %arg10[%iota3A, %add3A_856] : memref<16x128xf32, #tpu.memory_space<vmem>>[vector<16xi32>, vector<16xi32>], vector<16xf32>,
      %add3A_858 = arith.constant 9 : i32
      %add3A_859 = vector.broadcast %add3A_858 : i32 to vector<16xi32>
      %add3A_860 = arith.addi %mul3A_781, %add3A_859 : vector<16xi32>
      %mul3A_861 = arith.mulf %gather3A_857, %min3A_734 : vector<16xf32>
      tpu.vector_store_idx %arg12[%add3A_860], %mul3A_861 : memref<1024xf32, #tpu.memory_space<vmem>>[vector<16xi32>], vector<16xf32>,
      %add3A_862 = arith.constant 10 : i32
      %add3A_863 = vector.broadcast %add3A_862 : i32 to vector<16xi32>
      %add3A_864 = arith.addi %shift_left3A_353, %add3A_863 : vector<16xi32>
      %gather3A_865 = tpu.vector_load_idx %arg10[%iota3A, %add3A_864] : memref<16x128xf32, #tpu.memory_space<vmem>>[vector<16xi32>, vector<16xi32>], vector<16xf32>,
      %add3A_866 = arith.constant 10 : i32
      %add3A_867 = vector.broadcast %add3A_866 : i32 to vector<16xi32>
      %add3A_868 = arith.addi %mul3A_781, %add3A_867 : vector<16xi32>
      %mul3A_869 = arith.mulf %gather3A_865, %min3A_734 : vector<16xf32>
      tpu.vector_store_idx %arg12[%add3A_868], %mul3A_869 : memref<1024xf32, #tpu.memory_space<vmem>>[vector<16xi32>], vector<16xf32>,
      %add3A_870 = arith.constant 11 : i32
      %add3A_871 = vector.broadcast %add3A_870 : i32 to vector<16xi32>
      %add3A_872 = arith.addi %shift_left3A_353, %add3A_871 : vector<16xi32>
      %gather3A_873 = tpu.vector_load_idx %arg10[%iota3A, %add3A_872] : memref<16x128xf32, #tpu.memory_space<vmem>>[vector<16xi32>, vector<16xi32>], vector<16xf32>,
      %add3A_874 = arith.constant 11 : i32
      %add3A_875 = vector.broadcast %add3A_874 : i32 to vector<16xi32>
      %add3A_876 = arith.addi %mul3A_781, %add3A_875 : vector<16xi32>
      %mul3A_877 = arith.mulf %gather3A_873, %min3A_734 : vector<16xf32>
      tpu.vector_store_idx %arg12[%add3A_876], %mul3A_877 : memref<1024xf32, #tpu.memory_space<vmem>>[vector<16xi32>], vector<16xf32>,
      %add3A_878 = arith.constant 12 : i32
      %add3A_879 = vector.broadcast %add3A_878 : i32 to vector<16xi32>
      %add3A_880 = arith.addi %shift_left3A_353, %add3A_879 : vector<16xi32>
      %gather3A_881 = tpu.vector_load_idx %arg10[%iota3A, %add3A_880] : memref<16x128xf32, #tpu.memory_space<vmem>>[vector<16xi32>, vector<16xi32>], vector<16xf32>,
      %add3A_882 = arith.constant 12 : i32
      %add3A_883 = vector.broadcast %add3A_882 : i32 to vector<16xi32>
      %add3A_884 = arith.addi %mul3A_781, %add3A_883 : vector<16xi32>
      %mul3A_885 = arith.mulf %gather3A_881, %min3A_734 : vector<16xf32>
      tpu.vector_store_idx %arg12[%add3A_884], %mul3A_885 : memref<1024xf32, #tpu.memory_space<vmem>>[vector<16xi32>], vector<16xf32>,
      %add3A_886 = arith.constant 13 : i32
      %add3A_887 = vector.broadcast %add3A_886 : i32 to vector<16xi32>
      %add3A_888 = arith.addi %shift_left3A_353, %add3A_887 : vector<16xi32>
      %gather3A_889 = tpu.vector_load_idx %arg10[%iota3A, %add3A_888] : memref<16x128xf32, #tpu.memory_space<vmem>>[vector<16xi32>, vector<16xi32>], vector<16xf32>,
      %add3A_890 = arith.constant 13 : i32
      %add3A_891 = vector.broadcast %add3A_890 : i32 to vector<16xi32>
      %add3A_892 = arith.addi %mul3A_781, %add3A_891 : vector<16xi32>
      %mul3A_893 = arith.mulf %gather3A_889, %min3A_734 : vector<16xf32>
      tpu.vector_store_idx %arg12[%add3A_892], %mul3A_893 : memref<1024xf32, #tpu.memory_space<vmem>>[vector<16xi32>], vector<16xf32>,
      %add3A_894 = arith.constant 14 : i32
      %add3A_895 = vector.broadcast %add3A_894 : i32 to vector<16xi32>
      %add3A_896 = arith.addi %shift_left3A_353, %add3A_895 : vector<16xi32>
      %gather3A_897 = tpu.vector_load_idx %arg10[%iota3A, %add3A_896] : memref<16x128xf32, #tpu.memory_space<vmem>>[vector<16xi32>, vector<16xi32>], vector<16xf32>,
      %add3A_898 = arith.constant 14 : i32
      %add3A_899 = vector.broadcast %add3A_898 : i32 to vector<16xi32>
      %add3A_900 = arith.addi %mul3A_781, %add3A_899 : vector<16xi32>
      %mul3A_901 = arith.mulf %gather3A_897, %min3A_734 : vector<16xf32>
      tpu.vector_store_idx %arg12[%add3A_900], %mul3A_901 : memref<1024xf32, #tpu.memory_space<vmem>>[vector<16xi32>], vector<16xf32>,
      %add3A_902 = arith.constant 15 : i32
      %add3A_903 = vector.broadcast %add3A_902 : i32 to vector<16xi32>
      %add3A_904 = arith.addi %shift_left3A_353, %add3A_903 : vector<16xi32>
      %gather3A_905 = tpu.vector_load_idx %arg10[%iota3A, %add3A_904] : memref<16x128xf32, #tpu.memory_space<vmem>>[vector<16xi32>, vector<16xi32>], vector<16xf32>,
      %add3A_906 = arith.constant 15 : i32
      %add3A_907 = vector.broadcast %add3A_906 : i32 to vector<16xi32>
      %add3A_908 = arith.addi %mul3A_781, %add3A_907 : vector<16xi32>
      %mul3A_909 = arith.mulf %gather3A_905, %min3A_734 : vector<16xf32>
      tpu.vector_store_idx %arg12[%add3A_908], %mul3A_909 : memref<1024xf32, #tpu.memory_space<vmem>>[vector<16xi32>], vector<16xf32>,
      %broadcast_in_dim3A_910 = arith.constant 0 : i32
      %broadcast_in_dim3A_911 = vector.broadcast %broadcast_in_dim3A_910 : i32 to vector<16xi32>
      %gather3A_912 = tpu.vector_load_idx %arg11[%iota3A, %broadcast_in_dim3A_911, %and3A_356] : memref<16x48x128xf32, #tpu.memory_space<vmem>>[vector<16xi32>, vector<16xi32>, vector<16xi32>], vector<16xf32>,
      %add3A_913 = arith.constant 16 : i32
      %add3A_914 = vector.broadcast %add3A_913 : i32 to vector<16xi32>
      %add3A_915 = arith.addi %mul3A_781, %add3A_914 : vector<16xi32>
      %add3A_916 = arith.constant 0 : i32
      %add3A_917 = vector.broadcast %add3A_916 : i32 to vector<16xi32>
      %add3A_918 = arith.addi %add3A_915, %add3A_917 : vector<16xi32>
      %mul3A_919 = arith.mulf %gather3A_912, %min3A_778 : vector<16xf32>
      tpu.vector_store_idx %arg12[%add3A_918], %mul3A_919 : memref<1024xf32, #tpu.memory_space<vmem>>[vector<16xi32>], vector<16xf32>,
      %broadcast_in_dim3A_920 = arith.constant 1 : i32
      %broadcast_in_dim3A_921 = vector.broadcast %broadcast_in_dim3A_920 : i32 to vector<16xi32>
      %gather3A_922 = tpu.vector_load_idx %arg11[%iota3A, %broadcast_in_dim3A_921, %and3A_356] : memref<16x48x128xf32, #tpu.memory_space<vmem>>[vector<16xi32>, vector<16xi32>, vector<16xi32>], vector<16xf32>,
      %add3A_923 = arith.constant 16 : i32
      %add3A_924 = vector.broadcast %add3A_923 : i32 to vector<16xi32>
      %add3A_925 = arith.addi %mul3A_781, %add3A_924 : vector<16xi32>
      %add3A_926 = arith.constant 1 : i32
      %add3A_927 = vector.broadcast %add3A_926 : i32 to vector<16xi32>
      %add3A_928 = arith.addi %add3A_925, %add3A_927 : vector<16xi32>
      %mul3A_929 = arith.mulf %gather3A_922, %min3A_778 : vector<16xf32>
      tpu.vector_store_idx %arg12[%add3A_928], %mul3A_929 : memref<1024xf32, #tpu.memory_space<vmem>>[vector<16xi32>], vector<16xf32>,
      %broadcast_in_dim3A_930 = arith.constant 2 : i32
      %broadcast_in_dim3A_931 = vector.broadcast %broadcast_in_dim3A_930 : i32 to vector<16xi32>
      %gather3A_932 = tpu.vector_load_idx %arg11[%iota3A, %broadcast_in_dim3A_931, %and3A_356] : memref<16x48x128xf32, #tpu.memory_space<vmem>>[vector<16xi32>, vector<16xi32>, vector<16xi32>], vector<16xf32>,
      %add3A_933 = arith.constant 16 : i32
      %add3A_934 = vector.broadcast %add3A_933 : i32 to vector<16xi32>
      %add3A_935 = arith.addi %mul3A_781, %add3A_934 : vector<16xi32>
      %add3A_936 = arith.constant 2 : i32
      %add3A_937 = vector.broadcast %add3A_936 : i32 to vector<16xi32>
      %add3A_938 = arith.addi %add3A_935, %add3A_937 : vector<16xi32>
      %mul3A_939 = arith.mulf %gather3A_932, %min3A_778 : vector<16xf32>
      tpu.vector_store_idx %arg12[%add3A_938], %mul3A_939 : memref<1024xf32, #tpu.memory_space<vmem>>[vector<16xi32>], vector<16xf32>,
      %broadcast_in_dim3A_940 = arith.constant 3 : i32
      %broadcast_in_dim3A_941 = vector.broadcast %broadcast_in_dim3A_940 : i32 to vector<16xi32>
      %gather3A_942 = tpu.vector_load_idx %arg11[%iota3A, %broadcast_in_dim3A_941, %and3A_356] : memref<16x48x128xf32, #tpu.memory_space<vmem>>[vector<16xi32>, vector<16xi32>, vector<16xi32>], vector<16xf32>,
      %add3A_943 = arith.constant 16 : i32
      %add3A_944 = vector.broadcast %add3A_943 : i32 to vector<16xi32>
      %add3A_945 = arith.addi %mul3A_781, %add3A_944 : vector<16xi32>
      %add3A_946 = arith.constant 3 : i32
      %add3A_947 = vector.broadcast %add3A_946 : i32 to vector<16xi32>
      %add3A_948 = arith.addi %add3A_945, %add3A_947 : vector<16xi32>
      %mul3A_949 = arith.mulf %gather3A_942, %min3A_778 : vector<16xf32>
      tpu.vector_store_idx %arg12[%add3A_948], %mul3A_949 : memref<1024xf32, #tpu.memory_space<vmem>>[vector<16xi32>], vector<16xf32>,
      %broadcast_in_dim3A_950 = arith.constant 4 : i32
      %broadcast_in_dim3A_951 = vector.broadcast %broadcast_in_dim3A_950 : i32 to vector<16xi32>
      %gather3A_952 = tpu.vector_load_idx %arg11[%iota3A, %broadcast_in_dim3A_951, %and3A_356] : memref<16x48x128xf32, #tpu.memory_space<vmem>>[vector<16xi32>, vector<16xi32>, vector<16xi32>], vector<16xf32>,
      %add3A_953 = arith.constant 16 : i32
      %add3A_954 = vector.broadcast %add3A_953 : i32 to vector<16xi32>
      %add3A_955 = arith.addi %mul3A_781, %add3A_954 : vector<16xi32>
      %add3A_956 = arith.constant 4 : i32
      %add3A_957 = vector.broadcast %add3A_956 : i32 to vector<16xi32>
      %add3A_958 = arith.addi %add3A_955, %add3A_957 : vector<16xi32>
      %mul3A_959 = arith.mulf %gather3A_952, %min3A_778 : vector<16xf32>
      tpu.vector_store_idx %arg12[%add3A_958], %mul3A_959 : memref<1024xf32, #tpu.memory_space<vmem>>[vector<16xi32>], vector<16xf32>,
      %broadcast_in_dim3A_960 = arith.constant 5 : i32
      %broadcast_in_dim3A_961 = vector.broadcast %broadcast_in_dim3A_960 : i32 to vector<16xi32>
      %gather3A_962 = tpu.vector_load_idx %arg11[%iota3A, %broadcast_in_dim3A_961, %and3A_356] : memref<16x48x128xf32, #tpu.memory_space<vmem>>[vector<16xi32>, vector<16xi32>, vector<16xi32>], vector<16xf32>,
      %add3A_963 = arith.constant 16 : i32
      %add3A_964 = vector.broadcast %add3A_963 : i32 to vector<16xi32>
      %add3A_965 = arith.addi %mul3A_781, %add3A_964 : vector<16xi32>
      %add3A_966 = arith.constant 5 : i32
      %add3A_967 = vector.broadcast %add3A_966 : i32 to vector<16xi32>
      %add3A_968 = arith.addi %add3A_965, %add3A_967 : vector<16xi32>
      %mul3A_969 = arith.mulf %gather3A_962, %min3A_778 : vector<16xf32>
      tpu.vector_store_idx %arg12[%add3A_968], %mul3A_969 : memref<1024xf32, #tpu.memory_space<vmem>>[vector<16xi32>], vector<16xf32>,
      %broadcast_in_dim3A_970 = arith.constant 6 : i32
      %broadcast_in_dim3A_971 = vector.broadcast %broadcast_in_dim3A_970 : i32 to vector<16xi32>
      %gather3A_972 = tpu.vector_load_idx %arg11[%iota3A, %broadcast_in_dim3A_971, %and3A_356] : memref<16x48x128xf32, #tpu.memory_space<vmem>>[vector<16xi32>, vector<16xi32>, vector<16xi32>], vector<16xf32>,
      %add3A_973 = arith.constant 16 : i32
      %add3A_974 = vector.broadcast %add3A_973 : i32 to vector<16xi32>
      %add3A_975 = arith.addi %mul3A_781, %add3A_974 : vector<16xi32>
      %add3A_976 = arith.constant 6 : i32
      %add3A_977 = vector.broadcast %add3A_976 : i32 to vector<16xi32>
      %add3A_978 = arith.addi %add3A_975, %add3A_977 : vector<16xi32>
      %mul3A_979 = arith.mulf %gather3A_972, %min3A_778 : vector<16xf32>
      tpu.vector_store_idx %arg12[%add3A_978], %mul3A_979 : memref<1024xf32, #tpu.memory_space<vmem>>[vector<16xi32>], vector<16xf32>,
      %broadcast_in_dim3A_980 = arith.constant 7 : i32
      %broadcast_in_dim3A_981 = vector.broadcast %broadcast_in_dim3A_980 : i32 to vector<16xi32>
      %gather3A_982 = tpu.vector_load_idx %arg11[%iota3A, %broadcast_in_dim3A_981, %and3A_356] : memref<16x48x128xf32, #tpu.memory_space<vmem>>[vector<16xi32>, vector<16xi32>, vector<16xi32>], vector<16xf32>,
      %add3A_983 = arith.constant 16 : i32
      %add3A_984 = vector.broadcast %add3A_983 : i32 to vector<16xi32>
      %add3A_985 = arith.addi %mul3A_781, %add3A_984 : vector<16xi32>
      %add3A_986 = arith.constant 7 : i32
      %add3A_987 = vector.broadcast %add3A_986 : i32 to vector<16xi32>
      %add3A_988 = arith.addi %add3A_985, %add3A_987 : vector<16xi32>
      %mul3A_989 = arith.mulf %gather3A_982, %min3A_778 : vector<16xf32>
      tpu.vector_store_idx %arg12[%add3A_988], %mul3A_989 : memref<1024xf32, #tpu.memory_space<vmem>>[vector<16xi32>], vector<16xf32>,
      %broadcast_in_dim3A_990 = arith.constant 8 : i32
      %broadcast_in_dim3A_991 = vector.broadcast %broadcast_in_dim3A_990 : i32 to vector<16xi32>
      %gather3A_992 = tpu.vector_load_idx %arg11[%iota3A, %broadcast_in_dim3A_991, %and3A_356] : memref<16x48x128xf32, #tpu.memory_space<vmem>>[vector<16xi32>, vector<16xi32>, vector<16xi32>], vector<16xf32>,
      %add3A_993 = arith.constant 16 : i32
      %add3A_994 = vector.broadcast %add3A_993 : i32 to vector<16xi32>
      %add3A_995 = arith.addi %mul3A_781, %add3A_994 : vector<16xi32>
      %add3A_996 = arith.constant 8 : i32
      %add3A_997 = vector.broadcast %add3A_996 : i32 to vector<16xi32>
      %add3A_998 = arith.addi %add3A_995, %add3A_997 : vector<16xi32>
      %mul3A_999 = arith.mulf %gather3A_992, %min3A_778 : vector<16xf32>
      tpu.vector_store_idx %arg12[%add3A_998], %mul3A_999 : memref<1024xf32, #tpu.memory_space<vmem>>[vector<16xi32>], vector<16xf32>,
      %broadcast_in_dim3A_1000 = arith.constant 9 : i32
      %broadcast_in_dim3A_1001 = vector.broadcast %broadcast_in_dim3A_1000 : i32 to vector<16xi32>
      %gather3A_1002 = tpu.vector_load_idx %arg11[%iota3A, %broadcast_in_dim3A_1001, %and3A_356] : memref<16x48x128xf32, #tpu.memory_space<vmem>>[vector<16xi32>, vector<16xi32>, vector<16xi32>], vector<16xf32>,
      %add3A_1003 = arith.constant 16 : i32
      %add3A_1004 = vector.broadcast %add3A_1003 : i32 to vector<16xi32>
      %add3A_1005 = arith.addi %mul3A_781, %add3A_1004 : vector<16xi32>
      %add3A_1006 = arith.constant 9 : i32
      %add3A_1007 = vector.broadcast %add3A_1006 : i32 to vector<16xi32>
      %add3A_1008 = arith.addi %add3A_1005, %add3A_1007 : vector<16xi32>
      %mul3A_1009 = arith.mulf %gather3A_1002, %min3A_778 : vector<16xf32>
      tpu.vector_store_idx %arg12[%add3A_1008], %mul3A_1009 : memref<1024xf32, #tpu.memory_space<vmem>>[vector<16xi32>], vector<16xf32>,
      %broadcast_in_dim3A_1010 = arith.constant 10 : i32
      %broadcast_in_dim3A_1011 = vector.broadcast %broadcast_in_dim3A_1010 : i32 to vector<16xi32>
      %gather3A_1012 = tpu.vector_load_idx %arg11[%iota3A, %broadcast_in_dim3A_1011, %and3A_356] : memref<16x48x128xf32, #tpu.memory_space<vmem>>[vector<16xi32>, vector<16xi32>, vector<16xi32>], vector<16xf32>,
      %add3A_1013 = arith.constant 16 : i32
      %add3A_1014 = vector.broadcast %add3A_1013 : i32 to vector<16xi32>
      %add3A_1015 = arith.addi %mul3A_781, %add3A_1014 : vector<16xi32>
      %add3A_1016 = arith.constant 10 : i32
      %add3A_1017 = vector.broadcast %add3A_1016 : i32 to vector<16xi32>
      %add3A_1018 = arith.addi %add3A_1015, %add3A_1017 : vector<16xi32>
      %mul3A_1019 = arith.mulf %gather3A_1012, %min3A_778 : vector<16xf32>
      tpu.vector_store_idx %arg12[%add3A_1018], %mul3A_1019 : memref<1024xf32, #tpu.memory_space<vmem>>[vector<16xi32>], vector<16xf32>,
      %broadcast_in_dim3A_1020 = arith.constant 11 : i32
      %broadcast_in_dim3A_1021 = vector.broadcast %broadcast_in_dim3A_1020 : i32 to vector<16xi32>
      %gather3A_1022 = tpu.vector_load_idx %arg11[%iota3A, %broadcast_in_dim3A_1021, %and3A_356] : memref<16x48x128xf32, #tpu.memory_space<vmem>>[vector<16xi32>, vector<16xi32>, vector<16xi32>], vector<16xf32>,
      %add3A_1023 = arith.constant 16 : i32
      %add3A_1024 = vector.broadcast %add3A_1023 : i32 to vector<16xi32>
      %add3A_1025 = arith.addi %mul3A_781, %add3A_1024 : vector<16xi32>
      %add3A_1026 = arith.constant 11 : i32
      %add3A_1027 = vector.broadcast %add3A_1026 : i32 to vector<16xi32>
      %add3A_1028 = arith.addi %add3A_1025, %add3A_1027 : vector<16xi32>
      %mul3A_1029 = arith.mulf %gather3A_1022, %min3A_778 : vector<16xf32>
      tpu.vector_store_idx %arg12[%add3A_1028], %mul3A_1029 : memref<1024xf32, #tpu.memory_space<vmem>>[vector<16xi32>], vector<16xf32>,
      %broadcast_in_dim3A_1030 = arith.constant 12 : i32
      %broadcast_in_dim3A_1031 = vector.broadcast %broadcast_in_dim3A_1030 : i32 to vector<16xi32>
      %gather3A_1032 = tpu.vector_load_idx %arg11[%iota3A, %broadcast_in_dim3A_1031, %and3A_356] : memref<16x48x128xf32, #tpu.memory_space<vmem>>[vector<16xi32>, vector<16xi32>, vector<16xi32>], vector<16xf32>,
      %add3A_1033 = arith.constant 16 : i32
      %add3A_1034 = vector.broadcast %add3A_1033 : i32 to vector<16xi32>
      %add3A_1035 = arith.addi %mul3A_781, %add3A_1034 : vector<16xi32>
      %add3A_1036 = arith.constant 12 : i32
      %add3A_1037 = vector.broadcast %add3A_1036 : i32 to vector<16xi32>
      %add3A_1038 = arith.addi %add3A_1035, %add3A_1037 : vector<16xi32>
      %mul3A_1039 = arith.mulf %gather3A_1032, %min3A_778 : vector<16xf32>
      tpu.vector_store_idx %arg12[%add3A_1038], %mul3A_1039 : memref<1024xf32, #tpu.memory_space<vmem>>[vector<16xi32>], vector<16xf32>,
      %broadcast_in_dim3A_1040 = arith.constant 13 : i32
      %broadcast_in_dim3A_1041 = vector.broadcast %broadcast_in_dim3A_1040 : i32 to vector<16xi32>
      %gather3A_1042 = tpu.vector_load_idx %arg11[%iota3A, %broadcast_in_dim3A_1041, %and3A_356] : memref<16x48x128xf32, #tpu.memory_space<vmem>>[vector<16xi32>, vector<16xi32>, vector<16xi32>], vector<16xf32>,
      %add3A_1043 = arith.constant 16 : i32
      %add3A_1044 = vector.broadcast %add3A_1043 : i32 to vector<16xi32>
      %add3A_1045 = arith.addi %mul3A_781, %add3A_1044 : vector<16xi32>
      %add3A_1046 = arith.constant 13 : i32
      %add3A_1047 = vector.broadcast %add3A_1046 : i32 to vector<16xi32>
      %add3A_1048 = arith.addi %add3A_1045, %add3A_1047 : vector<16xi32>
      %mul3A_1049 = arith.mulf %gather3A_1042, %min3A_778 : vector<16xf32>
      tpu.vector_store_idx %arg12[%add3A_1048], %mul3A_1049 : memref<1024xf32, #tpu.memory_space<vmem>>[vector<16xi32>], vector<16xf32>,
      %broadcast_in_dim3A_1050 = arith.constant 14 : i32
      %broadcast_in_dim3A_1051 = vector.broadcast %broadcast_in_dim3A_1050 : i32 to vector<16xi32>
      %gather3A_1052 = tpu.vector_load_idx %arg11[%iota3A, %broadcast_in_dim3A_1051, %and3A_356] : memref<16x48x128xf32, #tpu.memory_space<vmem>>[vector<16xi32>, vector<16xi32>, vector<16xi32>], vector<16xf32>,
      %add3A_1053 = arith.constant 16 : i32
      %add3A_1054 = vector.broadcast %add3A_1053 : i32 to vector<16xi32>
      %add3A_1055 = arith.addi %mul3A_781, %add3A_1054 : vector<16xi32>
      %add3A_1056 = arith.constant 14 : i32
      %add3A_1057 = vector.broadcast %add3A_1056 : i32 to vector<16xi32>
      %add3A_1058 = arith.addi %add3A_1055, %add3A_1057 : vector<16xi32>
      %mul3A_1059 = arith.mulf %gather3A_1052, %min3A_778 : vector<16xf32>
      tpu.vector_store_idx %arg12[%add3A_1058], %mul3A_1059 : memref<1024xf32, #tpu.memory_space<vmem>>[vector<16xi32>], vector<16xf32>,
      %broadcast_in_dim3A_1060 = arith.constant 15 : i32
      %broadcast_in_dim3A_1061 = vector.broadcast %broadcast_in_dim3A_1060 : i32 to vector<16xi32>
      %gather3A_1062 = tpu.vector_load_idx %arg11[%iota3A, %broadcast_in_dim3A_1061, %and3A_356] : memref<16x48x128xf32, #tpu.memory_space<vmem>>[vector<16xi32>, vector<16xi32>, vector<16xi32>], vector<16xf32>,
      %add3A_1063 = arith.constant 16 : i32
      %add3A_1064 = vector.broadcast %add3A_1063 : i32 to vector<16xi32>
      %add3A_1065 = arith.addi %mul3A_781, %add3A_1064 : vector<16xi32>
      %add3A_1066 = arith.constant 15 : i32
      %add3A_1067 = vector.broadcast %add3A_1066 : i32 to vector<16xi32>
      %add3A_1068 = arith.addi %add3A_1065, %add3A_1067 : vector<16xi32>
      %mul3A_1069 = arith.mulf %gather3A_1062, %min3A_778 : vector<16xf32>
      tpu.vector_store_idx %arg12[%add3A_1068], %mul3A_1069 : memref<1024xf32, #tpu.memory_space<vmem>>[vector<16xi32>], vector<16xf32>,
      %broadcast_in_dim3A_1070 = arith.constant 16 : i32
      %broadcast_in_dim3A_1071 = vector.broadcast %broadcast_in_dim3A_1070 : i32 to vector<16xi32>
      %gather3A_1072 = tpu.vector_load_idx %arg11[%iota3A, %broadcast_in_dim3A_1071, %and3A_356] : memref<16x48x128xf32, #tpu.memory_space<vmem>>[vector<16xi32>, vector<16xi32>, vector<16xi32>], vector<16xf32>,
      %add3A_1073 = arith.constant 16 : i32
      %add3A_1074 = vector.broadcast %add3A_1073 : i32 to vector<16xi32>
      %add3A_1075 = arith.addi %mul3A_781, %add3A_1074 : vector<16xi32>
      %add3A_1076 = arith.constant 16 : i32
      %add3A_1077 = vector.broadcast %add3A_1076 : i32 to vector<16xi32>
      %add3A_1078 = arith.addi %add3A_1075, %add3A_1077 : vector<16xi32>
      %mul3A_1079 = arith.mulf %gather3A_1072, %min3A_778 : vector<16xf32>
      tpu.vector_store_idx %arg12[%add3A_1078], %mul3A_1079 : memref<1024xf32, #tpu.memory_space<vmem>>[vector<16xi32>], vector<16xf32>,
      %broadcast_in_dim3A_1080 = arith.constant 17 : i32
      %broadcast_in_dim3A_1081 = vector.broadcast %broadcast_in_dim3A_1080 : i32 to vector<16xi32>
      %gather3A_1082 = tpu.vector_load_idx %arg11[%iota3A, %broadcast_in_dim3A_1081, %and3A_356] : memref<16x48x128xf32, #tpu.memory_space<vmem>>[vector<16xi32>, vector<16xi32>, vector<16xi32>], vector<16xf32>,
      %add3A_1083 = arith.constant 16 : i32
      %add3A_1084 = vector.broadcast %add3A_1083 : i32 to vector<16xi32>
      %add3A_1085 = arith.addi %mul3A_781, %add3A_1084 : vector<16xi32>
      %add3A_1086 = arith.constant 17 : i32
      %add3A_1087 = vector.broadcast %add3A_1086 : i32 to vector<16xi32>
      %add3A_1088 = arith.addi %add3A_1085, %add3A_1087 : vector<16xi32>
      %mul3A_1089 = arith.mulf %gather3A_1082, %min3A_778 : vector<16xf32>
      tpu.vector_store_idx %arg12[%add3A_1088], %mul3A_1089 : memref<1024xf32, #tpu.memory_space<vmem>>[vector<16xi32>], vector<16xf32>,
      %broadcast_in_dim3A_1090 = arith.constant 18 : i32
      %broadcast_in_dim3A_1091 = vector.broadcast %broadcast_in_dim3A_1090 : i32 to vector<16xi32>
      %gather3A_1092 = tpu.vector_load_idx %arg11[%iota3A, %broadcast_in_dim3A_1091, %and3A_356] : memref<16x48x128xf32, #tpu.memory_space<vmem>>[vector<16xi32>, vector<16xi32>, vector<16xi32>], vector<16xf32>,
      %add3A_1093 = arith.constant 16 : i32
      %add3A_1094 = vector.broadcast %add3A_1093 : i32 to vector<16xi32>
      %add3A_1095 = arith.addi %mul3A_781, %add3A_1094 : vector<16xi32>
      %add3A_1096 = arith.constant 18 : i32
      %add3A_1097 = vector.broadcast %add3A_1096 : i32 to vector<16xi32>
      %add3A_1098 = arith.addi %add3A_1095, %add3A_1097 : vector<16xi32>
      %mul3A_1099 = arith.mulf %gather3A_1092, %min3A_778 : vector<16xf32>
      tpu.vector_store_idx %arg12[%add3A_1098], %mul3A_1099 : memref<1024xf32, #tpu.memory_space<vmem>>[vector<16xi32>], vector<16xf32>,
      %broadcast_in_dim3A_1100 = arith.constant 19 : i32
      %broadcast_in_dim3A_1101 = vector.broadcast %broadcast_in_dim3A_1100 : i32 to vector<16xi32>
      %gather3A_1102 = tpu.vector_load_idx %arg11[%iota3A, %broadcast_in_dim3A_1101, %and3A_356] : memref<16x48x128xf32, #tpu.memory_space<vmem>>[vector<16xi32>, vector<16xi32>, vector<16xi32>], vector<16xf32>,
      %add3A_1103 = arith.constant 16 : i32
      %add3A_1104 = vector.broadcast %add3A_1103 : i32 to vector<16xi32>
      %add3A_1105 = arith.addi %mul3A_781, %add3A_1104 : vector<16xi32>
      %add3A_1106 = arith.constant 19 : i32
      %add3A_1107 = vector.broadcast %add3A_1106 : i32 to vector<16xi32>
      %add3A_1108 = arith.addi %add3A_1105, %add3A_1107 : vector<16xi32>
      %mul3A_1109 = arith.mulf %gather3A_1102, %min3A_778 : vector<16xf32>
      tpu.vector_store_idx %arg12[%add3A_1108], %mul3A_1109 : memref<1024xf32, #tpu.memory_space<vmem>>[vector<16xi32>], vector<16xf32>,
      %broadcast_in_dim3A_1110 = arith.constant 20 : i32
      %broadcast_in_dim3A_1111 = vector.broadcast %broadcast_in_dim3A_1110 : i32 to vector<16xi32>
      %gather3A_1112 = tpu.vector_load_idx %arg11[%iota3A, %broadcast_in_dim3A_1111, %and3A_356] : memref<16x48x128xf32, #tpu.memory_space<vmem>>[vector<16xi32>, vector<16xi32>, vector<16xi32>], vector<16xf32>,
      %add3A_1113 = arith.constant 16 : i32
      %add3A_1114 = vector.broadcast %add3A_1113 : i32 to vector<16xi32>
      %add3A_1115 = arith.addi %mul3A_781, %add3A_1114 : vector<16xi32>
      %add3A_1116 = arith.constant 20 : i32
      %add3A_1117 = vector.broadcast %add3A_1116 : i32 to vector<16xi32>
      %add3A_1118 = arith.addi %add3A_1115, %add3A_1117 : vector<16xi32>
      %mul3A_1119 = arith.mulf %gather3A_1112, %min3A_778 : vector<16xf32>
      tpu.vector_store_idx %arg12[%add3A_1118], %mul3A_1119 : memref<1024xf32, #tpu.memory_space<vmem>>[vector<16xi32>], vector<16xf32>,
      %broadcast_in_dim3A_1120 = arith.constant 21 : i32
      %broadcast_in_dim3A_1121 = vector.broadcast %broadcast_in_dim3A_1120 : i32 to vector<16xi32>
      %gather3A_1122 = tpu.vector_load_idx %arg11[%iota3A, %broadcast_in_dim3A_1121, %and3A_356] : memref<16x48x128xf32, #tpu.memory_space<vmem>>[vector<16xi32>, vector<16xi32>, vector<16xi32>], vector<16xf32>,
      %add3A_1123 = arith.constant 16 : i32
      %add3A_1124 = vector.broadcast %add3A_1123 : i32 to vector<16xi32>
      %add3A_1125 = arith.addi %mul3A_781, %add3A_1124 : vector<16xi32>
      %add3A_1126 = arith.constant 21 : i32
      %add3A_1127 = vector.broadcast %add3A_1126 : i32 to vector<16xi32>
      %add3A_1128 = arith.addi %add3A_1125, %add3A_1127 : vector<16xi32>
      %mul3A_1129 = arith.mulf %gather3A_1122, %min3A_778 : vector<16xf32>
      tpu.vector_store_idx %arg12[%add3A_1128], %mul3A_1129 : memref<1024xf32, #tpu.memory_space<vmem>>[vector<16xi32>], vector<16xf32>,
      %broadcast_in_dim3A_1130 = arith.constant 22 : i32
      %broadcast_in_dim3A_1131 = vector.broadcast %broadcast_in_dim3A_1130 : i32 to vector<16xi32>
      %gather3A_1132 = tpu.vector_load_idx %arg11[%iota3A, %broadcast_in_dim3A_1131, %and3A_356] : memref<16x48x128xf32, #tpu.memory_space<vmem>>[vector<16xi32>, vector<16xi32>, vector<16xi32>], vector<16xf32>,
      %add3A_1133 = arith.constant 16 : i32
      %add3A_1134 = vector.broadcast %add3A_1133 : i32 to vector<16xi32>
      %add3A_1135 = arith.addi %mul3A_781, %add3A_1134 : vector<16xi32>
      %add3A_1136 = arith.constant 22 : i32
      %add3A_1137 = vector.broadcast %add3A_1136 : i32 to vector<16xi32>
      %add3A_1138 = arith.addi %add3A_1135, %add3A_1137 : vector<16xi32>
      %mul3A_1139 = arith.mulf %gather3A_1132, %min3A_778 : vector<16xf32>
      tpu.vector_store_idx %arg12[%add3A_1138], %mul3A_1139 : memref<1024xf32, #tpu.memory_space<vmem>>[vector<16xi32>], vector<16xf32>,
      %broadcast_in_dim3A_1140 = arith.constant 23 : i32
      %broadcast_in_dim3A_1141 = vector.broadcast %broadcast_in_dim3A_1140 : i32 to vector<16xi32>
      %gather3A_1142 = tpu.vector_load_idx %arg11[%iota3A, %broadcast_in_dim3A_1141, %and3A_356] : memref<16x48x128xf32, #tpu.memory_space<vmem>>[vector<16xi32>, vector<16xi32>, vector<16xi32>], vector<16xf32>,
      %add3A_1143 = arith.constant 16 : i32
      %add3A_1144 = vector.broadcast %add3A_1143 : i32 to vector<16xi32>
      %add3A_1145 = arith.addi %mul3A_781, %add3A_1144 : vector<16xi32>
      %add3A_1146 = arith.constant 23 : i32
      %add3A_1147 = vector.broadcast %add3A_1146 : i32 to vector<16xi32>
      %add3A_1148 = arith.addi %add3A_1145, %add3A_1147 : vector<16xi32>
      %mul3A_1149 = arith.mulf %gather3A_1142, %min3A_778 : vector<16xf32>
      tpu.vector_store_idx %arg12[%add3A_1148], %mul3A_1149 : memref<1024xf32, #tpu.memory_space<vmem>>[vector<16xi32>], vector<16xf32>,
      %broadcast_in_dim3A_1150 = arith.constant 24 : i32
      %broadcast_in_dim3A_1151 = vector.broadcast %broadcast_in_dim3A_1150 : i32 to vector<16xi32>
      %gather3A_1152 = tpu.vector_load_idx %arg11[%iota3A, %broadcast_in_dim3A_1151, %and3A_356] : memref<16x48x128xf32, #tpu.memory_space<vmem>>[vector<16xi32>, vector<16xi32>, vector<16xi32>], vector<16xf32>,
      %add3A_1153 = arith.constant 16 : i32
      %add3A_1154 = vector.broadcast %add3A_1153 : i32 to vector<16xi32>
      %add3A_1155 = arith.addi %mul3A_781, %add3A_1154 : vector<16xi32>
      %add3A_1156 = arith.constant 24 : i32
      %add3A_1157 = vector.broadcast %add3A_1156 : i32 to vector<16xi32>
      %add3A_1158 = arith.addi %add3A_1155, %add3A_1157 : vector<16xi32>
      %mul3A_1159 = arith.mulf %gather3A_1152, %min3A_778 : vector<16xf32>
      tpu.vector_store_idx %arg12[%add3A_1158], %mul3A_1159 : memref<1024xf32, #tpu.memory_space<vmem>>[vector<16xi32>], vector<16xf32>,
      %broadcast_in_dim3A_1160 = arith.constant 25 : i32
      %broadcast_in_dim3A_1161 = vector.broadcast %broadcast_in_dim3A_1160 : i32 to vector<16xi32>
      %gather3A_1162 = tpu.vector_load_idx %arg11[%iota3A, %broadcast_in_dim3A_1161, %and3A_356] : memref<16x48x128xf32, #tpu.memory_space<vmem>>[vector<16xi32>, vector<16xi32>, vector<16xi32>], vector<16xf32>,
      %add3A_1163 = arith.constant 16 : i32
      %add3A_1164 = vector.broadcast %add3A_1163 : i32 to vector<16xi32>
      %add3A_1165 = arith.addi %mul3A_781, %add3A_1164 : vector<16xi32>
      %add3A_1166 = arith.constant 25 : i32
      %add3A_1167 = vector.broadcast %add3A_1166 : i32 to vector<16xi32>
      %add3A_1168 = arith.addi %add3A_1165, %add3A_1167 : vector<16xi32>
      %mul3A_1169 = arith.mulf %gather3A_1162, %min3A_778 : vector<16xf32>
      tpu.vector_store_idx %arg12[%add3A_1168], %mul3A_1169 : memref<1024xf32, #tpu.memory_space<vmem>>[vector<16xi32>], vector<16xf32>,
      %broadcast_in_dim3A_1170 = arith.constant 26 : i32
      %broadcast_in_dim3A_1171 = vector.broadcast %broadcast_in_dim3A_1170 : i32 to vector<16xi32>
      %gather3A_1172 = tpu.vector_load_idx %arg11[%iota3A, %broadcast_in_dim3A_1171, %and3A_356] : memref<16x48x128xf32, #tpu.memory_space<vmem>>[vector<16xi32>, vector<16xi32>, vector<16xi32>], vector<16xf32>,
      %add3A_1173 = arith.constant 16 : i32
      %add3A_1174 = vector.broadcast %add3A_1173 : i32 to vector<16xi32>
      %add3A_1175 = arith.addi %mul3A_781, %add3A_1174 : vector<16xi32>
      %add3A_1176 = arith.constant 26 : i32
      %add3A_1177 = vector.broadcast %add3A_1176 : i32 to vector<16xi32>
      %add3A_1178 = arith.addi %add3A_1175, %add3A_1177 : vector<16xi32>
      %mul3A_1179 = arith.mulf %gather3A_1172, %min3A_778 : vector<16xf32>
      tpu.vector_store_idx %arg12[%add3A_1178], %mul3A_1179 : memref<1024xf32, #tpu.memory_space<vmem>>[vector<16xi32>], vector<16xf32>,
      %broadcast_in_dim3A_1180 = arith.constant 27 : i32
      %broadcast_in_dim3A_1181 = vector.broadcast %broadcast_in_dim3A_1180 : i32 to vector<16xi32>
      %gather3A_1182 = tpu.vector_load_idx %arg11[%iota3A, %broadcast_in_dim3A_1181, %and3A_356] : memref<16x48x128xf32, #tpu.memory_space<vmem>>[vector<16xi32>, vector<16xi32>, vector<16xi32>], vector<16xf32>,
      %add3A_1183 = arith.constant 16 : i32
      %add3A_1184 = vector.broadcast %add3A_1183 : i32 to vector<16xi32>
      %add3A_1185 = arith.addi %mul3A_781, %add3A_1184 : vector<16xi32>
      %add3A_1186 = arith.constant 27 : i32
      %add3A_1187 = vector.broadcast %add3A_1186 : i32 to vector<16xi32>
      %add3A_1188 = arith.addi %add3A_1185, %add3A_1187 : vector<16xi32>
      %mul3A_1189 = arith.mulf %gather3A_1182, %min3A_778 : vector<16xf32>
      tpu.vector_store_idx %arg12[%add3A_1188], %mul3A_1189 : memref<1024xf32, #tpu.memory_space<vmem>>[vector<16xi32>], vector<16xf32>,
      %broadcast_in_dim3A_1190 = arith.constant 28 : i32
      %broadcast_in_dim3A_1191 = vector.broadcast %broadcast_in_dim3A_1190 : i32 to vector<16xi32>
      %gather3A_1192 = tpu.vector_load_idx %arg11[%iota3A, %broadcast_in_dim3A_1191, %and3A_356] : memref<16x48x128xf32, #tpu.memory_space<vmem>>[vector<16xi32>, vector<16xi32>, vector<16xi32>], vector<16xf32>,
      %add3A_1193 = arith.constant 16 : i32
      %add3A_1194 = vector.broadcast %add3A_1193 : i32 to vector<16xi32>
      %add3A_1195 = arith.addi %mul3A_781, %add3A_1194 : vector<16xi32>
      %add3A_1196 = arith.constant 28 : i32
      %add3A_1197 = vector.broadcast %add3A_1196 : i32 to vector<16xi32>
      %add3A_1198 = arith.addi %add3A_1195, %add3A_1197 : vector<16xi32>
      %mul3A_1199 = arith.mulf %gather3A_1192, %min3A_778 : vector<16xf32>
      tpu.vector_store_idx %arg12[%add3A_1198], %mul3A_1199 : memref<1024xf32, #tpu.memory_space<vmem>>[vector<16xi32>], vector<16xf32>,
      %broadcast_in_dim3A_1200 = arith.constant 29 : i32
      %broadcast_in_dim3A_1201 = vector.broadcast %broadcast_in_dim3A_1200 : i32 to vector<16xi32>
      %gather3A_1202 = tpu.vector_load_idx %arg11[%iota3A, %broadcast_in_dim3A_1201, %and3A_356] : memref<16x48x128xf32, #tpu.memory_space<vmem>>[vector<16xi32>, vector<16xi32>, vector<16xi32>], vector<16xf32>,
      %add3A_1203 = arith.constant 16 : i32
      %add3A_1204 = vector.broadcast %add3A_1203 : i32 to vector<16xi32>
      %add3A_1205 = arith.addi %mul3A_781, %add3A_1204 : vector<16xi32>
      %add3A_1206 = arith.constant 29 : i32
      %add3A_1207 = vector.broadcast %add3A_1206 : i32 to vector<16xi32>
      %add3A_1208 = arith.addi %add3A_1205, %add3A_1207 : vector<16xi32>
      %mul3A_1209 = arith.mulf %gather3A_1202, %min3A_778 : vector<16xf32>
      tpu.vector_store_idx %arg12[%add3A_1208], %mul3A_1209 : memref<1024xf32, #tpu.memory_space<vmem>>[vector<16xi32>], vector<16xf32>,
      %broadcast_in_dim3A_1210 = arith.constant 30 : i32
      %broadcast_in_dim3A_1211 = vector.broadcast %broadcast_in_dim3A_1210 : i32 to vector<16xi32>
      %gather3A_1212 = tpu.vector_load_idx %arg11[%iota3A, %broadcast_in_dim3A_1211, %and3A_356] : memref<16x48x128xf32, #tpu.memory_space<vmem>>[vector<16xi32>, vector<16xi32>, vector<16xi32>], vector<16xf32>,
      %add3A_1213 = arith.constant 16 : i32
      %add3A_1214 = vector.broadcast %add3A_1213 : i32 to vector<16xi32>
      %add3A_1215 = arith.addi %mul3A_781, %add3A_1214 : vector<16xi32>
      %add3A_1216 = arith.constant 30 : i32
      %add3A_1217 = vector.broadcast %add3A_1216 : i32 to vector<16xi32>
      %add3A_1218 = arith.addi %add3A_1215, %add3A_1217 : vector<16xi32>
      %mul3A_1219 = arith.mulf %gather3A_1212, %min3A_778 : vector<16xf32>
      tpu.vector_store_idx %arg12[%add3A_1218], %mul3A_1219 : memref<1024xf32, #tpu.memory_space<vmem>>[vector<16xi32>], vector<16xf32>,
      %broadcast_in_dim3A_1220 = arith.constant 31 : i32
      %broadcast_in_dim3A_1221 = vector.broadcast %broadcast_in_dim3A_1220 : i32 to vector<16xi32>
      %gather3A_1222 = tpu.vector_load_idx %arg11[%iota3A, %broadcast_in_dim3A_1221, %and3A_356] : memref<16x48x128xf32, #tpu.memory_space<vmem>>[vector<16xi32>, vector<16xi32>, vector<16xi32>], vector<16xf32>,
      %add3A_1223 = arith.constant 16 : i32
      %add3A_1224 = vector.broadcast %add3A_1223 : i32 to vector<16xi32>
      %add3A_1225 = arith.addi %mul3A_781, %add3A_1224 : vector<16xi32>
      %add3A_1226 = arith.constant 31 : i32
      %add3A_1227 = vector.broadcast %add3A_1226 : i32 to vector<16xi32>
      %add3A_1228 = arith.addi %add3A_1225, %add3A_1227 : vector<16xi32>
      %mul3A_1229 = arith.mulf %gather3A_1222, %min3A_778 : vector<16xf32>
      tpu.vector_store_idx %arg12[%add3A_1228], %mul3A_1229 : memref<1024xf32, #tpu.memory_space<vmem>>[vector<16xi32>], vector<16xf32>,
      %broadcast_in_dim3A_1230 = arith.constant 32 : i32
      %broadcast_in_dim3A_1231 = vector.broadcast %broadcast_in_dim3A_1230 : i32 to vector<16xi32>
      %gather3A_1232 = tpu.vector_load_idx %arg11[%iota3A, %broadcast_in_dim3A_1231, %and3A_356] : memref<16x48x128xf32, #tpu.memory_space<vmem>>[vector<16xi32>, vector<16xi32>, vector<16xi32>], vector<16xf32>,
      %add3A_1233 = arith.constant 16 : i32
      %add3A_1234 = vector.broadcast %add3A_1233 : i32 to vector<16xi32>
      %add3A_1235 = arith.addi %mul3A_781, %add3A_1234 : vector<16xi32>
      %add3A_1236 = arith.constant 32 : i32
      %add3A_1237 = vector.broadcast %add3A_1236 : i32 to vector<16xi32>
      %add3A_1238 = arith.addi %add3A_1235, %add3A_1237 : vector<16xi32>
      %mul3A_1239 = arith.mulf %gather3A_1232, %min3A_778 : vector<16xf32>
      tpu.vector_store_idx %arg12[%add3A_1238], %mul3A_1239 : memref<1024xf32, #tpu.memory_space<vmem>>[vector<16xi32>], vector<16xf32>,
      %broadcast_in_dim3A_1240 = arith.constant 33 : i32
      %broadcast_in_dim3A_1241 = vector.broadcast %broadcast_in_dim3A_1240 : i32 to vector<16xi32>
      %gather3A_1242 = tpu.vector_load_idx %arg11[%iota3A, %broadcast_in_dim3A_1241, %and3A_356] : memref<16x48x128xf32, #tpu.memory_space<vmem>>[vector<16xi32>, vector<16xi32>, vector<16xi32>], vector<16xf32>,
      %add3A_1243 = arith.constant 16 : i32
      %add3A_1244 = vector.broadcast %add3A_1243 : i32 to vector<16xi32>
      %add3A_1245 = arith.addi %mul3A_781, %add3A_1244 : vector<16xi32>
      %add3A_1246 = arith.constant 33 : i32
      %add3A_1247 = vector.broadcast %add3A_1246 : i32 to vector<16xi32>
      %add3A_1248 = arith.addi %add3A_1245, %add3A_1247 : vector<16xi32>
      %mul3A_1249 = arith.mulf %gather3A_1242, %min3A_778 : vector<16xf32>
      tpu.vector_store_idx %arg12[%add3A_1248], %mul3A_1249 : memref<1024xf32, #tpu.memory_space<vmem>>[vector<16xi32>], vector<16xf32>,
      %broadcast_in_dim3A_1250 = arith.constant 34 : i32
      %broadcast_in_dim3A_1251 = vector.broadcast %broadcast_in_dim3A_1250 : i32 to vector<16xi32>
      %gather3A_1252 = tpu.vector_load_idx %arg11[%iota3A, %broadcast_in_dim3A_1251, %and3A_356] : memref<16x48x128xf32, #tpu.memory_space<vmem>>[vector<16xi32>, vector<16xi32>, vector<16xi32>], vector<16xf32>,
      %add3A_1253 = arith.constant 16 : i32
      %add3A_1254 = vector.broadcast %add3A_1253 : i32 to vector<16xi32>
      %add3A_1255 = arith.addi %mul3A_781, %add3A_1254 : vector<16xi32>
      %add3A_1256 = arith.constant 34 : i32
      %add3A_1257 = vector.broadcast %add3A_1256 : i32 to vector<16xi32>
      %add3A_1258 = arith.addi %add3A_1255, %add3A_1257 : vector<16xi32>
      %mul3A_1259 = arith.mulf %gather3A_1252, %min3A_778 : vector<16xf32>
      tpu.vector_store_idx %arg12[%add3A_1258], %mul3A_1259 : memref<1024xf32, #tpu.memory_space<vmem>>[vector<16xi32>], vector<16xf32>,
      %broadcast_in_dim3A_1260 = arith.constant 35 : i32
      %broadcast_in_dim3A_1261 = vector.broadcast %broadcast_in_dim3A_1260 : i32 to vector<16xi32>
      %gather3A_1262 = tpu.vector_load_idx %arg11[%iota3A, %broadcast_in_dim3A_1261, %and3A_356] : memref<16x48x128xf32, #tpu.memory_space<vmem>>[vector<16xi32>, vector<16xi32>, vector<16xi32>], vector<16xf32>,
      %add3A_1263 = arith.constant 16 : i32
      %add3A_1264 = vector.broadcast %add3A_1263 : i32 to vector<16xi32>
      %add3A_1265 = arith.addi %mul3A_781, %add3A_1264 : vector<16xi32>
      %add3A_1266 = arith.constant 35 : i32
      %add3A_1267 = vector.broadcast %add3A_1266 : i32 to vector<16xi32>
      %add3A_1268 = arith.addi %add3A_1265, %add3A_1267 : vector<16xi32>
      %mul3A_1269 = arith.mulf %gather3A_1262, %min3A_778 : vector<16xf32>
      tpu.vector_store_idx %arg12[%add3A_1268], %mul3A_1269 : memref<1024xf32, #tpu.memory_space<vmem>>[vector<16xi32>], vector<16xf32>,
      %broadcast_in_dim3A_1270 = arith.constant 36 : i32
      %broadcast_in_dim3A_1271 = vector.broadcast %broadcast_in_dim3A_1270 : i32 to vector<16xi32>
      %gather3A_1272 = tpu.vector_load_idx %arg11[%iota3A, %broadcast_in_dim3A_1271, %and3A_356] : memref<16x48x128xf32, #tpu.memory_space<vmem>>[vector<16xi32>, vector<16xi32>, vector<16xi32>], vector<16xf32>,
      %add3A_1273 = arith.constant 16 : i32
      %add3A_1274 = vector.broadcast %add3A_1273 : i32 to vector<16xi32>
      %add3A_1275 = arith.addi %mul3A_781, %add3A_1274 : vector<16xi32>
      %add3A_1276 = arith.constant 36 : i32
      %add3A_1277 = vector.broadcast %add3A_1276 : i32 to vector<16xi32>
      %add3A_1278 = arith.addi %add3A_1275, %add3A_1277 : vector<16xi32>
      %mul3A_1279 = arith.mulf %gather3A_1272, %min3A_778 : vector<16xf32>
      tpu.vector_store_idx %arg12[%add3A_1278], %mul3A_1279 : memref<1024xf32, #tpu.memory_space<vmem>>[vector<16xi32>], vector<16xf32>,
      %broadcast_in_dim3A_1280 = arith.constant 37 : i32
      %broadcast_in_dim3A_1281 = vector.broadcast %broadcast_in_dim3A_1280 : i32 to vector<16xi32>
      %gather3A_1282 = tpu.vector_load_idx %arg11[%iota3A, %broadcast_in_dim3A_1281, %and3A_356] : memref<16x48x128xf32, #tpu.memory_space<vmem>>[vector<16xi32>, vector<16xi32>, vector<16xi32>], vector<16xf32>,
      %add3A_1283 = arith.constant 16 : i32
      %add3A_1284 = vector.broadcast %add3A_1283 : i32 to vector<16xi32>
      %add3A_1285 = arith.addi %mul3A_781, %add3A_1284 : vector<16xi32>
      %add3A_1286 = arith.constant 37 : i32
      %add3A_1287 = vector.broadcast %add3A_1286 : i32 to vector<16xi32>
      %add3A_1288 = arith.addi %add3A_1285, %add3A_1287 : vector<16xi32>
      %mul3A_1289 = arith.mulf %gather3A_1282, %min3A_778 : vector<16xf32>
      tpu.vector_store_idx %arg12[%add3A_1288], %mul3A_1289 : memref<1024xf32, #tpu.memory_space<vmem>>[vector<16xi32>], vector<16xf32>,
      %broadcast_in_dim3A_1290 = arith.constant 38 : i32
      %broadcast_in_dim3A_1291 = vector.broadcast %broadcast_in_dim3A_1290 : i32 to vector<16xi32>
      %gather3A_1292 = tpu.vector_load_idx %arg11[%iota3A, %broadcast_in_dim3A_1291, %and3A_356] : memref<16x48x128xf32, #tpu.memory_space<vmem>>[vector<16xi32>, vector<16xi32>, vector<16xi32>], vector<16xf32>,
      %add3A_1293 = arith.constant 16 : i32
      %add3A_1294 = vector.broadcast %add3A_1293 : i32 to vector<16xi32>
      %add3A_1295 = arith.addi %mul3A_781, %add3A_1294 : vector<16xi32>
      %add3A_1296 = arith.constant 38 : i32
      %add3A_1297 = vector.broadcast %add3A_1296 : i32 to vector<16xi32>
      %add3A_1298 = arith.addi %add3A_1295, %add3A_1297 : vector<16xi32>
      %mul3A_1299 = arith.mulf %gather3A_1292, %min3A_778 : vector<16xf32>
      tpu.vector_store_idx %arg12[%add3A_1298], %mul3A_1299 : memref<1024xf32, #tpu.memory_space<vmem>>[vector<16xi32>], vector<16xf32>,
      %broadcast_in_dim3A_1300 = arith.constant 39 : i32
      %broadcast_in_dim3A_1301 = vector.broadcast %broadcast_in_dim3A_1300 : i32 to vector<16xi32>
      %gather3A_1302 = tpu.vector_load_idx %arg11[%iota3A, %broadcast_in_dim3A_1301, %and3A_356] : memref<16x48x128xf32, #tpu.memory_space<vmem>>[vector<16xi32>, vector<16xi32>, vector<16xi32>], vector<16xf32>,
      %add3A_1303 = arith.constant 16 : i32
      %add3A_1304 = vector.broadcast %add3A_1303 : i32 to vector<16xi32>
      %add3A_1305 = arith.addi %mul3A_781, %add3A_1304 : vector<16xi32>
      %add3A_1306 = arith.constant 39 : i32
      %add3A_1307 = vector.broadcast %add3A_1306 : i32 to vector<16xi32>
      %add3A_1308 = arith.addi %add3A_1305, %add3A_1307 : vector<16xi32>
      %mul3A_1309 = arith.mulf %gather3A_1302, %min3A_778 : vector<16xf32>
      tpu.vector_store_idx %arg12[%add3A_1308], %mul3A_1309 : memref<1024xf32, #tpu.memory_space<vmem>>[vector<16xi32>], vector<16xf32>,
      %broadcast_in_dim3A_1310 = arith.constant 40 : i32
      %broadcast_in_dim3A_1311 = vector.broadcast %broadcast_in_dim3A_1310 : i32 to vector<16xi32>
      %gather3A_1312 = tpu.vector_load_idx %arg11[%iota3A, %broadcast_in_dim3A_1311, %and3A_356] : memref<16x48x128xf32, #tpu.memory_space<vmem>>[vector<16xi32>, vector<16xi32>, vector<16xi32>], vector<16xf32>,
      %add3A_1313 = arith.constant 16 : i32
      %add3A_1314 = vector.broadcast %add3A_1313 : i32 to vector<16xi32>
      %add3A_1315 = arith.addi %mul3A_781, %add3A_1314 : vector<16xi32>
      %add3A_1316 = arith.constant 40 : i32
      %add3A_1317 = vector.broadcast %add3A_1316 : i32 to vector<16xi32>
      %add3A_1318 = arith.addi %add3A_1315, %add3A_1317 : vector<16xi32>
      %mul3A_1319 = arith.mulf %gather3A_1312, %min3A_778 : vector<16xf32>
      tpu.vector_store_idx %arg12[%add3A_1318], %mul3A_1319 : memref<1024xf32, #tpu.memory_space<vmem>>[vector<16xi32>], vector<16xf32>,
      %broadcast_in_dim3A_1320 = arith.constant 41 : i32
      %broadcast_in_dim3A_1321 = vector.broadcast %broadcast_in_dim3A_1320 : i32 to vector<16xi32>
      %gather3A_1322 = tpu.vector_load_idx %arg11[%iota3A, %broadcast_in_dim3A_1321, %and3A_356] : memref<16x48x128xf32, #tpu.memory_space<vmem>>[vector<16xi32>, vector<16xi32>, vector<16xi32>], vector<16xf32>,
      %add3A_1323 = arith.constant 16 : i32
      %add3A_1324 = vector.broadcast %add3A_1323 : i32 to vector<16xi32>
      %add3A_1325 = arith.addi %mul3A_781, %add3A_1324 : vector<16xi32>
      %add3A_1326 = arith.constant 41 : i32
      %add3A_1327 = vector.broadcast %add3A_1326 : i32 to vector<16xi32>
      %add3A_1328 = arith.addi %add3A_1325, %add3A_1327 : vector<16xi32>
      %mul3A_1329 = arith.mulf %gather3A_1322, %min3A_778 : vector<16xf32>
      tpu.vector_store_idx %arg12[%add3A_1328], %mul3A_1329 : memref<1024xf32, #tpu.memory_space<vmem>>[vector<16xi32>], vector<16xf32>,
      %broadcast_in_dim3A_1330 = arith.constant 42 : i32
      %broadcast_in_dim3A_1331 = vector.broadcast %broadcast_in_dim3A_1330 : i32 to vector<16xi32>
      %gather3A_1332 = tpu.vector_load_idx %arg11[%iota3A, %broadcast_in_dim3A_1331, %and3A_356] : memref<16x48x128xf32, #tpu.memory_space<vmem>>[vector<16xi32>, vector<16xi32>, vector<16xi32>], vector<16xf32>,
      %add3A_1333 = arith.constant 16 : i32
      %add3A_1334 = vector.broadcast %add3A_1333 : i32 to vector<16xi32>
      %add3A_1335 = arith.addi %mul3A_781, %add3A_1334 : vector<16xi32>
      %add3A_1336 = arith.constant 42 : i32
      %add3A_1337 = vector.broadcast %add3A_1336 : i32 to vector<16xi32>
      %add3A_1338 = arith.addi %add3A_1335, %add3A_1337 : vector<16xi32>
      %mul3A_1339 = arith.mulf %gather3A_1332, %min3A_778 : vector<16xf32>
      tpu.vector_store_idx %arg12[%add3A_1338], %mul3A_1339 : memref<1024xf32, #tpu.memory_space<vmem>>[vector<16xi32>], vector<16xf32>,
      %broadcast_in_dim3A_1340 = arith.constant 43 : i32
      %broadcast_in_dim3A_1341 = vector.broadcast %broadcast_in_dim3A_1340 : i32 to vector<16xi32>
      %gather3A_1342 = tpu.vector_load_idx %arg11[%iota3A, %broadcast_in_dim3A_1341, %and3A_356] : memref<16x48x128xf32, #tpu.memory_space<vmem>>[vector<16xi32>, vector<16xi32>, vector<16xi32>], vector<16xf32>,
      %add3A_1343 = arith.constant 16 : i32
      %add3A_1344 = vector.broadcast %add3A_1343 : i32 to vector<16xi32>
      %add3A_1345 = arith.addi %mul3A_781, %add3A_1344 : vector<16xi32>
      %add3A_1346 = arith.constant 43 : i32
      %add3A_1347 = vector.broadcast %add3A_1346 : i32 to vector<16xi32>
      %add3A_1348 = arith.addi %add3A_1345, %add3A_1347 : vector<16xi32>
      %mul3A_1349 = arith.mulf %gather3A_1342, %min3A_778 : vector<16xf32>
      tpu.vector_store_idx %arg12[%add3A_1348], %mul3A_1349 : memref<1024xf32, #tpu.memory_space<vmem>>[vector<16xi32>], vector<16xf32>,
      %broadcast_in_dim3A_1350 = arith.constant 44 : i32
      %broadcast_in_dim3A_1351 = vector.broadcast %broadcast_in_dim3A_1350 : i32 to vector<16xi32>
      %gather3A_1352 = tpu.vector_load_idx %arg11[%iota3A, %broadcast_in_dim3A_1351, %and3A_356] : memref<16x48x128xf32, #tpu.memory_space<vmem>>[vector<16xi32>, vector<16xi32>, vector<16xi32>], vector<16xf32>,
      %add3A_1353 = arith.constant 16 : i32
      %add3A_1354 = vector.broadcast %add3A_1353 : i32 to vector<16xi32>
      %add3A_1355 = arith.addi %mul3A_781, %add3A_1354 : vector<16xi32>
      %add3A_1356 = arith.constant 44 : i32
      %add3A_1357 = vector.broadcast %add3A_1356 : i32 to vector<16xi32>
      %add3A_1358 = arith.addi %add3A_1355, %add3A_1357 : vector<16xi32>
      %mul3A_1359 = arith.mulf %gather3A_1352, %min3A_778 : vector<16xf32>
      tpu.vector_store_idx %arg12[%add3A_1358], %mul3A_1359 : memref<1024xf32, #tpu.memory_space<vmem>>[vector<16xi32>], vector<16xf32>,
      %broadcast_in_dim3A_1360 = arith.constant 45 : i32
      %broadcast_in_dim3A_1361 = vector.broadcast %broadcast_in_dim3A_1360 : i32 to vector<16xi32>
      %gather3A_1362 = tpu.vector_load_idx %arg11[%iota3A, %broadcast_in_dim3A_1361, %and3A_356] : memref<16x48x128xf32, #tpu.memory_space<vmem>>[vector<16xi32>, vector<16xi32>, vector<16xi32>], vector<16xf32>,
      %add3A_1363 = arith.constant 16 : i32
      %add3A_1364 = vector.broadcast %add3A_1363 : i32 to vector<16xi32>
      %add3A_1365 = arith.addi %mul3A_781, %add3A_1364 : vector<16xi32>
      %add3A_1366 = arith.constant 45 : i32
      %add3A_1367 = vector.broadcast %add3A_1366 : i32 to vector<16xi32>
      %add3A_1368 = arith.addi %add3A_1365, %add3A_1367 : vector<16xi32>
      %mul3A_1369 = arith.mulf %gather3A_1362, %min3A_778 : vector<16xf32>
      tpu.vector_store_idx %arg12[%add3A_1368], %mul3A_1369 : memref<1024xf32, #tpu.memory_space<vmem>>[vector<16xi32>], vector<16xf32>,
      %broadcast_in_dim3A_1370 = arith.constant 46 : i32
      %broadcast_in_dim3A_1371 = vector.broadcast %broadcast_in_dim3A_1370 : i32 to vector<16xi32>
      %gather3A_1372 = tpu.vector_load_idx %arg11[%iota3A, %broadcast_in_dim3A_1371, %and3A_356] : memref<16x48x128xf32, #tpu.memory_space<vmem>>[vector<16xi32>, vector<16xi32>, vector<16xi32>], vector<16xf32>,
      %add3A_1373 = arith.constant 16 : i32
      %add3A_1374 = vector.broadcast %add3A_1373 : i32 to vector<16xi32>
      %add3A_1375 = arith.addi %mul3A_781, %add3A_1374 : vector<16xi32>
      %add3A_1376 = arith.constant 46 : i32
      %add3A_1377 = vector.broadcast %add3A_1376 : i32 to vector<16xi32>
      %add3A_1378 = arith.addi %add3A_1375, %add3A_1377 : vector<16xi32>
      %mul3A_1379 = arith.mulf %gather3A_1372, %min3A_778 : vector<16xf32>
      tpu.vector_store_idx %arg12[%add3A_1378], %mul3A_1379 : memref<1024xf32, #tpu.memory_space<vmem>>[vector<16xi32>], vector<16xf32>,
      %broadcast_in_dim3A_1380 = arith.constant 47 : i32
      %broadcast_in_dim3A_1381 = vector.broadcast %broadcast_in_dim3A_1380 : i32 to vector<16xi32>
      %gather3A_1382 = tpu.vector_load_idx %arg11[%iota3A, %broadcast_in_dim3A_1381, %and3A_356] : memref<16x48x128xf32, #tpu.memory_space<vmem>>[vector<16xi32>, vector<16xi32>, vector<16xi32>], vector<16xf32>,
      %add3A_1383 = arith.constant 16 : i32
      %add3A_1384 = vector.broadcast %add3A_1383 : i32 to vector<16xi32>
      %add3A_1385 = arith.addi %mul3A_781, %add3A_1384 : vector<16xi32>
      %add3A_1386 = arith.constant 47 : i32
      %add3A_1387 = vector.broadcast %add3A_1386 : i32 to vector<16xi32>
      %add3A_1388 = arith.addi %add3A_1385, %add3A_1387 : vector<16xi32>
      %mul3A_1389 = arith.mulf %gather3A_1382, %min3A_778 : vector<16xf32>
      tpu.vector_store_idx %arg12[%add3A_1388], %mul3A_1389 : memref<1024xf32, #tpu.memory_space<vmem>>[vector<16xi32>], vector<16xf32>,
      %add3A_1390 = arith.addi %mul3A_2, %mul3A_16 : i32
      %mul3A_1391 = arith.constant 64 : i32
      %mul3A_1392 = arith.muli %add3A_1390, %mul3A_1391 : i32
      "tpu.region"() ({
        %run_scoped3A = tpu.sem_alloc : memref<!tpu.dma_semaphore, #tpu.memory_space<semaphore_mem>>
        %dma_start3A_1393 = tpu.memref_slice %arg6[%mul3A_1392] : memref<1048576xf32, #tpu.memory_space<hbm>> -> memref<1024xf32, #tpu.memory_space<hbm>>
        %dma_start3A_1394 = tpu.memref_slice %arg6[%mul3A_1392] : memref<1048576xf32, #tpu.memory_space<hbm>> -> memref<1024xf32, #tpu.memory_space<hbm>>
        tpu.enqueue_dma source(%arg12 : memref<1024xf32, #tpu.memory_space<vmem>>) target(%dma_start3A_1394 : memref<1024xf32, #tpu.memory_space<hbm>>) target_semaphore(%run_scoped3A : memref<!tpu.dma_semaphore, #tpu.memory_space<semaphore_mem>>)
        %dma_wait3A_1395 = tpu.memref_slice %arg6[%mul3A_1392] : memref<1048576xf32, #tpu.memory_space<hbm>> -> memref<1024xf32, #tpu.memory_space<hbm>>
        %dma_wait3A_1396 = tpu.memref_slice %arg6[%mul3A_1392] : memref<1048576xf32, #tpu.memory_space<hbm>> -> memref<1024xf32, #tpu.memory_space<hbm>>
        tpu.wait_dma2 semaphore(%run_scoped3A : memref<!tpu.dma_semaphore, #tpu.memory_space<semaphore_mem>>) src(%arg12 : memref<1024xf32, #tpu.memory_space<vmem>>) dst(%dma_wait3A_1396 : memref<1024xf32, #tpu.memory_space<hbm>>)
        tpu.yield
      }) : () -> ()
    }
    %scan3A_13 = arith.constant 32 : i32
    return
  }
}

</mosaic_0001>

<sc_bundles>
// kernel: kernel.3.cloned.1.call-start
scs
__scs_entry_jumppad:
0x0: {  	(pc) =	sbr.rel $0x88, $3  }
0x1: {  	(tag) =	ssettag $0x0;
	lr =	simm.s32 $0x1  }
0x2: {  	[smem:$0x3F9D] =	sst lr;
	_ =	strace $0xD0000000  }
0x3: {  	_ = 	snop  }
0x4: {  	_ = 	snop  }
0x5: {  	_ = 	snop  }
0x6: {  	_ = 	snop  }
0x7: {  	_ = 	snop  }
__scs_overlays_trampoline_lowered:
0x8: {  	[smem:$0x3FAC] =	sst s0  }
0x9: {  	[smem:$0x3FAD] =	sst s1  }
0xa: {  	[smem:$0x3FAE] =	sst s2  }
0xb: {  	[smem:$0x3FAF] =	sst s3  }
0xc: {  	[smem:$0x3FB0] =	sst s4  }
0xd: {  	[smem:$0x3FB1] =	sst s5  }
0xe: {  	[smem:$0x3FB2] =	sst s6  }
0xf: {  	[smem:$0x3FB3] =	sst s7  }
0x10: {  	[smem:$0x3FB4] =	sst s8  }
0x11: {  	[smem:$0x3FB5] =	sst s9;
	s0 =	simm.s32 @!p0 $0x0  }
0x12: {  	s1 =	sld [smem:$0x3F9B];
	s0 =	simm.s32 @p0 $0x1  }
0x13: {  	[smem:$0x3FB6] =	sst s0;
	s0 =	simm.s32 @!p1 $0x0  }
0x14: {  	s2 =	sld [smem:$0x3F9A];
	s0 =	simm.s32 @p1 $0x1  }
0x15: {  	[smem:$0x3FB7] =	sst s0;
	s0 =	simm.s32 @!p2 $0x0  }
0x16: {  	s3 =	sld [smem:$0x3FDB];
	s0 =	simm.s32 @p2 $0x1  }
0x17: {  	s4 =	simm.s32 $0x1BF5;
	[smem:$0x3FB9] =	sst s0  }
0x18: {  	s0 =	sld [smem:$0x3F9C];
	_ =	swait.ge [sflag:s4], $0x0  }
0x19: {  	s7 =	sld [smem:$0x3F9D]  }
0x1a: {  	s8 =	sadd.s32 $0xFFFFE003, lr  }
0x1b: {  	s9 =	sadd.s32 $0xFFFFFEF7, lr;
	s5 =	simm.s32 $0xFFFFFFFF;
	p2 =	slt.u32 s8, $0xFFFFF086  }
0x1c: {  	p1 =	slt.u32 s9, $0xF7A;
	s5 =	simm.s32 @!p2 $0x0  }
0x1d: {  	s5 =	simm.s32 @p1 $0x1;
	p0 =	seq.s32 s7, s2  }
0x1e: {  	s7 =	smul.u32 @!p0 $0xF7A, s2;
	p2 =	seq.s32 @!p0 s5, $0x0  }
0x1f: {  	s9 =	smul.u32 $0xF7A, s1;
	s8 =	simm.s32 @!p0 $0x1BF5;
	p2 =	por !p2, p0  }
0x20: {  	[sflag:s8] =	ssyncset.s32 @!p0 $0xFFFFF086;
	s6 =	sadd.s32 @!p0 s3, s7;
	s7 =	simm.s32 @!p0 $0x108  }
0x21: {  	s3 =	sadd.s32 s3, s9;
	s6 =	sadd.s32 @!p0 $0x88, s6;
	s7 =	simm.s32 @p2 $0x1082  }
0x22: {  	[simem:s7], [sflag:s8] =	dma.local @!p0 [hbm:s6], $0xF7A  }
0x23: {  	s9 =	sor.u32 $0xD0000000, s2;
	s6 =	simm.s32 $0x108;
	_ =	swait.ge @!p0 [sflag:s8], $0x0  }
0x24: {  	s3 =	sadd.s32 $0x88, s3;
	s6 =	simm.s32 @!p1 $0x1082;
	[sflag:s4] =	ssyncset.s32 $0xFFFFF086  }
0x25: {  	[simem:s6], [sflag:s4] =	dma.local [hbm:s3], $0xF7A  }
0x26: {  	[smem:$0x3F9D] =	sst s1;
	(tag) =	ssettag s2;
	_ =	strace s9  }
0x27: {  	s1 =	sld [smem:$0x3FAD]  }
0x28: {  	s2 =	sld [smem:$0x3FAE]  }
0x29: {  	s4 =	sld [smem:$0x3FB0]  }
0x2a: {  	p0 =	seq.s32 s5, $0x0;
	s5 =	sld [smem:$0x3FB1]  }
0x2b: {  	s6 =	sld [smem:$0x3FB2]  }
0x2c: {  	s7 =	sld [smem:$0x3FB3]  }
0x2d: {  	s3 =	simm.s32 $0x108;
	s8 =	sld [smem:$0x3FB4]  }
0x2e: {  	s3 =	simm.s32 @!p0 $0x1082;
	s9 =	sld [smem:$0x3FB5]  }
0x2f: {  	lr =	sadd.s32 s0, s3;
	s0 =	sld [smem:$0x3FAC]  }
0x30: {  	s3 =	sld [smem:$0x3FAF]  }
0x31: {  	[smem:$0x3FB8] =	sst s10  }
0x32: {  	s10 =	sld [smem:$0x3FB6];
	_ =	sdelay $0x3  }
0x33: {  	p0 =	seq.s32 s10, $0x1;
	s10 =	sld [smem:$0x3FB8];
	_ =	sdelay $0x3  }
0x34: {  	[smem:$0x3FB8] =	sst s10  }
0x35: {  	s10 =	sld [smem:$0x3FB7];
	_ =	sdelay $0x3  }
0x36: {  	p1 =	seq.s32 s10, $0x1;
	s10 =	sld [smem:$0x3FB8];
	_ =	sdelay $0x3  }
0x37: {  	[smem:$0x3FB8] =	sst s10  }
0x38: {  	s10 =	sld [smem:$0x3FB9]  }
0x39: {  	_ = 	snop;
	(pc) =	sbr.ind lr, $3  }
0x3a: {  	_ = 	snop  }
0x3b: {  	_ = 	snop  }
0x3c: {  	p2 =	seq.s32 s10, $0x1;
	s10 =	sld [smem:$0x3FB8]  }
0x3d: {  	_ =	shalt  }
0x3e: {  	_ =	shalt  }
0x3f: {  	_ =	shalt  }
0x40: {  	_ =	shalt  }
0x41: {  	_ =	shalt  }
0x42: {  	_ =	shalt  }
0x43: {  	_ =	shalt  }
0x44: {  	_ =	shalt  }
0x45: {  	_ =	shalt  }
0x46: {  	_ =	shalt  }
0x47: {  	_ =	shalt  }
0x48: {  	_ =	shalt  }
0x49: {  	_ =	shalt  }
0x4a: {  	_ =	shalt  }
0x4b: {  	_ =	shalt  }
0x4c: {  	_ =	shalt  }
0x4d: {  	_ =	shalt  }
0x4e: {  	_ =	shalt  }
0x4f: {  	_ =	shalt  }
0x50: {  	_ =	shalt  }
0x51: {  	_ =	shalt  }
0x52: {  	_ =	shalt  }
0x53: {  	_ =	shalt  }
0x54: {  	_ =	shalt  }
0x55: {  	_ =	shalt  }
0x56: {  	_ =	shalt  }
0x57: {  	_ =	shalt  }
0x58: {  	_ =	shalt  }
0x59: {  	_ =	shalt  }
0x5a: {  	_ =	shalt  }
0x5b: {  	_ =	shalt  }
0x5c: {  	_ =	shalt  }
0x5d: {  	_ =	shalt  }
0x5e: {  	_ =	shalt  }
0x5f: {  	_ =	shalt  }
0x60: {  	_ =	shalt  }
0x61: {  	_ =	shalt  }
0x62: {  	_ =	shalt  }
0x63: {  	_ =	shalt  }
0x64: {  	_ =	shalt  }
0x65: {  	_ =	shalt  }
0x66: {  	_ =	shalt  }
0x67: {  	_ =	shalt  }
0x68: {  	_ =	shalt  }
0x69: {  	_ =	shalt  }
0x6a: {  	_ =	shalt  }
0x6b: {  	_ =	shalt  }
0x6c: {  	_ =	shalt  }
0x6d: {  	_ =	shalt  }
0x6e: {  	_ =	shalt  }
0x6f: {  	_ =	shalt  }
0x70: {  	_ =	shalt  }
0x71: {  	_ =	shalt  }
0x72: {  	_ =	shalt  }
0x73: {  	_ =	shalt  }
0x74: {  	_ =	shalt  }
0x75: {  	_ =	shalt  }
0x76: {  	_ =	shalt  }
0x77: {  	_ =	shalt  }
0x78: {  	_ =	shalt  }
0x79: {  	_ =	shalt  }
0x7a: {  	_ =	shalt  }
0x7b: {  	_ =	shalt  }
0x7c: {  	_ =	shalt  }
0x7d: {  	_ =	shalt  }
0x7e: {  	_ =	shalt  }
0x7f: {  	_ =	shalt  }
0x80: {  	_ =	shalt  }
0x81: {  	_ =	shalt  }
0x82: {  	_ =	shalt  }
0x83: {  	_ =	shalt  }
0x84: {  	_ =	shalt  }
0x85: {  	_ =	shalt  }
0x86: {  	_ =	shalt  }
0x87: {  	_ =	shalt  }
.Lfunc_end0:
.L_simem_size_0:
called_computation_lowered:
.L_overlay_start_0:
0x88: {  	s2 =	sld [smem:$0x3FD9]  }
0x89: {  	s3 =	sld [smem:$0x3FFE];
	_ =	sdelay $0x1  }
0x8a: {  	s1 =	srdreg.scid  }
0x8b: {  	s0 =	sand.u32 $0x1, s1  }
0x8c: {  	s17 =	sshll.u32 s0, $0xA;
	s2 =	sadd.s32 s3, s2  }
0x8d: {  	s2 =	sadd.s32 s2, s17  }
0x8e: {  	[smem:$0x3FC4] =	sst s2  }
0x8f: {  	_ = 	snop  }
0x90: {  	s2 =	sld [smem:$0x3FC8]  }
0x91: {  	s18 =	sld [smem:$0x3FC7]  }
0x92: {  	s4 =	sld [smem:$0x3FC6]  }
0x93: {  	s5 =	sld [smem:$0x3FD0];
	(tm) =	ssettm $0x1  }
0x94: {  	s6 =	sld [smem:$0x3FFB];
	_ =	sdelay $0x3  }
0x95: {  	_ =	strace s6  }
0x96: {  	s6 =	sld [smem:$0x3FFC];
	_ =	sdelay $0x3  }
0x97: {  	_ =	strace s6  }
0x98: {  	s6 =	sld [smem:$0x3FFD];
	_ =	sdelay $0x3  }
0x99: {  	_ =	strace s6  }
0x9a: {  	_ =	strace $0x8FFFFFFF  }
0x9b: {  	s19 =	sld [smem:$0x3FDB];
	_ =	sdelay $0x1  }
0x9c: {  	s7 =	simm.s32 $_scs_section_size  }
0x9d: {  	s8 =	simm.s32 $_size__tile_overlayer_lowered;
	s9 =	simm.s32 $_tile_overlayer_lowered  }
0x9e: {  	s22 =	simm.s32 $0x1BFF;
	s21 =	sshll.u32 s9, $0x1;
	s6 =	sadd.s32 s7, s19  }
0x9f: {  	s10 =	simm.s32 $0x0;
	s20 =	sshll.u32 s8, $0x1;
	s8 =	sadd.s32 s21, s6  }
0xa0: {  	[timem:s10], [sflag:s22] =	dma.local [hbm:s8], s20  }
0xa1: {  	_ =	swait.ge [sflag:s22], s20  }
0xa2: {  	s7 =	ssub.s32 $0x0, s20;
	[sflag:s22] =	ssyncset.done $0x0  }
0xa3: {  	[sflag:s22] =	ssyncadd.s32 s7;
	_ =	sdelay $0x1  }
0xa4: {  	s23 =	simm.s32 $0x1B8B  }
0xa5: {  	_ =	swait.ge [sflag:s23], $0x1  }
0xa6: {  	[sflag:s23] =	ssyncset.done $0x0  }
0xa7: {  	s25 =	simm.s32 $0x1B8E;
	s24 =	sld [smem:$0x3FFE];
	[sflag:s23] =	ssyncadd.s32 $0xFFFFFFFF  }
0xa8: {  	s26 =	simm.s32 $execute0_lowered;
	[smem:$0x3FD2] =	sst s25  }
0xa9: {  	s8 =	sshll.u32 s26, $0x1;
	_ =	strace $0x80000046;
	[dreg:$0x1] =	wrdreg $0xFFFFFFFF  }
0xaa: {  	s28 =	simm.s32 $_size_execute0_lowered;
	s6 =	sadd.s32 s6, s8;
	[dreg:$0x0] =	wrdreg $0x0  }
0xab: {  	s8 =	sshll.u32 s28, $0x1;
	[dreg:$0x2] =	wrdreg s6  }
0xac: {  	[dreg:$0x3] =	wrdreg s8  }
0xad: {  	[dreg:$0x4] =	wrdreg $0xC0  }
0xae: {  	_ =	task [dreg:s10], $0x5FFFF  }
0xaf: {  	[dreg:$0x1] =	wrdreg $0xFFFFFFFF  }
0xb0: {  	[dreg:$0x0] =	wrdreg $0x60  }
0xb1: {  	[dreg:$0x2] =	wrdreg s24  }
0xb2: {  	[dreg:$0x3] =	wrdreg s2  }
0xb3: {  	[dreg:$0x4] =	wrdreg s18  }
0xb4: {  	[dreg:$0x5] =	wrdreg s4  }
0xb5: {  	[dreg:$0x6] =	wrdreg s5  }
0xb6: {  	[dreg:$0x7] =	wrdreg $0x9  }
0xb7: {  	_ =	task.clear_ibuf [dreg:s10], $0x8FFFF;
	_ =	strace $0x90000046  }
0xb8: {  	s29 =	simm.s32 $0x9;
	_ =	strace $0x80000048  }
0xb9: {  	_ =	swait.ge [sflag:s29], $0x1  }
0xba: {  	[sflag:s29] =	ssyncadd.s32 $0xFFFFFFFF  }
0xbb: {  	_ =	strace $0x90000048  }
0xbc: {  	_ =	sfence  }
0xbd: {  	s30 =	sld [smem:$0x0];
	_ =	sdelay $0x2  }
0xbe: {  	s31 =	sshll.u32 s1, $0xD;
	s1 =	sshrl.u32 s1, $0x2  }
0xbf: {  	s3 =	sand.u32 $0x4000, s31;
	s1 =	sadd.s32 s1, s30  }
0xc0: {  	s0 =	sor.u32 s3, s0;
	s1 =	sshll.u32 s1, $0x11  }
0xc1: {  	s0 =	sor.u32 s1, s0  }
0xc2: {  	s0 =	sadd.s32 $0x8F2B, s0  }
0xc3: {  	[sflag:s0] =	ssyncadd.remote.s32 $0x1  }
0xc4: {  	_ =	sfence.sel $0xFFFF  }
0xc5: {  	[dreg:$0x0] =	wrdreg $0xFFFFFFFF;
	(pc) =	sbr.abs _section_cstart, $3  }
0xc6: {  	[dreg:$0x1] =	wrdreg $0xFFFFFFFF  }
0xc7: {  	_ =	task.clear_ibuf [dreg:s10], $0x2FFFF;
	_ =	strace $0x9FFFFFFF  }
0xc8: {  	(tm) =	ssettm $0x7FFFFFFF  }
0xc9: {  	_ =	shalt  }
tec
execute0_lowered:
.L_overlay_start_1:
0x0: {  	(tag) =	ssettag $0x1  }
0x1: {  	s3 =	rddreg [dreg:$0x0]  }
0x2: {  	s1 =	rddreg [dreg:$0x1]  }
0x3: {  	s4 =	rddreg [dreg:$0x2]  }
0x4: {  	s5 =	rddreg [dreg:$0x3];
	v0 =	vlaneseq.u32  }
0x5: {  	s7 =	rddreg [dreg:$0x4];
	s2 =	simm.s32 $0x0;
	v3 =	vmul.u32 $0x80, v0;
	v0 =	vmul.u32 $0x1800, v0  }
0x6: {  	[smem:$0x7FF] =	sst s2  }
0x7: {  	s0 =	rddreg [dreg:$0x5];
	_ =	strace $0x80000047;
	v1 =	vadd.s32 $0xD00, v0;
	[tilespmem:$0x1FED0] =	vst v3  }
0x8: {  	v4 =	vor.u32 $0x1, v3;
	[tilespmem:$0x1FD90] =	vst v1  }
0x9: {  	v5 =	vor.u32 $0x2, v3;
	[tilespmem:$0x1FEE0] =	vst v4  }
0xa: {  	v6 =	vor.u32 $0x3, v3;
	[tilespmem:$0x1FEF0] =	vst v5  }
0xb: {  	v7 =	vor.u32 $0x4, v3;
	[tilespmem:$0x1FF00] =	vst v6  }
0xc: {  	v13 =	vor.u32 $0x5, v3;
	[tilespmem:$0x1FF10] =	vst v7  }
0xd: {  	v10 =	vor.u32 $0x7, v3;
	[tilespmem:$0x1FF20] =	vst v13  }
0xe: {  	v9 =	vor.u32 $0x6, v3;
	[tilespmem:$0x1FF30] =	vst v10  }
0xf: {  	v22 =	vor.u32 $0x180, v0;
	[tilespmem:$0x1FF40] =	vst v9  }
0x10: {  	v25 =	vor.u32 $0x300, v0;
	[tilespmem:$0x1FF50] =	vst v22  }
0x11: {  	v28 =	vmov v0;
	[tilespmem:$0x1FF60] =	vst v25  }
0x12: {  	v34 =	vor.u32 $0x600, v0;
	[tilespmem:$0x1FF70] =	vst v28  }
0x13: {  	v15 =	vor.u32 $0xB, v3;
	[tilespmem:$0x1FF80] =	vst v34  }
0x14: {  	v36 =	vor.u32 $0x700, v0;
	[tilespmem:$0x1FF90] =	vst v15  }
0x15: {  	v38 =	vadd.s32 $0x800, v0;
	[tilespmem:$0x1FFA0] =	vst v36  }
0x16: {  	v33 =	vor.u32 $0x580, v0;
	[tilespmem:$0x1FFB0] =	vst v38  }
0x17: {  	s3 =	sadd.s32 $0x186E00, s3;
	v42 =	vadd.s32 $0x900, v0;
	[tilespmem:$0x1FFC0] =	vst v33  }
0x18: {  	s10 =	simm.s32 $0x10;
	[dreg:$0x6] =	wrdreg s3;
	v43 =	vadd.s32 $0x980, v0;
	[tilespmem:$0x1FFD0] =	vst v42  }
0x19: {  	s18 =	simm.s32 $0x2600;
	[dreg:$0x7] =	wrdreg s10;
	v29 =	vor.u32 $0x8, v3;
	[tilespmem:$0x1FFE0] =	vst v43  }
0x1a: {  	s19 =	simm.s32 $0x3E00;
	[dreg:$0x8] =	wrdreg s18;
	v1 =	vadd.s32 $0xE00, v0;
	[tilespmem:$0x1FFF0] =	vst v29  }
0x1b: {  	s20 =	simm.s32 $0x5600;
	[dreg:$0x9] =	wrdreg s19;
	[tilespmem:$0x1FDA0] =	vst v1;
	v1 =	vadd.s32 $0xE80, v0  }
0x1c: {  	s21 =	simm.s32 $0x6E00;
	[dreg:$0xa] =	wrdreg s20;
	[tilespmem:$0x1FDB0] =	vst v1;
	v1 =	vadd.s32 $0xF00, v0  }
0x1d: {  	s22 =	simm.s32 $0x8600;
	[dreg:$0xb] =	wrdreg s21;
	[tilespmem:$0x1FDC0] =	vst v1;
	v1 =	vadd.s32 $0xF80, v0  }
0x1e: {  	s6 =	srdreg.scid;
	s23 =	simm.s32 $0x9E00;
	[dreg:$0xc] =	wrdreg s22;
	[tilespmem:$0x1FDD0] =	vst v1;
	v1 =	vadd.s32 $0x1000, v0  }
0x1f: {  	s25 =	simm.s32 $0xB600;
	s26 =	simm.s32 $0xCE00;
	[dreg:$0xd] =	wrdreg s23;
	[tilespmem:$0x1FDE0] =	vst v1;
	v1 =	vadd.s32 $0x1080, v0  }
0x20: {  	s28 =	simm.s32 $0xE600;
	s29 =	simm.s32 $0xFE00;
	[dreg:$0xe] =	wrdreg s25;
	[tilespmem:$0x1FDF0] =	vst v1;
	v1 =	vadd.s32 $0x1100, v0  }
0x21: {  	s30 =	simm.s32 $0x11600;
	s31 =	simm.s32 $0x12E00;
	[dreg:$0xf] =	wrdreg s26;
	[tilespmem:$0x1FE00] =	vst v1;
	v1 =	vadd.s32 $0x1180, v0  }
0x22: {  	s12 =	simm.s32 $0x14600;
	s13 =	simm.s32 $0x15E00;
	[dreg:$0x10] =	wrdreg s28;
	v31 =	vor.u32 $0x9, v3;
	[tilespmem:$0x1FE10] =	vst v1;
	v1 =	vadd.s32 $0x1200, v0  }
0x23: {  	s14 =	simm.s32 $0x17600;
	s15 =	simm.s32 $0x2;
	[dreg:$0x11] =	wrdreg s29;
	v39 =	vor.u32 $0xA, v3;
	v40 =	vor.u32 $0xC, v3;
	[tilespmem:$0x1FE20] =	vst v1;
	v1 =	vadd.s32 $0x1280, v0  }
0x24: {  	s16 =	simm.s32 $0x18E00;
	s8 =	sand.u32 $0x1, s6;
	[dreg:$0x12] =	wrdreg s30;
	v20 =	vor.u32 $0x80, v0;
	v21 =	vor.u32 $0x100, v0;
	[tilespmem:$0x1FE30] =	vst v1;
	v1 =	vadd.s32 $0x1300, v0  }
0x25: {  	s6 =	ssub.s32 $0x2, s8;
	s11 =	sshll.u32 s8, $0x9;
	[dreg:$0x13] =	wrdreg s31;
	v23 =	vor.u32 $0x200, v0;
	v24 =	vor.u32 $0x280, v0;
	[tilespmem:$0x1FE40] =	vst v1;
	v1 =	vadd.s32 $0x1380, v0  }
0x26: {  	s8 =	sshll.u32 s8, $0xC;
	s10 =	simm.s32 $0x600;
	[dreg:$0x14] =	wrdreg s12;
	v26 =	vor.u32 $0x380, v0;
	v27 =	vor.u32 $0x400, v0;
	[tilespmem:$0x1FE50] =	vst v1;
	v1 =	vadd.s32 $0x1400, v0  }
0x27: {  	s3 =	stileid.u32;
	s12 =	simm.s32 $0x7A1400;
	[dreg:$0x15] =	wrdreg s13;
	v30 =	vor.u32 $0x480, v0;
	v32 =	vor.u32 $0x500, v0;
	[tilespmem:$0x1FE60] =	vst v1;
	v1 =	vadd.s32 $0x1480, v0  }
0x28: {  	s13 =	simm.s32 $0xE00;
	[dreg:$0x16] =	wrdreg s14;
	s14 =	simm.s32 $0x1;
	v35 =	vor.u32 $0x680, v0;
	v37 =	vor.u32 $0x780, v0;
	[tilespmem:$0x1FE70] =	vst v1;
	v1 =	vadd.s32 $0x1500, v0  }
0x29: {  	s9 =	sshrl.u32 s6, $0x1;
	s17 =	sshll.u32 s3, $0xA;
	s24 =	sshll.u32 s3, $0xD;
	v41 =	vadd.s32 $0x880, v0;
	v44 =	vadd.s32 $0xA00, v0;
	[tilespmem:$0x1FE80] =	vst v1;
	v1 =	vadd.s32 $0x1580, v0  }
0x2a: {  	v45 =	vadd.s32 $0xA80, v0;
	v46 =	vadd.s32 $0xB00, v0;
	s6 =	ssub.s32 s6, s9;
	s9 =	sor.u32 s11, s17;
	s7 =	sadd.s32 s24, s7;
	[tilespmem:$0x1FE90] =	vst v1;
	v1 =	vadd.s32 $0x1600, v0  }
0x2b: {  	v47 =	vadd.s32 $0xB80, v0;
	v48 =	vadd.s32 $0xC00, v0;
	s11 =	simm.s32 $0x400;
	s17 =	simm.s32 $0x0;
	s9 =	sshrl.u32 s9, $0x3;
	[tilespmem:$0x1FEA0] =	vst v1;
	v1 =	vadd.s32 $0x1680, v0  }
0x2c: {  	v56 =	vadd.s32 $0xC80, v0;
	v62 =	vadd.s32 $0xD80, v0;
	s6 =	smax.u32 s6, $0x1;
	s7 =	sadd.s32 s8, s7;
	s8 =	simm.s32 $0x3;
	v0 =	vadd.s32 $0x1700, v0;
	[tilespmem:$0x1FEB0] =	vst v1  }
0x2d: {  	v17 =	vor.u32 $0xD, v3;
	v18 =	vor.u32 $0xE, v3;
	v19 =	vor.u32 $0xF, v3;
	s4 =	sadd.s32 s4, s9;
	s5 =	sadd.s32 s5, s9;
	s9 =	simm.s32 $0x200;
	[tilespmem:$0x1FEC0] =	vst v0  }
.LBB2_1:
0x2e: {  	[tilespmem:s2], [sflag:$0x3] =	stream.linear.gather [hbm4b:s4+s2], $0x200, $0x38;
	[tilespmem:$0x19200] =	vst v63  }
0x2f: {  	_ =	swait.ge [sflag:s8], $0x200  }
0x30: {  	[sflag:s8] =	ssyncset.done $0x0  }
0x31: {  	[sflag:s8] =	ssyncadd.s32 $0xFFFFFE00  }
0x32: {  	[tilespmem:s9], [sflag:$0x3] =	stream.linear.gather [hbm4b:s5+s2], $0x200, $0x38;
	[tilespmem:$0x19200] =	vst v63  }
0x33: {  	_ =	swait.ge [sflag:s8], $0x200  }
0x34: {  	[sflag:s8] =	ssyncset.done $0x0  }
0x35: {  	s18 =	simm.s32 $0x0;
	[sflag:s8] =	ssyncadd.s32 $0xFFFFFE00  }
0x36: {  	s19 =	simm.s32 $0x40;
	v0 =	vld [tilespmem:s18+$0x0]  }
.LBB2_2:
0x37: {  	p0 =	sne.s32 s19, $0x7C0  }
.Ltmp0:
0x38: {  	_ = 	snop;
	(pc) =	sbr.rel @p0 .LBB2_2-.Ltmp0, $3  }
0x39: {  	_ =	sdelay $0x1  }
0x3a: {  	s20 =	sshra.s32 s19, $0x2;
	s19 =	sadd.s32 $0x40, s19;
	v1 =	vshrl.u32 v0, $0x3  }
0x3b: {  	v0 =	vld [tilespmem:s20+$0x0];
	[tilespmem:s18+$0x400] =	vst v1;
	s18 =	smov.u32 s20  }
0x3c: {  	_ =	sdelay $0x3  }
0x3d: {  	v0 =	vshrl.u32 v0, $0x3  }
0x3e: {  	s19 =	smov.u32 s7;
	[tilespmem:s18+$0x400] =	vst v0;
	s18 =	simm.s32 $0x0  }
.LBB2_4:
0x3f: {  	s21 =	rddreg [dreg:$0x6];
	s20 =	sshra.s32 s18, $0x2  }
0x40: {  	s22 =	rddreg [dreg:$0x7];
	s23 =	sadd.s32 $0x400, s20  }
0x41: {  	[tilespmem:s10], [sflag:$0x1] =	stream.indirect.gather [hbm4b:s21+s22], $0x80, s23, s22, $0xb8;
	[tilespmem:$0x19200] =	vst v63  }
0x42: {  	v0 =	vld [tilespmem:s20+$0x200];
	_ =	sdelay $0x4  }
0x43: {  	(v2sf) =	vpush v0, $0x0;
	_ =	sdelay $0x1  }
0x44: {  	(v2sf) =	vpush v0, $0x1;
	_ =	sdelay $0x1  }
0x45: {  	(v2sf) =	vpush v0, $0x2;
	_ =	sdelay $0x2  }
0x46: {  	(v2sf) =	vpush v0, $0x3;
	_ =	sdelay $0x7  }
0x47: {  	s24 =	spop (v2sf);
	(v2sf) =	vpush v0, $0x4;
	_ =	sdelay $0x1  }
0x48: {  	s25 =	spop (v2sf);
	(v2sf) =	vpush v0, $0x5;
	_ =	sdelay $0x1  }
0x49: {  	s28 =	spop (v2sf);
	(v2sf) =	vpush v0, $0x6;
	_ =	sdelay $0x1  }
0x4a: {  	s21 =	sand.u32 $0xFFFFF80, s24  }
0x4b: {  	s21 =	sadd.s32 s1, s21;
	s30 =	spop (v2sf);
	(v2sf) =	vpush v0, $0x7  }
0x4c: {  	[tilespmem:s13], [sflag:$0x2] =	stream.strided.gather [hbm4b:s21+s11], $0x1800, s12, s11, $0x38;
	[tilespmem:$0x19200] =	vst v63  }
0x4d: {  	s21 =	sand.u32 $0xFFFFF80, s25  }
0x4e: {  	s26 =	rddreg [dreg:$0x8];
	s21 =	sadd.s32 s1, s21  }
0x4f: {  	[tilespmem:s26], [sflag:$0x2] =	stream.strided.gather [hbm4b:s21+s11], $0x1800, s12, s11, $0x38;
	[tilespmem:$0x19200] =	vst v63  }
0x50: {  	s21 =	sand.u32 $0xFFFFF80, s28  }
0x51: {  	s29 =	rddreg [dreg:$0x9];
	s21 =	sadd.s32 s1, s21  }
0x52: {  	[tilespmem:s29], [sflag:$0x2] =	stream.strided.gather [hbm4b:s21+s11], $0x1800, s12, s11, $0x38;
	[tilespmem:$0x19200] =	vst v63  }
0x53: {  	s23 =	spop (v2sf);
	(v2sf) =	vpush v0, $0x8  }
0x54: {  	s21 =	sand.u32 $0xFFFFF80, s30  }
0x55: {  	s31 =	rddreg [dreg:$0xa];
	s21 =	sadd.s32 s1, s21;
	s25 =	spop (v2sf);
	(v2sf) =	vpush v0, $0x9  }
0x56: {  	[tilespmem:s31], [sflag:$0x2] =	stream.strided.gather [hbm4b:s21+s11], $0x1800, s12, s11, $0x38;
	[tilespmem:$0x19200] =	vst v63  }
0x57: {  	s21 =	sand.u32 $0xFFFFF80, s23;
	s28 =	spop (v2sf);
	(v2sf) =	vpush v0, $0xA  }
0x58: {  	s24 =	rddreg [dreg:$0xb];
	s21 =	sadd.s32 s1, s21  }
0x59: {  	[tilespmem:s24], [sflag:$0x2] =	stream.strided.gather [hbm4b:s21+s11], $0x1800, s12, s11, $0x38;
	[tilespmem:$0x19200] =	vst v63  }
0x5a: {  	s30 =	spop (v2sf);
	(v2sf) =	vpush v0, $0xB  }
0x5b: {  	s21 =	sand.u32 $0xFFFFF80, s25  }
0x5c: {  	s26 =	rddreg [dreg:$0xc];
	s21 =	sadd.s32 s1, s21  }
0x5d: {  	[tilespmem:s26], [sflag:$0x2] =	stream.strided.gather [hbm4b:s21+s11], $0x1800, s12, s11, $0x38;
	[tilespmem:$0x19200] =	vst v63  }
0x5e: {  	s21 =	sand.u32 $0xFFFFF80, s28  }
0x5f: {  	s29 =	rddreg [dreg:$0xd];
	s21 =	sadd.s32 s1, s21  }
0x60: {  	[tilespmem:s29], [sflag:$0x2] =	stream.strided.gather [hbm4b:s21+s11], $0x1800, s12, s11, $0x38;
	[tilespmem:$0x19200] =	vst v63  }
0x61: {  	s21 =	sand.u32 $0xFFFFF80, s30  }
0x62: {  	s31 =	rddreg [dreg:$0xe];
	s21 =	sadd.s32 s1, s21;
	s23 =	spop (v2sf);
	(v2sf) =	vpush v0, $0xC  }
0x63: {  	[tilespmem:s31], [sflag:$0x2] =	stream.strided.gather [hbm4b:s21+s11], $0x1800, s12, s11, $0x38;
	[tilespmem:$0x19200] =	vst v63  }
0x64: {  	s25 =	spop (v2sf);
	(v2sf) =	vpush v0, $0xD  }
0x65: {  	s21 =	sand.u32 $0xFFFFF80, s23  }
0x66: {  	s24 =	rddreg [dreg:$0xf];
	s21 =	sadd.s32 s1, s21;
	s28 =	spop (v2sf)  }
0x67: {  	(v2sf) =	vpush v0, $0xE;
	[tilespmem:s24], [sflag:$0x2] =	stream.strided.gather [hbm4b:s21+s11], $0x1800, s12, s11, $0x38;
	[tilespmem:$0x19200] =	vst v63  }
0x68: {  	s21 =	sand.u32 $0xFFFFF80, s25  }
0x69: {  	s26 =	rddreg [dreg:$0x10];
	s30 =	spop (v2sf);
	s21 =	sadd.s32 s1, s21  }
0x6a: {  	(v2sf) =	vpush v0, $0xF;
	[tilespmem:s26], [sflag:$0x2] =	stream.strided.gather [hbm4b:s21+s11], $0x1800, s12, s11, $0x38;
	[tilespmem:$0x19200] =	vst v63  }
0x6b: {  	s21 =	sand.u32 $0xFFFFF80, s28  }
0x6c: {  	s29 =	rddreg [dreg:$0x11];
	s21 =	sadd.s32 s1, s21  }
0x6d: {  	[tilespmem:s29], [sflag:$0x2] =	stream.strided.gather [hbm4b:s21+s11], $0x1800, s12, s11, $0x38;
	[tilespmem:$0x19200] =	vst v63  }
0x6e: {  	s21 =	sand.u32 $0xFFFFF80, s30  }
0x6f: {  	s31 =	rddreg [dreg:$0x12];
	s21 =	sadd.s32 s1, s21  }
0x70: {  	[tilespmem:s31], [sflag:$0x2] =	stream.strided.gather [hbm4b:s21+s11], $0x1800, s12, s11, $0x38;
	[tilespmem:$0x19200] =	vst v63  }
0x71: {  	s23 =	spop (v2sf)  }
0x72: {  	s21 =	sand.u32 $0xFFFFF80, s23  }
0x73: {  	s24 =	rddreg [dreg:$0x13];
	s25 =	spop (v2sf);
	s21 =	sadd.s32 s1, s21  }
0x74: {  	[tilespmem:s24], [sflag:$0x2] =	stream.strided.gather [hbm4b:s21+s11], $0x1800, s12, s11, $0x38;
	[tilespmem:$0x19200] =	vst v63  }
0x75: {  	s21 =	sand.u32 $0xFFFFF80, s25  }
0x76: {  	s26 =	rddreg [dreg:$0x14];
	s28 =	spop (v2sf);
	s21 =	sadd.s32 s1, s21  }
0x77: {  	[tilespmem:s26], [sflag:$0x2] =	stream.strided.gather [hbm4b:s21+s11], $0x1800, s12, s11, $0x38;
	[tilespmem:$0x19200] =	vst v63  }
0x78: {  	s21 =	sand.u32 $0xFFFFF80, s28  }
0x79: {  	s29 =	rddreg [dreg:$0x15];
	s30 =	spop (v2sf);
	s21 =	sadd.s32 s1, s21  }
0x7a: {  	[tilespmem:s29], [sflag:$0x2] =	stream.strided.gather [hbm4b:s21+s11], $0x1800, s12, s11, $0x38;
	[tilespmem:$0x19200] =	vst v63  }
0x7b: {  	s21 =	sand.u32 $0xFFFFF80, s30  }
0x7c: {  	s31 =	rddreg [dreg:$0x16];
	s21 =	sadd.s32 s1, s21  }
0x7d: {  	[tilespmem:s31], [sflag:$0x2] =	stream.strided.gather [hbm4b:s21+s11], $0x1800, s12, s11, $0x38;
	[tilespmem:$0x19200] =	vst v63  }
0x7e: {  	_ =	swait.ge [sflag:s14], $0x800  }
0x7f: {  	[sflag:s14] =	ssyncset.done $0x0  }
0x80: {  	[sflag:s14] =	ssyncadd.s32 $0xFFFFF800  }
0x81: {  	_ =	swait.ge [sflag:s15], $0x1800  }
0x82: {  	[sflag:s15] =	ssyncset.done $0x0  }
0x83: {  	[sflag:s15] =	ssyncadd.s32 $0xFFFFE800  }
0x84: {  	_ =	swait.ge [sflag:s15], $0x1800  }
0x85: {  	[sflag:s15] =	ssyncset.done $0x0  }
0x86: {  	[sflag:s15] =	ssyncadd.s32 $0xFFFFE800  }
0x87: {  	_ =	swait.ge [sflag:s15], $0x1800  }
0x88: {  	[sflag:s15] =	ssyncset.done $0x0  }
0x89: {  	[sflag:s15] =	ssyncadd.s32 $0xFFFFE800  }
0x8a: {  	_ =	swait.ge [sflag:s15], $0x1800  }
0x8b: {  	[sflag:s15] =	ssyncset.done $0x0  }
0x8c: {  	[sflag:s15] =	ssyncadd.s32 $0xFFFFE800  }
0x8d: {  	_ =	swait.ge [sflag:s15], $0x1800  }
0x8e: {  	[sflag:s15] =	ssyncset.done $0x0  }
0x8f: {  	[sflag:s15] =	ssyncadd.s32 $0xFFFFE800  }
0x90: {  	_ =	swait.ge [sflag:s15], $0x1800  }
0x91: {  	[sflag:s15] =	ssyncset.done $0x0  }
0x92: {  	[sflag:s15] =	ssyncadd.s32 $0xFFFFE800  }
0x93: {  	_ =	swait.ge [sflag:s15], $0x1800  }
0x94: {  	[sflag:s15] =	ssyncset.done $0x0  }
0x95: {  	[sflag:s15] =	ssyncadd.s32 $0xFFFFE800  }
0x96: {  	_ =	swait.ge [sflag:s15], $0x1800  }
0x97: {  	[sflag:s15] =	ssyncset.done $0x0  }
0x98: {  	[sflag:s15] =	ssyncadd.s32 $0xFFFFE800  }
0x99: {  	_ =	swait.ge [sflag:s15], $0x1800  }
0x9a: {  	[sflag:s15] =	ssyncset.done $0x0  }
0x9b: {  	[sflag:s15] =	ssyncadd.s32 $0xFFFFE800  }
0x9c: {  	_ =	swait.ge [sflag:s15], $0x1800  }
0x9d: {  	[sflag:s15] =	ssyncset.done $0x0  }
0x9e: {  	[sflag:s15] =	ssyncadd.s32 $0xFFFFE800  }
0x9f: {  	_ =	swait.ge [sflag:s15], $0x1800  }
0xa0: {  	[sflag:s15] =	ssyncset.done $0x0  }
0xa1: {  	[sflag:s15] =	ssyncadd.s32 $0xFFFFE800  }
0xa2: {  	_ =	swait.ge [sflag:s15], $0x1800  }
0xa3: {  	[sflag:s15] =	ssyncset.done $0x0  }
0xa4: {  	[sflag:s15] =	ssyncadd.s32 $0xFFFFE800  }
0xa5: {  	_ =	swait.ge [sflag:s15], $0x1800  }
0xa6: {  	[sflag:s15] =	ssyncset.done $0x0  }
0xa7: {  	[sflag:s15] =	ssyncadd.s32 $0xFFFFE800  }
0xa8: {  	_ =	swait.ge [sflag:s15], $0x1800  }
0xa9: {  	[sflag:s15] =	ssyncset.done $0x0  }
0xaa: {  	[sflag:s15] =	ssyncadd.s32 $0xFFFFE800  }
0xab: {  	_ =	swait.ge [sflag:s15], $0x1800  }
0xac: {  	[sflag:s15] =	ssyncset.done $0x0  }
0xad: {  	[sflag:s15] =	ssyncadd.s32 $0xFFFFE800  }
0xae: {  	_ =	swait.ge [sflag:s15], $0x1800  }
0xaf: {  	[sflag:s15] =	ssyncset.done $0x0  }
0xb0: {  	[sflag:s15] =	ssyncadd.s32 $0xFFFFE800  }
0xb1: {  	v0 =	vld [tilespmem:s20+$0x0];
	_ =	sdelay $0x4  }
0xb2: {  	v0 =	vshll.u32 v0, $0x4  }
0xb3: {  	v2 =	vand.u32 $0x70, v0  }
0xb4: {  	v0 =	vor.u32 v3, v2  }
0xb5: {  	v12 =	vor.u32 v4, v2;
	_ =	sdelay $0x1  }
0xb6: {  	v63 =	vor.u32 v5, v2;
	_ =	sdelay $0x1  }
0xb7: {  	v1 =	vor.u32 v6, v2;
	v11 =	vld.idx.msk [tilespmem:v0+s10+$0x0], $0xffff  }
0xb8: {  	v0 =	vld.idx.msk [tilespmem:v12+s10+$0x0], $0xffff  }
0xb9: {  	v6 =	vor.u32 v7, v2  }
0xba: {  	v3 =	vld.idx.msk [tilespmem:v63+s10+$0x0], $0xffff  }
0xbb: {  	v7 =	vor.u32 v13, v2  }
0xbc: {  	v4 =	vld.idx.msk [tilespmem:v1+s10+$0x0], $0xffff  }
0xbd: {  	[tilespmem:$0x1F8A0] =	vst v1;
	v1 =	vor.u32 v9, v2;
	v5 =	vmul.f32 v11, v11;
	v0 =	vmul.f32 v0, v0  }
0xbe: {  	[tilespmem:$0x1F8B0] =	vst v6;
	v6 =	vld.idx.msk [tilespmem:v6+s10+$0x0], $0xffff  }
0xbf: {  	v8 =	vor.u32 v10, v2;
	v3 =	vmul.f32 v3, v3;
	v0 =	vadd.f32 v0, v5  }
0xc0: {  	v5 =	vld.idx.msk [tilespmem:v7+s10+$0x0], $0xffff  }
0xc1: {  	v13 =	vor.u32 v29, v2;
	v0 =	vadd.f32 v3, v0;
	v3 =	vmul.f32 v4, v4  }
0xc2: {  	v4 =	vld.idx.msk [tilespmem:v1+s10+$0x0], $0xffff  }
0xc3: {  	v10 =	vor.u32 v31, v2;
	[tilespmem:$0x1F8D0] =	vst v7;
	v7 =	vld [tilespmem:s20+$0x200];
	v0 =	vadd.f32 v3, v0;
	v3 =	vmul.f32 v6, v6  }
0xc4: {  	[tilespmem:$0x1F8E0] =	vst v1;
	v1 =	vor.u32 v39, v2;
	v6 =	vld.idx.msk [tilespmem:v8+s10+$0x0], $0xffff  }
0xc5: {  	v14 =	vor.u32 v15, v2;
	[tilespmem:$0x1F920] =	vst v8;
	v5 =	vmul.f32 v5, v5;
	v3 =	vadd.f32 v3, v0  }
0xc6: {  	[tilespmem:$0x1F950] =	vst v13;
	v9 =	vor.u32 v40, v2;
	v8 =	vld.idx.msk [tilespmem:v13+s10+$0x0], $0xffff  }
0xc7: {  	[tilespmem:$0x1F980] =	vst v10;
	v13 =	vor.u32 v17, v2;
	v4 =	vmul.f32 v4, v4;
	v3 =	vadd.f32 v5, v3  }
0xc8: {  	[tilespmem:$0x1F9C0] =	vst v1;
	v0 =	vand.u32 $0x7F, v7;
	v7 =	vld.idx.msk [tilespmem:v10+s10+$0x0], $0xffff;
	v10 =	vor.u32 v18, v2  }
0xc9: {  	v5 =	vld.idx.msk [tilespmem:v1+s10+$0x0], $0xffff;
	v1 =	vor.u32 v19, v2;
	v3 =	vadd.f32 v4, v3;
	v4 =	vmul.f32 v6, v6  }
0xca: {  	[tilespmem:$0x1FA40] =	vst v9;
	v2 =	vld.idx.msk [tilespmem:v14+s10+$0x0], $0xffff  }
0xcb: {  	[tilespmem:$0x1FA60] =	vst v13;
	v6 =	vld.idx.msk [tilespmem:v9+s10+$0x0], $0xffff;
	v3 =	vadd.f32 v4, v3;
	v4 =	vmul.f32 v8, v8  }
0xcc: {  	[tilespmem:$0x1FA70] =	vst v10;
	v16 =	vor.u32 v22, v0;
	v9 =	vld.idx.msk [tilespmem:v13+s10+$0x0], $0xffff  }
0xcd: {  	v13 =	vor.u32 v21, v0;
	v8 =	vld.idx.msk [tilespmem:v10+s10+$0x0], $0xffff;
	v3 =	vadd.f32 v4, v3;
	v4 =	vmul.f32 v7, v7  }
0xce: {  	[tilespmem:$0x1FA80] =	vst v1;
	v10 =	vld.idx.msk [tilespmem:v1+s10+$0x0], $0xffff;
	v1 =	vor.u32 v23, v0  }
0xcf: {  	v3 =	vadd.f32 v4, v3;
	v4 =	vmul.f32 v5, v5;
	v5 =	vor.u32 v26, v0;
	_ =	sdelay $0x1  }
0xd0: {  	[tilespmem:$0x1FAC0] =	vst v16;
	v29 =	vld.idx.msk [tilespmem:v16+s13+$0x0], $0xffff  }
0xd1: {  	[tilespmem:$0x1FAB0] =	vst v13;
	v16 =	vor.u32 v27, v0;
	v2 =	vmul.f32 v2, v2;
	v7 =	vld.idx.msk [tilespmem:v13+s13+$0x0], $0xffff  }
0xd2: {  	[tilespmem:$0x1FAD0] =	vst v1;
	v3 =	vadd.f32 v4, v3;
	v13 =	vld.idx.msk [tilespmem:v1+s13+$0x0], $0xffff;
	v1 =	vor.u32 v32, v0  }
0xd3: {  	[tilespmem:$0x1FB00] =	vst v5;
	v52 =	vld.idx.msk [tilespmem:v5+s13+$0x0], $0xffff;
	v5 =	vor.u32 v34, v0  }
0xd4: {  	v2 =	vadd.f32 v2, v3;
	v3 =	vmul.f32 v6, v6  }
0xd5: {  	[tilespmem:$0x1FB10] =	vst v16  }
0xd6: {  	[tilespmem:$0x1FB30] =	vst v1;
	v2 =	vadd.f32 v3, v2;
	v3 =	vmul.f32 v9, v9;
	v9 =	vld.idx.msk [tilespmem:v16+s13+$0x0], $0xffff  }
0xd7: {  	[tilespmem:$0x1FB50] =	vst v5;
	v16 =	vld.idx.msk [tilespmem:v1+s13+$0x0], $0xffff;
	v1 =	vor.u32 v38, v0  }
0xd8: {  	v2 =	vadd.f32 v3, v2;
	v3 =	vmul.f32 v8, v8;
	v8 =	vld.idx.msk [tilespmem:v5+s13+$0x0], $0xffff;
	v5 =	vor.u32 v41, v0  }
0xd9: {  	[tilespmem:$0x1FA10] =	vst v14;
	v14 =	vor.u32 v28, v0  }
0xda: {  	v4 =	vor.u32 v30, v0  }
0xdb: {  	[tilespmem:$0x1FA90] =	vst v14;
	v6 =	vor.u32 v35, v0  }
0xdc: {  	[tilespmem:$0x1FB90] =	vst v1;
	v59 =	vld.idx.msk [tilespmem:v1+s13+$0x0], $0xffff;
	v1 =	vor.u32 v45, v0  }
0xdd: {  	[tilespmem:$0x1FBA0] =	vst v5;
	v5 =	vld.idx.msk [tilespmem:v5+s13+$0x0], $0xffff  }
0xde: {  	v55 =	vld.idx.msk [tilespmem:v14+s13+$0x0], $0xffff;
	[tilespmem:$0x1FB20] =	vst v4  }
0xdf: {  	v14 =	vor.u32 v24, v0;
	[tilespmem:$0x1FB60] =	vst v6;
	v53 =	vld.idx.msk [tilespmem:v4+s13+$0x0], $0xffff  }
0xe0: {  	v4 =	vor.u32 v36, v0;
	v2 =	vadd.f32 v3, v2;
	v3 =	vmul.f32 v10, v10;
	v10 =	vld.idx.msk [tilespmem:v6+s13+$0x0], $0xffff  }
0xe1: {  	v6 =	vor.u32 v42, v0;
	[tilespmem:$0x1FBE0] =	vst v1;
	v57 =	vld.idx.msk [tilespmem:v1+s13+$0x0], $0xffff  }
0xe2: {  	v1 =	vld [tilespmem:$0x1FD90];
	[tilespmem:$0x1F8C0] =	vst v5;
	v5 =	vor.u32 v46, v0  }
0xe3: {  	v22 =	vor.u32 v25, v0  }
0xe4: {  	[tilespmem:$0x1FAF0] =	vst v22;
	v50 =	vld.idx.msk [tilespmem:v14+s13+$0x0], $0xffff  }
0xe5: {  	[tilespmem:$0x1FB70] =	vst v4;
	v51 =	vld.idx.msk [tilespmem:v4+s13+$0x0], $0xffff  }
0xe6: {  	[tilespmem:$0x1FBB0] =	vst v6;
	v60 =	vld.idx.msk [tilespmem:v6+s13+$0x0], $0xffff  }
0xe7: {  	v4 =	vor.u32 v43, v0;
	v6 =	vor.u32 v47, v0;
	v43 =	vor.u32 v1, v0;
	v1 =	vld.idx.msk [tilespmem:v5+s13+$0x0], $0xffff  }
0xe8: {  	[tilespmem:$0x1FAE0] =	vst v14;
	v14 =	vld.idx.msk [tilespmem:v22+s13+$0x0], $0xffff;
	v22 =	vor.u32 v37, v0;
	_ =	sdelay $0x1  }
0xe9: {  	v25 =	vor.u32 v33, v0;
	v2 =	vadd.f32 v3, v2;
	_ =	sdelay $0x1  }
0xea: {  	v2 =	vmax.f32 v2, $9.999999820e-15;
	[tilespmem:$0x1F8F0] =	vst v1;
	v1 =	vld.idx.msk [tilespmem:v6+s13+$0x0], $0xffff  }
0xeb: {  	[tilespmem:$0x1FB80] =	vst v22;
	v58 =	vld.idx.msk [tilespmem:v22+s13+$0x0], $0xffff;
	v22 =	vshrl.u32 v2, $0x1;
	v2 =	vmul.f32 $5.000000000e-01, v2  }
0xec: {  	v22 =	vsub.s32 $0x5F3759DF, v22  }
0xed: {  	[tilespmem:$0x1FB40] =	vst v25;
	v54 =	vld.idx.msk [tilespmem:v25+s13+$0x0], $0xffff;
	v3 =	vor.u32 v44, v0;
	v25 =	vmul.f32 v22, v2  }
0xee: {  	[tilespmem:$0x1FBC0] =	vst v4;
	v61 =	vld.idx.msk [tilespmem:v4+s13+$0x0], $0xffff  }
0xef: {  	v4 =	vor.u32 v48, v0;
	v25 =	vmul.f32 v22, v25;
	[tilespmem:$0x1F900] =	vst v1;
	v1 =	vld [tilespmem:$0x1FDA0];
	_ =	sdelay $0x1  }
0xf0: {  	v25 =	vsub.f32 $1.500000000e+00, v25  }
0xf1: {  	[tilespmem:$0x1FBD0] =	vst v3;
	v49 =	vld.idx.msk [tilespmem:v3+s13+$0x0], $0xffff;
	v3 =	vor.u32 v56, v0  }
0xf2: {  	v36 =	vmul.f32 v22, v25;
	v25 =	vld [tilespmem:$0x1FDC0]  }
0xf3: {  	[tilespmem:$0x1FC00] =	vst v6;
	v6 =	vor.u32 v1, v0;
	v1 =	vld.idx.msk [tilespmem:v4+s13+$0x0], $0xffff;
	_ =	sdelay $0x1  }
0xf4: {  	v42 =	vld [tilespmem:$0x1FDB0]  }
0xf5: {  	[tilespmem:$0x1FC20] =	vst v3;
	v22 =	vld.idx.msk [tilespmem:v3+s13+$0x0], $0xffff  }
0xf6: {  	[tilespmem:$0x1FBF0] =	vst v5;
	v3 =	vor.u32 v25, v0;
	v25 =	vld [tilespmem:$0x1FDD0]  }
0xf7: {  	v5 =	vor.u32 v62, v0;
	[tilespmem:$0x1F910] =	vst v1;
	v1 =	vld.idx.msk [tilespmem:v43+s13+$0x0], $0xffff;
	_ =	sdelay $0x1  }
0xf8: {  	[tilespmem:$0x1FC10] =	vst v4;
	v4 =	vor.u32 v42, v0  }
0xf9: {  	v42 =	vld [tilespmem:$0x1FE00]  }
0xfa: {  	v38 =	vld [tilespmem:$0x1FDF0];
	[tilespmem:$0x1FC40] =	vst v5  }
0xfb: {  	v5 =	vld.idx.msk [tilespmem:v5+s13+$0x0], $0xffff;
	[tilespmem:$0x1F930] =	vst v1;
	v1 =	vor.u32 v25, v0  }
0xfc: {  	[tilespmem:$0x1FC70] =	vst v3;
	v3 =	vld.idx.msk [tilespmem:v3+s13+$0x0], $0xffff  }
0xfd: {  	v33 =	vld.idx.msk [tilespmem:v4+s13+$0x0], $0xffff  }
0xfe: {  	[tilespmem:$0x1FC60] =	vst v4;
	v4 =	vor.u32 v42, v0;
	v42 =	vld [tilespmem:$0x1FE20]  }
0xff: {  	[tilespmem:$0x1FC30] =	vst v43;
	v43 =	vmul.f32 v36, v2;
	v25 =	vld [tilespmem:$0x1FDE0]  }
0x100: {  	[tilespmem:$0x1FC80] =	vst v1;
	v1 =	vld.idx.msk [tilespmem:v1+s13+$0x0], $0xffff  }
0x101: {  	v34 =	vmul.f32 v43, v36;
	v43 =	vld [tilespmem:$0x1FE10];
	_ =	sdelay $0x1  }
0x102: {  	[tilespmem:$0x1F940] =	vst v5  }
0x103: {  	[tilespmem:$0x1FC50] =	vst v6;
	v5 =	vor.u32 v25, v0;
	v25 =	vld.idx.msk [tilespmem:v6+s13+$0x0], $0xffff  }
0x104: {  	v6 =	vor.u32 v38, v0;
	[tilespmem:$0x1F970] =	vst v1;
	v1 =	vor.u32 v42, v0;
	v42 =	vld [tilespmem:$0x1FE30]  }
0x105: {  	[tilespmem:$0x1F960] =	vst v3;
	v3 =	vor.u32 v43, v0;
	v43 =	vld [tilespmem:$0x1FE40];
	_ =	sdelay $0x1  }
0x106: {  	[tilespmem:$0x1FCB0] =	vst v4;
	v4 =	vld.idx.msk [tilespmem:v4+s13+$0x0], $0xffff;
	v38 =	vsub.f32 $1.500000000e+00, v34  }
0x107: {  	v34 =	vld.idx.msk [tilespmem:v5+s13+$0x0], $0xffff  }
0x108: {  	[tilespmem:$0x1FC90] =	vst v5;
	v5 =	vor.u32 v42, v0;
	v42 =	vmul.f32 v38, v36;
	v36 =	vld.idx.msk [tilespmem:v6+s13+$0x0], $0xffff  }
0x109: {  	[tilespmem:$0x1FCA0] =	vst v6;
	v6 =	vor.u32 v43, v0;
	v43 =	vld [tilespmem:$0x1FE50];
	_ =	sdelay $0x4  }
0x10a: {  	[tilespmem:$0x1F990] =	vst v4;
	v4 =	vor.u32 v43, v0;
	v43 =	vld [tilespmem:$0x1FE60];
	_ =	sdelay $0x2  }
0x10b: {  	v38 =	vld.idx.msk [tilespmem:v3+s13+$0x0], $0xffff  }
0x10c: {  	[tilespmem:$0x1FCD0] =	vst v1;
	v1 =	vld.idx.msk [tilespmem:v1+s13+$0x0], $0xffff  }
0x10d: {  	[tilespmem:$0x1FCC0] =	vst v3;
	v3 =	vor.u32 v43, v0;
	v43 =	vld [tilespmem:$0x1FE70];
	_ =	sdelay $0x3  }
0x10e: {  	[tilespmem:$0x1FCE0] =	vst v5;
	v5 =	vld.idx.msk [tilespmem:v5+s13+$0x0], $0xffff  }
0x10f: {  	[tilespmem:$0x1F9A0] =	vst v1;
	v1 =	vor.u32 v43, v0;
	v43 =	vld [tilespmem:$0x1FE80];
	_ =	sdelay $0x3  }
0x110: {  	[tilespmem:$0x1FCF0] =	vst v6;
	v6 =	vld.idx.msk [tilespmem:v6+s13+$0x0], $0xffff  }
0x111: {  	[tilespmem:$0x1F9B0] =	vst v5;
	v5 =	vor.u32 v43, v0;
	v43 =	vld [tilespmem:$0x1FE90];
	_ =	sdelay $0x3  }
0x112: {  	[tilespmem:$0x1FD00] =	vst v4;
	v4 =	vld.idx.msk [tilespmem:v4+s13+$0x0], $0xffff  }
0x113: {  	[tilespmem:$0x1F9D0] =	vst v6;
	v6 =	vor.u32 v43, v0;
	v43 =	vld [tilespmem:$0x1FEA0];
	_ =	sdelay $0x3  }
0x114: {  	v2 =	vmul.f32 v42, v2;
	[tilespmem:$0x1FD10] =	vst v3;
	v3 =	vld.idx.msk [tilespmem:v3+s13+$0x0], $0xffff  }
0x115: {  	[tilespmem:$0x1F9E0] =	vst v4;
	v4 =	vor.u32 v43, v0;
	v43 =	vld [tilespmem:$0x1FEB0]  }
0x116: {  	v2 =	vmul.f32 v2, v42;
	_ =	sdelay $0x1  }
0x117: {  	v2 =	vsub.f32 $1.500000000e+00, v2  }
0x118: {  	[tilespmem:$0x1FD20] =	vst v1;
	v1 =	vld.idx.msk [tilespmem:v1+s13+$0x0], $0xffff  }
0x119: {  	[tilespmem:$0x1F9F0] =	vst v3;
	v3 =	vor.u32 v43, v0;
	v43 =	vmul.f32 v2, v42;
	v2 =	vld [tilespmem:$0x1FEC0];
	_ =	sdelay $0x2  }
0x11a: {  	v15 =	vor.u32 v20, v0;
	_ =	sdelay $0x1  }
0x11b: {  	[tilespmem:$0x1FA00] =	vst v1;
	v1 =	vor.u32 v2, v0  }
0x11c: {  	v2 =	vadd.s32 $0x1780, v28  }
0x11d: {  	v28 =	vor.u32 v2, v0;
	v0 =	vlaneseq.u32  }
0x11e: {  	[tilespmem:$0x1FAA0] =	vst v15;
	v15 =	vld.idx.msk [tilespmem:v15+s13+$0x0], $0xffff;
	v2 =	vmul.u32 $0x40, v0  }
0x11f: {  	v42 =	vld.idx.msk [tilespmem:v5+s13+$0x0], $0xffff;
	v0 =	vadd.f32 v43, v43  }
0x120: {  	[tilespmem:$0x1FD70] =	vst v1;
	v1 =	vld.idx.msk [tilespmem:v1+s13+$0x0], $0xffff  }
0x121: {  	[tilespmem:$0x1FD50] =	vst v4;
	v4 =	vld.idx.msk [tilespmem:v4+s13+$0x0], $0xffff;
	v0 =	vmin.f32 v0, $1.000000000e+00  }
0x122: {  	[tilespmem:$0x1FD60] =	vst v3;
	v3 =	vld.idx.msk [tilespmem:v3+s13+$0x0], $0xffff;
	v11 =	vmul.f32 v0, v11  }
0x123: {  	[tilespmem:$0x1FD40] =	vst v6;
	v43 =	vld.idx.msk [tilespmem:v6+s13+$0x0], $0xffff  }
0x124: {  	v6 =	vld.idx.msk [tilespmem:v28+s13+$0x0], $0xffff;
	[tilespmem:v2+s16+$0x0] =	vst.idx.msk $0xffff, v11  }
0x125: {  	v15 =	vmul.f32 v15, v15;
	[tilespmem:$0x1FA50] =	vst v1;
	v1 =	vmul.f32 v55, v55  }
0x126: {  	v12 =	vld.idx.msk [tilespmem:v12+s10+$0x0], $0xffff  }
0x127: {  	v7 =	vmul.f32 v7, v7;
	v1 =	vadd.f32 v15, v1  }
0x128: {  	v15 =	vor.u32 $0x1, v2  }
0x129: {  	v1 =	vadd.f32 v7, v1;
	v7 =	vmul.f32 v29, v29;
	_ =	sdelay $0x1  }
0x12a: {  	[tilespmem:$0x1FA20] =	vst v4;
	v4 =	vmul.f32 v13, v13;
	v1 =	vadd.f32 v7, v1;
	v7 =	vmul.f32 v12, v0  }
0x12b: {  	[tilespmem:$0x1FA30] =	vst v3  }
0x12c: {  	v3 =	vld [tilespmem:$0x1F8A0];
	[tilespmem:v15+s16+$0x0] =	vst.idx.msk $0xffff, v7;
	v1 =	vadd.f32 v4, v1;
	v4 =	vmul.f32 v50, v50  }
0x12d: {  	v7 =	vld.idx.msk [tilespmem:v63+s10+$0x0], $0xffff  }
0x12e: {  	v1 =	vadd.f32 v4, v1;
	v4 =	vmul.f32 v14, v14  }
0x12f: {  	v11 =	vor.u32 $0x2, v2  }
0x130: {  	v1 =	vadd.f32 v4, v1;
	v4 =	vmul.f32 v52, v52;
	_ =	sdelay $0x1  }
0x131: {  	[tilespmem:$0x1FD30] =	vst v5;
	v1 =	vadd.f32 v4, v1;
	v4 =	vmul.f32 v9, v9;
	v5 =	vmul.f32 v7, v0;
	_ =	sdelay $0x1  }
0x132: {  	[tilespmem:v11+s16+$0x0] =	vst.idx.msk $0xffff, v5;
	v1 =	vadd.f32 v4, v1;
	v4 =	vmul.f32 v53, v53  }
0x133: {  	v5 =	vld.idx.msk [tilespmem:v3+s10+$0x0], $0xffff  }
0x134: {  	v3 =	vld [tilespmem:$0x1F8B0];
	v1 =	vadd.f32 v4, v1;
	v4 =	vmul.f32 v16, v16;
	_ =	sdelay $0x1  }
0x135: {  	v7 =	vor.u32 $0x3, v2;
	v1 =	vadd.f32 v4, v1;
	v4 =	vmul.f32 v54, v54;
	_ =	sdelay $0x1  }
0x136: {  	v1 =	vadd.f32 v4, v1;
	v4 =	vmul.f32 v8, v8  }
0x137: {  	v5 =	vmul.f32 v5, v0  }
0x138: {  	v1 =	vadd.f32 v4, v1;
	v4 =	vmul.f32 v10, v10  }
0x139: {  	[tilespmem:v7+s16+$0x0] =	vst.idx.msk $0xffff, v5  }
0x13a: {  	v5 =	vld.idx.msk [tilespmem:v3+s10+$0x0], $0xffff;
	v3 =	vmul.f32 v51, v51;
	v1 =	vadd.f32 v4, v1;
	_ =	sdelay $0x1  }
0x13b: {  	v1 =	vadd.f32 v3, v1;
	v3 =	vmul.f32 v58, v58;
	_ =	sdelay $0x1  }
0x13c: {  	v1 =	vadd.f32 v3, v1;
	v3 =	vmul.f32 v59, v59;
	_ =	sdelay $0x1  }
0x13d: {  	v1 =	vadd.f32 v3, v1;
	v3 =	vld [tilespmem:$0x1F8C0];
	_ =	sdelay $0x4  }
0x13e: {  	v3 =	vmul.f32 v3, v3;
	_ =	sdelay $0x1  }
0x13f: {  	v1 =	vadd.f32 v3, v1;
	v3 =	vmul.f32 v60, v60;
	_ =	sdelay $0x1  }
0x140: {  	v1 =	vadd.f32 v3, v1;
	v3 =	vmul.f32 v61, v61;
	_ =	sdelay $0x1  }
0x141: {  	v1 =	vadd.f32 v3, v1;
	v3 =	vmul.f32 v49, v49;
	_ =	sdelay $0x1  }
0x142: {  	v1 =	vadd.f32 v3, v1;
	v3 =	vmul.f32 v57, v57;
	_ =	sdelay $0x1  }
0x143: {  	v1 =	vadd.f32 v3, v1;
	v3 =	vld [tilespmem:$0x1F8F0];
	_ =	sdelay $0x4  }
0x144: {  	v3 =	vmul.f32 v3, v3;
	_ =	sdelay $0x1  }
0x145: {  	v1 =	vadd.f32 v3, v1;
	v3 =	vld [tilespmem:$0x1F900];
	_ =	sdelay $0x4  }
0x146: {  	v3 =	vmul.f32 v3, v3;
	_ =	sdelay $0x1  }
0x147: {  	v4 =	vor.u32 $0x4, v2;
	v1 =	vadd.f32 v3, v1;
	v3 =	vld [tilespmem:$0x1F910];
	_ =	sdelay $0x2  }
0x148: {  	v5 =	vmul.f32 v5, v0;
	_ =	sdelay $0x1  }
0x149: {  	[tilespmem:v4+s16+$0x0] =	vst.idx.msk $0xffff, v5;
	v4 =	vld [tilespmem:$0x1F8D0];
	v3 =	vmul.f32 v3, v3;
	_ =	sdelay $0x1  }
0x14a: {  	v1 =	vadd.f32 v3, v1;
	v3 =	vmul.f32 v22, v22;
	_ =	sdelay $0x1  }
0x14b: {  	v1 =	vadd.f32 v3, v1;
	v3 =	vld [tilespmem:$0x1F930];
	_ =	sdelay $0x3  }
0x14c: {  	v4 =	vld.idx.msk [tilespmem:v4+s10+$0x0], $0xffff  }
0x14d: {  	v3 =	vmul.f32 v3, v3  }
0x14e: {  	v5 =	vor.u32 $0x5, v2  }
0x14f: {  	v1 =	vadd.f32 v3, v1;
	v3 =	vld [tilespmem:$0x1F940];
	_ =	sdelay $0x1  }
0x150: {  	v4 =	vmul.f32 v4, v0;
	_ =	sdelay $0x1  }
0x151: {  	[tilespmem:v5+s16+$0x0] =	vst.idx.msk $0xffff, v4;
	v4 =	vld [tilespmem:$0x1F8E0]  }
0x152: {  	v3 =	vmul.f32 v3, v3;
	_ =	sdelay $0x1  }
0x153: {  	v1 =	vadd.f32 v3, v1;
	v3 =	vmul.f32 v25, v25;
	_ =	sdelay $0x1  }
0x154: {  	v1 =	vadd.f32 v3, v1;
	v3 =	vmul.f32 v33, v33;
	_ =	sdelay $0x1  }
0x155: {  	v1 =	vadd.f32 v3, v1;
	v3 =	vld [tilespmem:$0x1F960]  }
0x156: {  	v4 =	vld.idx.msk [tilespmem:v4+s10+$0x0], $0xffff;
	_ =	sdelay $0x1  }
0x157: {  	v5 =	vor.u32 $0x6, v2;
	_ =	sdelay $0x1  }
0x158: {  	v3 =	vmul.f32 v3, v3  }
0x159: {  	v4 =	vmul.f32 v4, v0  }
0x15a: {  	v1 =	vadd.f32 v3, v1;
	v3 =	vld [tilespmem:$0x1F970]  }
0x15b: {  	[tilespmem:v5+s16+$0x0] =	vst.idx.msk $0xffff, v4;
	v4 =	vld [tilespmem:$0x1F920];
	_ =	sdelay $0x3  }
0x15c: {  	v3 =	vmul.f32 v3, v3;
	_ =	sdelay $0x1  }
0x15d: {  	v1 =	vadd.f32 v3, v1;
	v3 =	vmul.f32 v34, v34;
	_ =	sdelay $0x1  }
0x15e: {  	v4 =	vld.idx.msk [tilespmem:v4+s10+$0x0], $0xffff;
	v1 =	vadd.f32 v3, v1;
	v3 =	vmul.f32 v36, v36;
	_ =	sdelay $0x1  }
0x15f: {  	v5 =	vor.u32 $0x7, v2;
	v1 =	vadd.f32 v3, v1;
	v3 =	vld [tilespmem:$0x1F990];
	_ =	sdelay $0x2  }
0x160: {  	v4 =	vmul.f32 v4, v0;
	_ =	sdelay $0x1  }
0x161: {  	[tilespmem:v5+s16+$0x0] =	vst.idx.msk $0xffff, v4;
	v4 =	vld [tilespmem:$0x1F950];
	v3 =	vmul.f32 v3, v3;
	_ =	sdelay $0x1  }
0x162: {  	v1 =	vadd.f32 v3, v1;
	v3 =	vmul.f32 v38, v38;
	_ =	sdelay $0x1  }
0x163: {  	v1 =	vadd.f32 v3, v1;
	v3 =	vld [tilespmem:$0x1F9A0];
	_ =	sdelay $0x3  }
0x164: {  	v4 =	vld.idx.msk [tilespmem:v4+s10+$0x0], $0xffff  }
0x165: {  	v3 =	vmul.f32 v3, v3  }
0x166: {  	v5 =	vor.u32 $0x8, v2  }
0x167: {  	v1 =	vadd.f32 v3, v1;
	v3 =	vld [tilespmem:$0x1F9B0];
	_ =	sdelay $0x1  }
0x168: {  	v4 =	vmul.f32 v4, v0;
	_ =	sdelay $0x1  }
0x169: {  	[tilespmem:v5+s16+$0x0] =	vst.idx.msk $0xffff, v4;
	v4 =	vld [tilespmem:$0x1F980]  }
0x16a: {  	v3 =	vmul.f32 v3, v3;
	_ =	sdelay $0x1  }
0x16b: {  	v1 =	vadd.f32 v3, v1;
	v3 =	vld [tilespmem:$0x1F9D0];
	_ =	sdelay $0x4  }
0x16c: {  	v4 =	vld.idx.msk [tilespmem:v4+s10+$0x0], $0xffff;
	v3 =	vmul.f32 v3, v3;
	_ =	sdelay $0x1  }
0x16d: {  	v5 =	vor.u32 $0x9, v2;
	v1 =	vadd.f32 v3, v1;
	v3 =	vld [tilespmem:$0x1F9E0];
	_ =	sdelay $0x2  }
0x16e: {  	v4 =	vmul.f32 v4, v0;
	_ =	sdelay $0x1  }
0x16f: {  	[tilespmem:v5+s16+$0x0] =	vst.idx.msk $0xffff, v4;
	v4 =	vld [tilespmem:$0x1F9C0];
	v3 =	vmul.f32 v3, v3;
	_ =	sdelay $0x1  }
0x170: {  	v1 =	vadd.f32 v3, v1;
	v3 =	vld [tilespmem:$0x1F9F0];
	_ =	sdelay $0x4  }
0x171: {  	v3 =	vmul.f32 v3, v3  }
0x172: {  	v4 =	vld.idx.msk [tilespmem:v4+s10+$0x0], $0xffff  }
0x173: {  	v1 =	vadd.f32 v3, v1;
	v3 =	vld [tilespmem:$0x1FA00]  }
0x174: {  	v5 =	vor.u32 $0xA, v2;
	_ =	sdelay $0x2  }
0x175: {  	v4 =	vmul.f32 v4, v0  }
0x176: {  	v3 =	vmul.f32 v3, v3  }
0x177: {  	[tilespmem:v5+s16+$0x0] =	vst.idx.msk $0xffff, v4;
	v4 =	vld [tilespmem:$0x1FA10]  }
0x178: {  	v1 =	vadd.f32 v3, v1;
	v3 =	vmul.f32 v42, v42;
	_ =	sdelay $0x1  }
0x179: {  	v1 =	vadd.f32 v3, v1;
	v3 =	vmul.f32 v43, v43;
	_ =	sdelay $0x1  }
0x17a: {  	v1 =	vadd.f32 v3, v1;
	v3 =	vld [tilespmem:$0x1FA20];
	_ =	sdelay $0x2  }
0x17b: {  	v4 =	vld.idx.msk [tilespmem:v4+s10+$0x0], $0xffff;
	_ =	sdelay $0x1  }
0x17c: {  	v5 =	vor.u32 $0xB, v2;
	v3 =	vmul.f32 v3, v3;
	_ =	sdelay $0x1  }
0x17d: {  	v1 =	vadd.f32 v3, v1;
	v3 =	vld [tilespmem:$0x1FA30]  }
0x17e: {  	v4 =	vmul.f32 v4, v0;
	_ =	sdelay $0x1  }
0x17f: {  	[tilespmem:v5+s16+$0x0] =	vst.idx.msk $0xffff, v4;
	v4 =	vld [tilespmem:$0x1FA40];
	_ =	sdelay $0x1  }
0x180: {  	v3 =	vmul.f32 v3, v3;
	_ =	sdelay $0x1  }
0x181: {  	v1 =	vadd.f32 v3, v1;
	v3 =	vld [tilespmem:$0x1FA50];
	_ =	sdelay $0x3  }
0x182: {  	v4 =	vld.idx.msk [tilespmem:v4+s10+$0x0], $0xffff  }
0x183: {  	v3 =	vmul.f32 v3, v3;
	_ =	sdelay $0x1  }
0x184: {  	v1 =	vadd.f32 v3, v1;
	v3 =	vmul.f32 v6, v6;
	_ =	sdelay $0x1  }
0x185: {  	v1 =	vadd.f32 v3, v1;
	v3 =	vmul.f32 v4, v0;
	v4 =	vld [tilespmem:$0x1FA60];
	_ =	sdelay $0x1  }
0x186: {  	v5 =	vor.u32 $0xC, v2;
	_ =	sdelay $0x4  }
0x187: {  	[tilespmem:v5+s16+$0x0] =	vst.idx.msk $0xffff, v3  }
0x188: {  	v4 =	vld.idx.msk [tilespmem:v4+s10+$0x0], $0xffff;
	_ =	sdelay $0x1  }
0x189: {  	v6 =	vor.u32 $0xD, v2;
	_ =	sdelay $0x2  }
0x18a: {  	v4 =	vmul.f32 v4, v0;
	_ =	sdelay $0x1  }
0x18b: {  	[tilespmem:v6+s16+$0x0] =	vst.idx.msk $0xffff, v4;
	v4 =	vld [tilespmem:$0x1FA70];
	_ =	sdelay $0x4  }
0x18c: {  	v1 =	vmax.f32 v1, $9.999999820e-15  }
0x18d: {  	v3 =	vshrl.u32 v1, $0x1;
	v1 =	vmul.f32 $5.000000000e-01, v1  }
0x18e: {  	v3 =	vsub.s32 $0x5F3759DF, v3  }
0x18f: {  	v5 =	vmul.f32 v3, v1;
	v4 =	vld.idx.msk [tilespmem:v4+s10+$0x0], $0xffff;
	_ =	sdelay $0x1  }
0x190: {  	v5 =	vmul.f32 v3, v5;
	v6 =	vor.u32 $0xE, v2;
	_ =	sdelay $0x1  }
0x191: {  	v5 =	vsub.f32 $1.500000000e+00, v5  }
0x192: {  	v4 =	vmul.f32 v4, v0  }
0x193: {  	v3 =	vmul.f32 v3, v5  }
0x194: {  	[tilespmem:v6+s16+$0x0] =	vst.idx.msk $0xffff, v4;
	v4 =	vld [tilespmem:$0x1FA80]  }
0x195: {  	v5 =	vmul.f32 v3, v1;
	_ =	sdelay $0x1  }
0x196: {  	v5 =	vmul.f32 v5, v3;
	_ =	sdelay $0x1  }
0x197: {  	v5 =	vsub.f32 $1.500000000e+00, v5;
	_ =	sdelay $0x1  }
0x198: {  	v3 =	vmul.f32 v5, v3  }
0x199: {  	v4 =	vld.idx.msk [tilespmem:v4+s10+$0x0], $0xffff  }
0x19a: {  	v1 =	vmul.f32 v3, v1  }
0x19b: {  	v5 =	vor.u32 $0xF, v2  }
0x19c: {  	v1 =	vmul.f32 v1, v3;
	_ =	sdelay $0x1  }
0x19d: {  	v1 =	vsub.f32 $1.500000000e+00, v1;
	v0 =	vmul.f32 v4, v0;
	_ =	sdelay $0x1  }
0x19e: {  	[tilespmem:v5+s16+$0x0] =	vst.idx.msk $0xffff, v0;
	v0 =	vmul.f32 v1, v3;
	v1 =	vld [tilespmem:$0x1FA90];
	_ =	sdelay $0x7  }
0x19f: {  	v1 =	vld.idx.msk [tilespmem:v1+s13+$0x0], $0xffff;
	_ =	sdelay $0x1  }
0x1a0: {  	v3 =	vor.u32 $0x10, v2;
	v0 =	vadd.f32 v0, v0;
	_ =	sdelay $0x1  }
0x1a1: {  	v63 =	vmin.f32 v0, $1.000000000e+00  }
0x1a2: {  	v0 =	vmul.f32 v1, v63;
	_ =	sdelay $0x1  }
0x1a3: {  	[tilespmem:v3+s16+$0x0] =	vst.idx.msk $0xffff, v0;
	v0 =	vld [tilespmem:$0x1FAA0];
	_ =	sdelay $0x7  }
0x1a4: {  	v0 =	vld.idx.msk [tilespmem:v0+s13+$0x0], $0xffff;
	_ =	sdelay $0x1  }
0x1a5: {  	v1 =	vor.u32 $0x11, v2;
	_ =	sdelay $0x2  }
0x1a6: {  	v0 =	vmul.f32 v0, v63;
	_ =	sdelay $0x1  }
0x1a7: {  	[tilespmem:v1+s16+$0x0] =	vst.idx.msk $0xffff, v0;
	v0 =	vld [tilespmem:$0x1FAB0];
	_ =	sdelay $0x7  }
0x1a8: {  	v0 =	vld.idx.msk [tilespmem:v0+s13+$0x0], $0xffff;
	_ =	sdelay $0x1  }
0x1a9: {  	v1 =	vor.u32 $0x12, v2;
	_ =	sdelay $0x2  }
0x1aa: {  	v0 =	vmul.f32 v0, v63;
	_ =	sdelay $0x1  }
0x1ab: {  	[tilespmem:v1+s16+$0x0] =	vst.idx.msk $0xffff, v0;
	v0 =	vld [tilespmem:$0x1FAC0];
	_ =	sdelay $0x7  }
0x1ac: {  	v0 =	vld.idx.msk [tilespmem:v0+s13+$0x0], $0xffff;
	_ =	sdelay $0x1  }
0x1ad: {  	v1 =	vor.u32 $0x13, v2;
	_ =	sdelay $0x2  }
0x1ae: {  	v0 =	vmul.f32 v0, v63;
	_ =	sdelay $0x1  }
0x1af: {  	[tilespmem:v1+s16+$0x0] =	vst.idx.msk $0xffff, v0;
	v0 =	vld [tilespmem:$0x1FAD0];
	_ =	sdelay $0x7  }
0x1b0: {  	v0 =	vld.idx.msk [tilespmem:v0+s13+$0x0], $0xffff;
	_ =	sdelay $0x1  }
0x1b1: {  	v1 =	vor.u32 $0x14, v2;
	_ =	sdelay $0x2  }
0x1b2: {  	v0 =	vmul.f32 v0, v63;
	_ =	sdelay $0x1  }
0x1b3: {  	[tilespmem:v1+s16+$0x0] =	vst.idx.msk $0xffff, v0;
	v0 =	vld [tilespmem:$0x1FAE0];
	_ =	sdelay $0x7  }
0x1b4: {  	v0 =	vld.idx.msk [tilespmem:v0+s13+$0x0], $0xffff;
	_ =	sdelay $0x1  }
0x1b5: {  	v1 =	vor.u32 $0x15, v2;
	_ =	sdelay $0x2  }
0x1b6: {  	v0 =	vmul.f32 v0, v63;
	_ =	sdelay $0x1  }
0x1b7: {  	[tilespmem:v1+s16+$0x0] =	vst.idx.msk $0xffff, v0;
	v0 =	vld [tilespmem:$0x1FAF0];
	_ =	sdelay $0x7  }
0x1b8: {  	v0 =	vld.idx.msk [tilespmem:v0+s13+$0x0], $0xffff;
	_ =	sdelay $0x1  }
0x1b9: {  	v1 =	vor.u32 $0x16, v2;
	_ =	sdelay $0x2  }
0x1ba: {  	v0 =	vmul.f32 v0, v63;
	_ =	sdelay $0x1  }
0x1bb: {  	[tilespmem:v1+s16+$0x0] =	vst.idx.msk $0xffff, v0;
	v0 =	vld [tilespmem:$0x1FB00];
	_ =	sdelay $0x7  }
0x1bc: {  	v0 =	vld.idx.msk [tilespmem:v0+s13+$0x0], $0xffff;
	_ =	sdelay $0x1  }
0x1bd: {  	v1 =	vor.u32 $0x17, v2;
	_ =	sdelay $0x2  }
0x1be: {  	v0 =	vmul.f32 v0, v63;
	_ =	sdelay $0x1  }
0x1bf: {  	[tilespmem:v1+s16+$0x0] =	vst.idx.msk $0xffff, v0;
	v0 =	vld [tilespmem:$0x1FB10];
	_ =	sdelay $0x7  }
0x1c0: {  	v0 =	vld.idx.msk [tilespmem:v0+s13+$0x0], $0xffff;
	_ =	sdelay $0x1  }
0x1c1: {  	v1 =	vor.u32 $0x18, v2;
	_ =	sdelay $0x2  }
0x1c2: {  	v0 =	vmul.f32 v0, v63;
	_ =	sdelay $0x1  }
0x1c3: {  	[tilespmem:v1+s16+$0x0] =	vst.idx.msk $0xffff, v0;
	v0 =	vld [tilespmem:$0x1FB20];
	_ =	sdelay $0x7  }
0x1c4: {  	v0 =	vld.idx.msk [tilespmem:v0+s13+$0x0], $0xffff;
	_ =	sdelay $0x1  }
0x1c5: {  	v1 =	vor.u32 $0x19, v2;
	_ =	sdelay $0x2  }
0x1c6: {  	v0 =	vmul.f32 v0, v63;
	_ =	sdelay $0x1  }
0x1c7: {  	[tilespmem:v1+s16+$0x0] =	vst.idx.msk $0xffff, v0;
	v0 =	vld [tilespmem:$0x1FB30];
	_ =	sdelay $0x7  }
0x1c8: {  	v0 =	vld.idx.msk [tilespmem:v0+s13+$0x0], $0xffff;
	_ =	sdelay $0x1  }
0x1c9: {  	v1 =	vor.u32 $0x1A, v2;
	_ =	sdelay $0x2  }
0x1ca: {  	v0 =	vmul.f32 v0, v63;
	_ =	sdelay $0x1  }
0x1cb: {  	[tilespmem:v1+s16+$0x0] =	vst.idx.msk $0xffff, v0;
	v0 =	vld [tilespmem:$0x1FB40];
	_ =	sdelay $0x7  }
0x1cc: {  	v0 =	vld.idx.msk [tilespmem:v0+s13+$0x0], $0xffff;
	_ =	sdelay $0x1  }
0x1cd: {  	v1 =	vor.u32 $0x1B, v2;
	_ =	sdelay $0x2  }
0x1ce: {  	v0 =	vmul.f32 v0, v63;
	_ =	sdelay $0x1  }
0x1cf: {  	[tilespmem:v1+s16+$0x0] =	vst.idx.msk $0xffff, v0;
	v0 =	vld [tilespmem:$0x1FB50];
	_ =	sdelay $0x7  }
0x1d0: {  	v0 =	vld.idx.msk [tilespmem:v0+s13+$0x0], $0xffff;
	_ =	sdelay $0x1  }
0x1d1: {  	v1 =	vor.u32 $0x1C, v2;
	_ =	sdelay $0x2  }
0x1d2: {  	v0 =	vmul.f32 v0, v63;
	_ =	sdelay $0x1  }
0x1d3: {  	[tilespmem:v1+s16+$0x0] =	vst.idx.msk $0xffff, v0;
	v0 =	vld [tilespmem:$0x1FB60];
	_ =	sdelay $0x7  }
0x1d4: {  	v0 =	vld.idx.msk [tilespmem:v0+s13+$0x0], $0xffff;
	_ =	sdelay $0x1  }
0x1d5: {  	v1 =	vor.u32 $0x1D, v2;
	_ =	sdelay $0x2  }
0x1d6: {  	v0 =	vmul.f32 v0, v63;
	_ =	sdelay $0x1  }
0x1d7: {  	[tilespmem:v1+s16+$0x0] =	vst.idx.msk $0xffff, v0;
	v0 =	vld [tilespmem:$0x1FB70];
	_ =	sdelay $0x7  }
0x1d8: {  	v0 =	vld.idx.msk [tilespmem:v0+s13+$0x0], $0xffff;
	_ =	sdelay $0x1  }
0x1d9: {  	v1 =	vor.u32 $0x1E, v2;
	_ =	sdelay $0x2  }
0x1da: {  	v0 =	vmul.f32 v0, v63;
	_ =	sdelay $0x1  }
0x1db: {  	[tilespmem:v1+s16+$0x0] =	vst.idx.msk $0xffff, v0;
	v0 =	vld [tilespmem:$0x1FB80];
	_ =	sdelay $0x7  }
0x1dc: {  	v0 =	vld.idx.msk [tilespmem:v0+s13+$0x0], $0xffff;
	_ =	sdelay $0x1  }
0x1dd: {  	v1 =	vor.u32 $0x1F, v2;
	_ =	sdelay $0x2  }
0x1de: {  	v0 =	vmul.f32 v0, v63;
	_ =	sdelay $0x1  }
0x1df: {  	[tilespmem:v1+s16+$0x0] =	vst.idx.msk $0xffff, v0;
	v0 =	vld [tilespmem:$0x1FB90];
	_ =	sdelay $0x7  }
0x1e0: {  	v0 =	vld.idx.msk [tilespmem:v0+s13+$0x0], $0xffff;
	_ =	sdelay $0x1  }
0x1e1: {  	v1 =	vor.u32 $0x20, v2;
	_ =	sdelay $0x2  }
0x1e2: {  	v0 =	vmul.f32 v0, v63;
	_ =	sdelay $0x1  }
0x1e3: {  	[tilespmem:v1+s16+$0x0] =	vst.idx.msk $0xffff, v0;
	v0 =	vld [tilespmem:$0x1FBA0];
	_ =	sdelay $0x7  }
0x1e4: {  	v0 =	vld.idx.msk [tilespmem:v0+s13+$0x0], $0xffff;
	_ =	sdelay $0x1  }
0x1e5: {  	v1 =	vor.u32 $0x21, v2;
	_ =	sdelay $0x2  }
0x1e6: {  	v0 =	vmul.f32 v0, v63;
	_ =	sdelay $0x1  }
0x1e7: {  	[tilespmem:v1+s16+$0x0] =	vst.idx.msk $0xffff, v0;
	v0 =	vld [tilespmem:$0x1FBB0];
	_ =	sdelay $0x7  }
0x1e8: {  	v0 =	vld.idx.msk [tilespmem:v0+s13+$0x0], $0xffff;
	_ =	sdelay $0x1  }
0x1e9: {  	v1 =	vor.u32 $0x22, v2;
	_ =	sdelay $0x2  }
0x1ea: {  	v0 =	vmul.f32 v0, v63;
	_ =	sdelay $0x1  }
0x1eb: {  	[tilespmem:v1+s16+$0x0] =	vst.idx.msk $0xffff, v0;
	v0 =	vld [tilespmem:$0x1FBC0];
	_ =	sdelay $0x7  }
0x1ec: {  	v0 =	vld.idx.msk [tilespmem:v0+s13+$0x0], $0xffff;
	_ =	sdelay $0x1  }
0x1ed: {  	v1 =	vor.u32 $0x23, v2;
	_ =	sdelay $0x2  }
0x1ee: {  	v0 =	vmul.f32 v0, v63;
	_ =	sdelay $0x1  }
0x1ef: {  	[tilespmem:v1+s16+$0x0] =	vst.idx.msk $0xffff, v0;
	v0 =	vld [tilespmem:$0x1FBD0];
	_ =	sdelay $0x7  }
0x1f0: {  	v0 =	vld.idx.msk [tilespmem:v0+s13+$0x0], $0xffff;
	_ =	sdelay $0x1  }
0x1f1: {  	v1 =	vor.u32 $0x24, v2;
	_ =	sdelay $0x2  }
0x1f2: {  	v0 =	vmul.f32 v0, v63;
	_ =	sdelay $0x1  }
0x1f3: {  	[tilespmem:v1+s16+$0x0] =	vst.idx.msk $0xffff, v0;
	v0 =	vld [tilespmem:$0x1FBE0];
	_ =	sdelay $0x7  }
0x1f4: {  	v0 =	vld.idx.msk [tilespmem:v0+s13+$0x0], $0xffff;
	_ =	sdelay $0x1  }
0x1f5: {  	v1 =	vor.u32 $0x25, v2;
	_ =	sdelay $0x2  }
0x1f6: {  	v0 =	vmul.f32 v0, v63;
	_ =	sdelay $0x1  }
0x1f7: {  	[tilespmem:v1+s16+$0x0] =	vst.idx.msk $0xffff, v0;
	v0 =	vld [tilespmem:$0x1FBF0];
	_ =	sdelay $0x7  }
0x1f8: {  	v0 =	vld.idx.msk [tilespmem:v0+s13+$0x0], $0xffff;
	_ =	sdelay $0x1  }
0x1f9: {  	v1 =	vor.u32 $0x26, v2;
	_ =	sdelay $0x2  }
0x1fa: {  	v0 =	vmul.f32 v0, v63;
	_ =	sdelay $0x1  }
0x1fb: {  	[tilespmem:v1+s16+$0x0] =	vst.idx.msk $0xffff, v0;
	v0 =	vld [tilespmem:$0x1FC00];
	_ =	sdelay $0x7  }
0x1fc: {  	v0 =	vld.idx.msk [tilespmem:v0+s13+$0x0], $0xffff;
	_ =	sdelay $0x1  }
0x1fd: {  	v1 =	vor.u32 $0x27, v2;
	_ =	sdelay $0x2  }
0x1fe: {  	v0 =	vmul.f32 v0, v63;
	_ =	sdelay $0x1  }
0x1ff: {  	[tilespmem:v1+s16+$0x0] =	vst.idx.msk $0xffff, v0;
	v0 =	vld [tilespmem:$0x1FC10];
	_ =	sdelay $0x7  }
0x200: {  	v0 =	vld.idx.msk [tilespmem:v0+s13+$0x0], $0xffff;
	_ =	sdelay $0x1  }
0x201: {  	v1 =	vor.u32 $0x28, v2;
	_ =	sdelay $0x2  }
0x202: {  	v0 =	vmul.f32 v0, v63;
	_ =	sdelay $0x1  }
0x203: {  	[tilespmem:v1+s16+$0x0] =	vst.idx.msk $0xffff, v0;
	v0 =	vld [tilespmem:$0x1FC20];
	_ =	sdelay $0x7  }
0x204: {  	v0 =	vld.idx.msk [tilespmem:v0+s13+$0x0], $0xffff;
	_ =	sdelay $0x1  }
0x205: {  	v1 =	vor.u32 $0x29, v2;
	_ =	sdelay $0x2  }
0x206: {  	v0 =	vmul.f32 v0, v63;
	_ =	sdelay $0x1  }
0x207: {  	[tilespmem:v1+s16+$0x0] =	vst.idx.msk $0xffff, v0;
	v0 =	vld [tilespmem:$0x1FC30];
	_ =	sdelay $0x7  }
0x208: {  	v0 =	vld.idx.msk [tilespmem:v0+s13+$0x0], $0xffff;
	_ =	sdelay $0x1  }
0x209: {  	v1 =	vor.u32 $0x2A, v2;
	_ =	sdelay $0x2  }
0x20a: {  	v0 =	vmul.f32 v0, v63;
	_ =	sdelay $0x1  }
0x20b: {  	[tilespmem:v1+s16+$0x0] =	vst.idx.msk $0xffff, v0;
	v0 =	vld [tilespmem:$0x1FC40];
	_ =	sdelay $0x7  }
0x20c: {  	v0 =	vld.idx.msk [tilespmem:v0+s13+$0x0], $0xffff;
	_ =	sdelay $0x1  }
0x20d: {  	v1 =	vor.u32 $0x2B, v2;
	_ =	sdelay $0x2  }
0x20e: {  	v0 =	vmul.f32 v0, v63;
	_ =	sdelay $0x1  }
0x20f: {  	[tilespmem:v1+s16+$0x0] =	vst.idx.msk $0xffff, v0;
	v0 =	vld [tilespmem:$0x1FC50];
	_ =	sdelay $0x7  }
0x210: {  	v0 =	vld.idx.msk [tilespmem:v0+s13+$0x0], $0xffff;
	_ =	sdelay $0x1  }
0x211: {  	v1 =	vor.u32 $0x2C, v2;
	_ =	sdelay $0x2  }
0x212: {  	v0 =	vmul.f32 v0, v63;
	_ =	sdelay $0x1  }
0x213: {  	[tilespmem:v1+s16+$0x0] =	vst.idx.msk $0xffff, v0;
	v0 =	vld [tilespmem:$0x1FC60];
	_ =	sdelay $0x7  }
0x214: {  	v0 =	vld.idx.msk [tilespmem:v0+s13+$0x0], $0xffff;
	_ =	sdelay $0x1  }
0x215: {  	v1 =	vor.u32 $0x2D, v2;
	_ =	sdelay $0x2  }
0x216: {  	v0 =	vmul.f32 v0, v63;
	_ =	sdelay $0x1  }
0x217: {  	[tilespmem:v1+s16+$0x0] =	vst.idx.msk $0xffff, v0;
	v0 =	vld [tilespmem:$0x1FC70];
	_ =	sdelay $0x7  }
0x218: {  	v0 =	vld.idx.msk [tilespmem:v0+s13+$0x0], $0xffff;
	_ =	sdelay $0x1  }
0x219: {  	v1 =	vor.u32 $0x2E, v2;
	_ =	sdelay $0x2  }
0x21a: {  	v0 =	vmul.f32 v0, v63;
	_ =	sdelay $0x1  }
0x21b: {  	[tilespmem:v1+s16+$0x0] =	vst.idx.msk $0xffff, v0;
	v0 =	vld [tilespmem:$0x1FC80];
	_ =	sdelay $0x7  }
0x21c: {  	v0 =	vld.idx.msk [tilespmem:v0+s13+$0x0], $0xffff;
	_ =	sdelay $0x1  }
0x21d: {  	v1 =	vor.u32 $0x2F, v2;
	_ =	sdelay $0x2  }
0x21e: {  	v0 =	vmul.f32 v0, v63;
	_ =	sdelay $0x1  }
0x21f: {  	[tilespmem:v1+s16+$0x0] =	vst.idx.msk $0xffff, v0;
	v0 =	vld [tilespmem:$0x1FC90];
	_ =	sdelay $0x7  }
0x220: {  	v0 =	vld.idx.msk [tilespmem:v0+s13+$0x0], $0xffff;
	_ =	sdelay $0x1  }
0x221: {  	v1 =	vor.u32 $0x30, v2;
	_ =	sdelay $0x2  }
0x222: {  	v0 =	vmul.f32 v0, v63;
	_ =	sdelay $0x1  }
0x223: {  	[tilespmem:v1+s16+$0x0] =	vst.idx.msk $0xffff, v0;
	v0 =	vld [tilespmem:$0x1FCA0];
	_ =	sdelay $0x7  }
0x224: {  	v0 =	vld.idx.msk [tilespmem:v0+s13+$0x0], $0xffff;
	_ =	sdelay $0x1  }
0x225: {  	v1 =	vor.u32 $0x31, v2;
	_ =	sdelay $0x2  }
0x226: {  	v0 =	vmul.f32 v0, v63;
	_ =	sdelay $0x1  }
0x227: {  	[tilespmem:v1+s16+$0x0] =	vst.idx.msk $0xffff, v0;
	v0 =	vld [tilespmem:$0x1FCB0];
	_ =	sdelay $0x7  }
0x228: {  	v0 =	vld.idx.msk [tilespmem:v0+s13+$0x0], $0xffff;
	_ =	sdelay $0x1  }
0x229: {  	v1 =	vor.u32 $0x32, v2;
	_ =	sdelay $0x2  }
0x22a: {  	v0 =	vmul.f32 v0, v63;
	_ =	sdelay $0x1  }
0x22b: {  	[tilespmem:v1+s16+$0x0] =	vst.idx.msk $0xffff, v0;
	v0 =	vld [tilespmem:$0x1FCC0];
	_ =	sdelay $0x7  }
0x22c: {  	v0 =	vld.idx.msk [tilespmem:v0+s13+$0x0], $0xffff;
	_ =	sdelay $0x1  }
0x22d: {  	v1 =	vor.u32 $0x33, v2;
	_ =	sdelay $0x2  }
0x22e: {  	v0 =	vmul.f32 v0, v63;
	_ =	sdelay $0x1  }
0x22f: {  	[tilespmem:v1+s16+$0x0] =	vst.idx.msk $0xffff, v0;
	v0 =	vld [tilespmem:$0x1FCD0];
	_ =	sdelay $0x7  }
0x230: {  	v0 =	vld.idx.msk [tilespmem:v0+s13+$0x0], $0xffff;
	_ =	sdelay $0x1  }
0x231: {  	v1 =	vor.u32 $0x34, v2;
	_ =	sdelay $0x2  }
0x232: {  	v0 =	vmul.f32 v0, v63;
	_ =	sdelay $0x1  }
0x233: {  	[tilespmem:v1+s16+$0x0] =	vst.idx.msk $0xffff, v0;
	v0 =	vld [tilespmem:$0x1FCE0];
	_ =	sdelay $0x7  }
0x234: {  	v0 =	vld.idx.msk [tilespmem:v0+s13+$0x0], $0xffff;
	_ =	sdelay $0x1  }
0x235: {  	v1 =	vor.u32 $0x35, v2;
	_ =	sdelay $0x2  }
0x236: {  	v0 =	vmul.f32 v0, v63;
	_ =	sdelay $0x1  }
0x237: {  	[tilespmem:v1+s16+$0x0] =	vst.idx.msk $0xffff, v0;
	v0 =	vld [tilespmem:$0x1FCF0];
	_ =	sdelay $0x7  }
0x238: {  	v0 =	vld.idx.msk [tilespmem:v0+s13+$0x0], $0xffff;
	_ =	sdelay $0x1  }
0x239: {  	v1 =	vor.u32 $0x36, v2;
	_ =	sdelay $0x2  }
0x23a: {  	v0 =	vmul.f32 v0, v63;
	_ =	sdelay $0x1  }
0x23b: {  	[tilespmem:v1+s16+$0x0] =	vst.idx.msk $0xffff, v0;
	v0 =	vld [tilespmem:$0x1FD00];
	_ =	sdelay $0x7  }
0x23c: {  	v0 =	vld.idx.msk [tilespmem:v0+s13+$0x0], $0xffff;
	_ =	sdelay $0x1  }
0x23d: {  	v1 =	vor.u32 $0x37, v2;
	_ =	sdelay $0x2  }
0x23e: {  	v0 =	vmul.f32 v0, v63;
	_ =	sdelay $0x1  }
0x23f: {  	[tilespmem:v1+s16+$0x0] =	vst.idx.msk $0xffff, v0;
	v0 =	vld [tilespmem:$0x1FD10];
	_ =	sdelay $0x7  }
0x240: {  	v0 =	vld.idx.msk [tilespmem:v0+s13+$0x0], $0xffff;
	_ =	sdelay $0x1  }
0x241: {  	v1 =	vor.u32 $0x38, v2;
	_ =	sdelay $0x2  }
0x242: {  	v0 =	vmul.f32 v0, v63;
	_ =	sdelay $0x1  }
0x243: {  	[tilespmem:v1+s16+$0x0] =	vst.idx.msk $0xffff, v0;
	v0 =	vld [tilespmem:$0x1FD20];
	_ =	sdelay $0x7  }
0x244: {  	v0 =	vld.idx.msk [tilespmem:v0+s13+$0x0], $0xffff;
	_ =	sdelay $0x1  }
0x245: {  	v1 =	vor.u32 $0x39, v2;
	_ =	sdelay $0x2  }
0x246: {  	v0 =	vmul.f32 v0, v63;
	_ =	sdelay $0x1  }
0x247: {  	[tilespmem:v1+s16+$0x0] =	vst.idx.msk $0xffff, v0;
	v0 =	vld [tilespmem:$0x1FD30];
	_ =	sdelay $0x7  }
0x248: {  	v0 =	vld.idx.msk [tilespmem:v0+s13+$0x0], $0xffff;
	_ =	sdelay $0x1  }
0x249: {  	v1 =	vor.u32 $0x3A, v2;
	_ =	sdelay $0x2  }
0x24a: {  	v0 =	vmul.f32 v0, v63;
	_ =	sdelay $0x1  }
0x24b: {  	[tilespmem:v1+s16+$0x0] =	vst.idx.msk $0xffff, v0;
	v0 =	vld [tilespmem:$0x1FD40];
	_ =	sdelay $0x7  }
0x24c: {  	v0 =	vld.idx.msk [tilespmem:v0+s13+$0x0], $0xffff;
	_ =	sdelay $0x1  }
0x24d: {  	v1 =	vor.u32 $0x3B, v2;
	_ =	sdelay $0x2  }
0x24e: {  	v0 =	vmul.f32 v0, v63;
	_ =	sdelay $0x1  }
0x24f: {  	[tilespmem:v1+s16+$0x0] =	vst.idx.msk $0xffff, v0;
	v0 =	vld [tilespmem:$0x1FD50];
	_ =	sdelay $0x7  }
0x250: {  	v0 =	vld.idx.msk [tilespmem:v0+s13+$0x0], $0xffff;
	_ =	sdelay $0x1  }
0x251: {  	v1 =	vor.u32 $0x3C, v2;
	_ =	sdelay $0x2  }
0x252: {  	v0 =	vmul.f32 v0, v63;
	_ =	sdelay $0x1  }
0x253: {  	[tilespmem:v1+s16+$0x0] =	vst.idx.msk $0xffff, v0;
	v0 =	vld [tilespmem:$0x1FD60];
	_ =	sdelay $0x7  }
0x254: {  	v0 =	vld.idx.msk [tilespmem:v0+s13+$0x0], $0xffff;
	_ =	sdelay $0x1  }
0x255: {  	v1 =	vor.u32 $0x3D, v2;
	_ =	sdelay $0x2  }
0x256: {  	v0 =	vmul.f32 v0, v63;
	_ =	sdelay $0x1  }
0x257: {  	[tilespmem:v1+s16+$0x0] =	vst.idx.msk $0xffff, v0;
	v0 =	vld [tilespmem:$0x1FD70];
	_ =	sdelay $0x7  }
0x258: {  	v0 =	vld.idx.msk [tilespmem:v0+s13+$0x0], $0xffff;
	_ =	sdelay $0x1  }
0x259: {  	v1 =	vor.u32 $0x3E, v2;
	_ =	sdelay $0x1  }
0x25a: {  	v13 =	vld [tilespmem:$0x1FF20]  }
0x25b: {  	[tilespmem:$0x1FD80] =	vst v28;
	v28 =	vld [tilespmem:$0x1FF70];
	v0 =	vmul.f32 v0, v63  }
0x25c: {  	v29 =	vld [tilespmem:$0x1FFF0]  }
0x25d: {  	[tilespmem:v1+s16+$0x0] =	vst.idx.msk $0xffff, v0;
	v0 =	vld [tilespmem:$0x1FD80]  }
0x25e: {  	v15 =	vld [tilespmem:$0x1FF90]  }
0x25f: {  	v9 =	vld [tilespmem:$0x1FF40]  }
0x260: {  	v7 =	vld [tilespmem:$0x1FF10]  }
0x261: {  	v10 =	vld [tilespmem:$0x1FF30]  }
0x262: {  	v22 =	vld [tilespmem:$0x1FF50]  }
0x263: {  	v25 =	vld [tilespmem:$0x1FF60]  }
0x264: {  	v33 =	vld [tilespmem:$0x1FFC0]  }
0x265: {  	v0 =	vld.idx.msk [tilespmem:v0+s13+$0x0], $0xffff  }
0x266: {  	v34 =	vld [tilespmem:$0x1FF80]  }
0x267: {  	v36 =	vld [tilespmem:$0x1FFA0];
	v1 =	vor.u32 $0x3F, v2  }
0x268: {  	v38 =	vld [tilespmem:$0x1FFB0]  }
0x269: {  	v42 =	vld [tilespmem:$0x1FFD0]  }
0x26a: {  	v43 =	vld [tilespmem:$0x1FFE0];
	v0 =	vmul.f32 v0, v63  }
0x26b: {  	p0 =	sne.s32 s18, $0x7C0;
	v6 =	vld [tilespmem:$0x1FF00]  }
.Ltmp1:
0x26c: {  	v4 =	vld [tilespmem:$0x1FEE0];
	[tilespmem:v1+s16+$0x0] =	vst.idx.msk $0xffff, v0;
	(pc) =	sbr.rel @p0 .LBB2_4-.Ltmp1, $4  }
0x26d: {  	v5 =	vld [tilespmem:$0x1FEF0];
	[hbm4b:s19+s2] =	stream.linear.scatter [tilespmem:s16], [sflag:$0x3], $0x400, $0x38  }
0x26e: {  	v3 =	vld [tilespmem:$0x1FED0];
	_ =	swait.ge [sflag:s8], $0x400  }
0x26f: {  	[sflag:s8] =	ssyncset.done $0x0  }
0x270: {  	s18 =	sadd.s32 $0x40, s18;
	s19 =	sadd.s32 $0x80, s19;
	[sflag:s8] =	ssyncadd.s32 $0xFFFFFC00  }
0x271: {  	s17 =	sadd.s32 $0x1, s17  }
0x272: {  	p0 =	sne.s32 s17, s6  }
.Ltmp2:
0x273: {  	_ = 	snop;
	(pc) =	sbr.rel @p0 .LBB2_1-.Ltmp2, $1  }
0x274: {  	_ =	sdelay $0x3  }
0x275: {  	_ =	sfence.sel $0x180000  }
0x276: {  	[bflag:$0x0] =	sbarrier.arrive $0xFFFF  }
0x277: {  	p0 =	sne.s32 s3, $0x0;
	_ =	strace $0x90000047  }
0x278: {  	s0 =	sadd.s32 @!p0 $0x100000, s0;
	[bflag:$0x2] =	sbarrier.arrive $0xFFFF  }
0x279: {  	[sflag:s0] =	ssyncadd.tile.s32 @!p0 $0x1;
	_ =	shalt  }
.Lfunc_end2:
_tile_overlayer_lowered:
.L_overlay_start_2:
0x27a: {  	(tag) =	ssettag $0x2  }
0x27b: {  	s0 =	rddreg [dreg:$0x0];
	s2 =	stileid.u32  }
0x27c: {  	s1 =	rddreg [dreg:$0x1];
	p0 =	sne.s32 s2, $0x0  }
0x27d: {  	s3 =	rddreg [dreg:$0x2];
	[bflag:$0x3] =	sbarrier.arrive $0xFFFF;
	s2 =	simm.s32 @!p0 $0x1C03  }
0x27e: {  	[timem:s3], [sflag:s2] =	dma.local @!p0 [hbm:s0], s1  }
0x27f: {  	s0 =	simm.s32 @!p0 $0x3  }
0x280: {  	_ =	swait.ge @!p0 [sflag:s0], s1  }
0x281: {  	s1 =	ssub.s32 @!p0 $0x0, s1;
	[sflag:s0] =	ssyncset.done @!p0 $0x0  }
0x282: {  	[sflag:s0] =	ssyncadd.s32 @!p0 s1  }
0x283: {  	[bflag:$0x3] =	sbarrier.arrive $0xFFFF  }
0x284: {  	_ =	shalt  }

</sc_bundles>
